<compile_context>
chip_gen: v7x
topology: tpu7x:2x2x1
jax: 0.10.2.dev20260603
libtpu: 0.0.44.dev20260713+nightly
codegen_flags: <defaults>
</compile_context>

<pallas_src>
import functools

import jax
import jax.numpy as jnp
from jax import lax
from jax.experimental import pallas as pl
from jax.experimental.pallas import tpu as pltpu
from jax.experimental.pallas import tpu_sc as plsc

N, D, E, T, B, K = 100000, 64, 32, 8, 1024, 16
NB = 1024
NBLK = (N + NB - 1) // NB
NPAD = NBLK * NB
NSUB = NB // 128
NEG = -3e38
BIG = 2 ** 30

def _mmT(a, w):
    return lax.dot_general(a, w, (((1,), (1,)), ((), ())),
                           preferred_element_type=jnp.float32)



def _stage_a_body(x_ref, mem_ref, w1_ref, b1_ref, w2_ref, b2_ref, sw_ref,
                  tdiv_ref, qemb_out, vals_out, idx_out,
                  qw_s, q2_s, acts_s, rv_s, ri_s, tau_s):
    i = pl.program_id(0)

    @pl.when(i == 0)
    def _init():
        h = jnp.maximum(_mmT(x_ref[...], w1_ref[...]) + b1_ref[...], 0.0)
        qe = _mmT(h, w2_ref[...]) + b2_ref[...]
        qemb_out[...] = qe
        qw = qe * sw_ref[...]
        qw_s[...] = qw
        q2_s[...] = _mmT(jnp.ones((1, E), jnp.float32), qw * qw)
        rv_s[...] = jnp.full((K, B), NEG, jnp.float32)
        ri_s[...] = jnp.zeros((K, B), jnp.int32)
        tau_s[...] = jnp.full((1, B), NEG, jnp.float32)

    m = mem_ref[...]
    h = jnp.maximum(_mmT(m, w1_ref[...]) + b1_ref[...], 0.0)
    me = _mmT(h, w2_ref[...]) + b2_ref[...]
    mw = me * sw_ref[...]

    qp = _mmT(mw, qw_s[...])
    m2 = jnp.sum(mw * mw, axis=1, keepdims=True)
    d2 = (q2_s[...] + m2) - 2.0 * qp
    d2 = jnp.maximum(d2, 0.0)
    acts = jnp.exp(-d2 / tdiv_ref[...])

    @pl.when(i < NBLK - 1)
    def _store_full():
        acts_s[...] = acts

    @pl.when(i == NBLK - 1)
    def _store_masked():
        row1 = lax.broadcasted_iota(jnp.int32, (NB, 1), 0)
        acts_s[...] = jnp.where(i * NB + row1 < N, acts, NEG)

    tau = tau_s[...]
    cnt = jnp.sum(jnp.where(acts > tau, 1, 0), axis=0, keepdims=True)
    need = jnp.minimum(jnp.max(cnt), K)

    riota = lax.broadcasted_iota(jnp.int32, (128, B), 0)
    kiota = lax.broadcasted_iota(jnp.int32, (K, B), 0)

    @pl.when(need > 0)
    def _extract_and_merge():
      def kbody(k, carry):
        prev_idx, bv, bi = carry

        mv = jnp.full((1, B), NEG, jnp.float32)
        idx = jnp.full((1, B), BIG, jnp.int32)
        for j in range(NSUB):
            sub = acts_s[pl.ds(j * 128, 128), :]
            sub = jnp.where((riota + j * 128) == prev_idx, NEG, sub)
            acts_s[pl.ds(j * 128, 128), :] = sub
            lmax = jnp.max(sub, axis=0, keepdims=True)
            lidx = jnp.min(jnp.where(sub == lmax, riota + j * 128, BIG),
                           axis=0, keepdims=True)
            upd = lmax > mv
            mv = jnp.where(upd, lmax, mv)
            idx = jnp.where(upd, lidx, idx)
        bv = jnp.where(kiota == k, mv, bv)
        bi = jnp.where(kiota == k, idx, bi)
        return idx, bv, bi

      _, blk_v, blk_i = lax.fori_loop(
          0, need, kbody,
          (jnp.full((1, B), -1, jnp.int32),
           jnp.full((K, B), NEG, jnp.float32),
           jnp.zeros((K, B), jnp.int32)))

      rv = rv_s[...]
      ri = ri_s[...]
      bi_g = blk_i + i * NB
      rank_r = kiota
      rank_b = kiota
      for s in range(K):
          rank_r = rank_r + jnp.where(blk_v[s:s + 1, :] > rv, 1, 0)
          rank_b = rank_b + jnp.where(rv[s:s + 1, :] >= blk_v, 1, 0)
      nv = jnp.full((K, B), NEG, jnp.float32)
      ni = jnp.zeros((K, B), jnp.int32)
      for s in range(K):
          mr = kiota == rank_r[s:s + 1, :]
          nv = jnp.where(mr, rv[s:s + 1, :], nv)
          ni = jnp.where(mr, ri[s:s + 1, :], ni)
          mb = kiota == rank_b[s:s + 1, :]
          nv = jnp.where(mb, blk_v[s:s + 1, :], nv)
          ni = jnp.where(mb, bi_g[s:s + 1, :], ni)
      rv_s[...] = nv
      ri_s[...] = ni
      tau_s[...] = nv[K - 1:K, :]

    @pl.when(i == NBLK - 1)
    def _fin():
        vals_out[...] = rv_s[...]
        idx_out[...] = ri_s[...]


def _stage_a(x, mem_pad, w1, b1, w2, b2, sw, tdiv):
    return pl.pallas_call(
        _stage_a_body,
        grid=(NBLK,),
        in_specs=[
            pl.BlockSpec((B, D), lambda i: (0, 0)),
            pl.BlockSpec((NB, D), lambda i: (i, 0)),
            pl.BlockSpec((E, D), lambda i: (0, 0)),
            pl.BlockSpec((1, E), lambda i: (0, 0)),
            pl.BlockSpec((E, E), lambda i: (0, 0)),
            pl.BlockSpec((1, E), lambda i: (0, 0)),
            pl.BlockSpec((1, E), lambda i: (0, 0)),
            pl.BlockSpec((1, 1), lambda i: (0, 0)),
        ],
        out_specs=[
            pl.BlockSpec((B, E), lambda i: (0, 0)),
            pl.BlockSpec((K, B), lambda i: (0, 0)),
            pl.BlockSpec((K, B), lambda i: (0, 0)),
        ],
        out_shape=[
            jax.ShapeDtypeStruct((B, E), jnp.float32),
            jax.ShapeDtypeStruct((K, B), jnp.float32),
            jax.ShapeDtypeStruct((K, B), jnp.int32),
        ],
        scratch_shapes=[
            pltpu.VMEM((B, E), jnp.float32),
            pltpu.VMEM((1, B), jnp.float32),
            pltpu.VMEM((NB, B), jnp.float32),
            pltpu.VMEM((K, B), jnp.float32),
            pltpu.VMEM((K, B), jnp.int32),
            pltpu.VMEM((1, B), jnp.float32),
        ],
        compiler_params=pltpu.CompilerParams(
            dimension_semantics=("arbitrary",)),
    )(x, mem_pad, w1, b1, w2, b2, sw, tdiv)



_SC_CORES = 2
_SC_SUBCORES = 16
_NW = _SC_CORES * _SC_SUBCORES
_QPW = B // _NW


def _stage_b_body(vals_hbm, idx_hbm, tgt_hbm, out_hbm,
                  vals_v, idx_v, idx16, off_v, rows_v, w_v, acc_v, out_v,
                  sem):
    wid = lax.axis_index("s") * _SC_CORES + lax.axis_index("c")
    base = wid * (_QPW * K)
    pltpu.sync_copy(vals_hbm.at[pl.ds(base, _QPW * K)], vals_v)
    pltpu.sync_copy(idx_hbm.at[pl.ds(base, _QPW * K)], idx_v)
    lane = lax.iota(jnp.int32, 16)

    def body(q, carry):
        off = q * K
        v = vals_v[pl.ds(off, K)]
        e = jnp.exp(v)
        s = e
        for sh in (8, 4, 2, 1):
            w_v[...] = s
            s = s + plsc.load_gather(w_v, [(lane + sh) & 15])
        w = e / s
        w_v[...] = w
        idxv = idx_v[pl.ds(off, K)]
        idx16[...] = idxv >> 4
        off_v[...] = (idxv & 15) << 3
        pltpu.async_copy(tgt_hbm.at[idx16], rows_v, sem).wait()
        acc = jnp.zeros((16,), jnp.float32)
        for j in range(T):
            ridx = (lane >> 3) + 2 * j
            cidx = plsc.load_gather(off_v, [ridx]) + (lane & 7)
            g = plsc.load_gather(rows_v, [ridx, cidx])
            wj = plsc.load_gather(w_v, [ridx])
            acc = acc + g * wj
        acc_v[...] = acc
        rot = plsc.load_gather(acc_v, [(lane + 8) & 15])
        out_v[pl.ds(off, K)] = acc + rot
        return carry

    lax.fori_loop(0, _QPW, body, 0)
    pltpu.sync_copy(out_v, out_hbm.at[pl.ds(base, _QPW * K)])


def _stage_b(vals_flat, idx_flat, memory_targets):
    mesh = plsc.VectorSubcoreMesh(core_axis_name="c", subcore_axis_name="s")
    kfn = functools.partial(
        pl.kernel,
        mesh=mesh,
        out_type=jax.ShapeDtypeStruct((B * K,), jnp.float32),
        scratch_types=[
            pltpu.VMEM((_QPW * K,), jnp.float32),
            pltpu.VMEM((_QPW * K,), jnp.int32),
            pltpu.VMEM((16,), jnp.int32),
            pltpu.VMEM((16,), jnp.int32),
            pltpu.VMEM((16, 128), jnp.float32),
            pltpu.VMEM((16,), jnp.float32),
            pltpu.VMEM((16,), jnp.float32),
            pltpu.VMEM((_QPW * K,), jnp.float32),
            pltpu.SemaphoreType.DMA,
        ],
        compiler_params=pltpu.CompilerParams(needs_layout_passes=False),
    )(_stage_b_body)
    return kfn(vals_flat, idx_flat, memory_targets)



def _stage_c_body(x_ref, qe_ref, lp_ref,
                  gw1_ref, gb1_ref, gw2_ref, gb2_ref, gw3_ref, gb3_ref,
                  rw1_ref, rb1_ref, rw2_ref, rb2_ref,
                  ga_ref, gb_ref, gab1_ref, gv2_ref, gvb2_ref,
                  fw1_ref, fb1_ref, fw2_ref, fb2_ref,
                  out_ref, g_ref, gp_ref):
    x = x_ref[...]
    h = jnp.maximum(_mmT(x, gw1_ref[...]) + gb1_ref[...], 0.0)
    h = jnp.maximum(_mmT(h, gw2_ref[...]) + gb2_ref[...], 0.0)
    grepr = _mmT(h, gw3_ref[...]) + gb3_ref[...]
    gh = jnp.maximum(_mmT(grepr, rw1_ref[...]) + rb1_ref[...], 0.0)
    global_pred = _mmT(gh, rw2_ref[...]) + rb2_ref[...]
    gg = jnp.maximum(_mmT(grepr, ga_ref[...]) + _mmT(qe_ref[...], gb_ref[...])
                     + gab1_ref[...], 0.0)
    z = jnp.sum(gg * gv2_ref[...], axis=1, keepdims=True) + gvb2_ref[...]
    g = 1.0 / (1.0 + jnp.exp(-z))
    blended = g * lp_ref[...] + (1.0 - g) * global_pred
    rh = jnp.maximum(_mmT(blended, fw1_ref[...]) + fb1_ref[...], 0.0)
    out_ref[...] = _mmT(rh, fw2_ref[...]) + fb2_ref[...]
    g_ref[...] = g
    gp_ref[...] = global_pred


def _stage_c(x, q_emb, local_pred, p):
    args = (
        x, q_emb, local_pred,
        p['ge_w1'], p['ge_b1'].reshape(1, -1),
        p['ge_w2'], p['ge_b2'].reshape(1, -1),
        p['ge_w3'], p['ge_b3'].reshape(1, -1),
        p['gr_w1'], p['gr_b1'].reshape(1, -1),
        p['gr_w2'], p['gr_b2'].reshape(1, -1),
        p['gate_w1'][:, :64], p['gate_w1'][:, 64:],
        p['gate_b1'].reshape(1, -1),
        p['gate_w2'], jnp.broadcast_to(p['gate_b2'].reshape(1, 1), (B, 1)),
        p['rf_w1'], p['rf_b1'].reshape(1, -1),
        p['rf_w2'], p['rf_b2'].reshape(1, -1),
    )
    return pl.pallas_call(
        _stage_c_body,
        out_shape=[
            jax.ShapeDtypeStruct((B, T), jnp.float32),
            jax.ShapeDtypeStruct((B, 1), jnp.float32),
            jax.ShapeDtypeStruct((B, T), jnp.float32),
        ],
    )(*args)



def kernel(x, memory_inputs, memory_targets, params):
    eps = 1e-09
    w = jax.nn.softplus(params['fw'])
    sw = jnp.sqrt(w + eps).reshape(1, E)
    temp = jax.nn.softplus(params['inv_temp']) + eps
    tdiv = (temp + eps).reshape(1, 1)

    mem_pad = jnp.pad(memory_inputs, ((0, NPAD - N), (0, 0)))

    q_emb, vals_t, idx_t = _stage_a(
        x, mem_pad, params['le_w1'], params['le_b1'].reshape(1, E),
        params['le_w2'], params['le_b2'].reshape(1, E), sw, tdiv)
    topk_vals = vals_t.T
    topk_idx = idx_t.T

    local16 = _stage_b(topk_vals.reshape(-1), topk_idx.reshape(-1),
                       memory_targets.reshape(N * T // 128, 128))
    local_pred = local16.reshape(B, K)[:, :T]

    out, g, global_pred = _stage_c(x, q_emb, local_pred, params)
    return (out, g[:, 0], local_pred, global_pred, topk_idx)

# --- scband reference (transcript-rebuilt; emitter-appended) ---
"""Pipeline reference for scband-nnk-nnregression-80659485819608 (READ-ONLY COPY).

The authoritative reference and input builder live on the scoring server;
editing this copy changes nothing except your own understanding.
"""

import jax, jax.numpy as jnp
import numpy as np

N, D, E, T, B, K = 100000, 64, 32, 8, 1024, 16

def _linear(x, W, b):
    return x @ W.T + b

def setup_inputs(seed: int = 0) -> dict:
    key = jax.random.key(seed)
    ks = jax.random.split(key, 32)
    def p(i, shape, scale=0.05):
        return jax.random.normal(ks[i], shape, dtype=jnp.float32) * scale
    x = jax.random.normal(ks[0], (B, D), dtype=jnp.float32)
    memory_inputs = jax.random.normal(ks[1], (N, D), dtype=jnp.float32)
    memory_targets = jax.random.normal(ks[2], (N, T), dtype=jnp.float32)
    params = {
        'le_w1': p(3, (E, D)), 'le_b1': jnp.zeros((E,), jnp.float32),
        'le_w2': p(4, (E, E)), 'le_b2': jnp.zeros((E,), jnp.float32),
        'fw': jnp.ones((E,), jnp.float32) * 0.1,
        'inv_temp': jnp.asarray(1.0, jnp.float32),
        'ge_w1': p(5, (128, D)), 'ge_b1': jnp.zeros((128,), jnp.float32),
        'ge_w2': p(6, (64, 128)), 'ge_b2': jnp.zeros((64,), jnp.float32),
        'ge_w3': p(7, (64, 64)), 'ge_b3': jnp.zeros((64,), jnp.float32),
        'gr_w1': p(8, (64, 64)), 'gr_b1': jnp.zeros((64,), jnp.float32),
        'gr_w2': p(9, (T, 64)), 'gr_b2': jnp.zeros((T,), jnp.float32),
        'gate_w1': p(10, (64, 64 + E)), 'gate_b1': jnp.zeros((64,), jnp.float32),
        'gate_w2': p(11, (1, 64)), 'gate_b2': jnp.zeros((1,), jnp.float32),
        'rf_w1': p(12, (32, T)), 'rf_b1': jnp.zeros((32,), jnp.float32),
        'rf_w2': p(13, (T, 32)), 'rf_b2': jnp.zeros((T,), jnp.float32),
    }
    return {'x': x, 'memory_inputs': memory_inputs, 'memory_targets': memory_targets, 'params': params}

def reference(x, memory_inputs, memory_targets, params):
    eps = 1e-09
    def local_enc(z):
        h = jax.nn.relu(_linear(z, params['le_w1'], params['le_b1']))
        return _linear(h, params['le_w2'], params['le_b2'])
    q_emb = local_enc(x)
    mem_emb = local_enc(memory_inputs)
    w = jax.nn.softplus(params['fw'])
    sw = jnp.sqrt(w + eps)
    qw = q_emb * sw[None, :]
    mw = mem_emb * sw[None, :]
    d2 = jnp.sum(qw * qw, axis=1)[:, None] + jnp.sum(mw * mw, axis=1)[None, :] - 2.0 * (qw @ mw.T)
    d2 = jnp.maximum(d2, 0.0)
    temp = jax.nn.softplus(params['inv_temp']) + eps
    raw_acts = jnp.exp(-d2 / (temp + eps))
    topk_vals, topk_idx = jax.lax.top_k(raw_acts, K)
    topk_weights = jax.nn.softmax(topk_vals, axis=1)
    neigh_targets = memory_targets[topk_idx]
    local_pred = jnp.sum(topk_weights[:, :, None] * neigh_targets, axis=1)
    h = jax.nn.relu(_linear(x, params['ge_w1'], params['ge_b1']))
    h = jax.nn.relu(_linear(h, params['ge_w2'], params['ge_b2']))
    global_repr = _linear(h, params['ge_w3'], params['ge_b3'])
    gh = jax.nn.relu(_linear(global_repr, params['gr_w1'], params['gr_b1']))
    global_pred = _linear(gh, params['gr_w2'], params['gr_b2'])
    gate_in = jnp.concatenate([global_repr, q_emb], axis=1)
    gg = jax.nn.relu(_linear(gate_in, params['gate_w1'], params['gate_b1']))
    g = jax.nn.sigmoid(_linear(gg, params['gate_w2'], params['gate_b2']))
    blended = g * local_pred + (1.0 - g) * global_pred
    rh = jax.nn.relu(_linear(blended, params['rf_w1'], params['rf_b1']))
    out = _linear(rh, params['rf_w2'], params['rf_b2'])
    return (out, g[:, 0], local_pred, global_pred, topk_idx)

if __name__ == "__main__":
    import jax
    _d = setup_inputs()
    print(jax.jit(kernel)(*tuple(_d.values())))

</pallas_src>

<mosaic_0001>
#map = affine_map<(d0, d1) -> (0)>
#map1 = affine_map<(d0, d1) -> (0, 0)>
module attributes {stable_mosaic.version = 14 : i64} {
  func.func @_stage_b_body(%arg0: i32, %arg1: i32, %arg2: memref<16384xf32, #tpu.memory_space<hbm>>, %arg3: memref<16384xi32, #tpu.memory_space<hbm>>, %arg4: memref<6250x128xf32, #tpu.memory_space<hbm>>, %arg5: memref<16384xf32, #tpu.memory_space<hbm>>, %arg6: memref<512xf32, #tpu.memory_space<vmem>>, %arg7: memref<512xi32, #tpu.memory_space<vmem>>, %arg8: memref<16xi32, #tpu.memory_space<vmem>>, %arg9: memref<16xi32, #tpu.memory_space<vmem>>, %arg10: memref<16x128xf32, #tpu.memory_space<vmem>>, %arg11: memref<16xf32, #tpu.memory_space<vmem>>, %arg12: memref<16xf32, #tpu.memory_space<vmem>>, %arg13: memref<512xf32, #tpu.memory_space<vmem>>, %arg14: memref<!tpu.dma_semaphore, #tpu.memory_space<semaphore_mem>>) attributes {dimension_semantics = [#tpu.dimension_semantics<core_parallel>, #tpu.dimension_semantics<subcore_parallel>], iteration_bounds = array<i64: 2, 16>, scalar_prefetch = 0 : i64, scratch_operands = 9 : i64, tpu.core_type = #tpu.core_type<sc_vector_subcore>, window_params = [{transform_indices = #map}, {transform_indices = #map}, {transform_indices = #map1}, {transform_indices = #map}]} {
    %mul3A = arith.constant 2 : i32
    %mul3A_0 = arith.muli %arg1, %mul3A : i32
    %add3A = arith.addi %mul3A_0, %arg0 : i32
    %mul3A_1 = arith.constant 512 : i32
    %mul3A_2 = arith.muli %add3A, %mul3A_1 : i32
    "tpu.region"() ({
      %run_scoped3A = tpu.sem_alloc : memref<!tpu.dma_semaphore, #tpu.memory_space<semaphore_mem>>
      %dma_start3A = tpu.memref_slice %arg2[%mul3A_2] : memref<16384xf32, #tpu.memory_space<hbm>> -> memref<512xf32, #tpu.memory_space<hbm>>
      %dma_start3A_8 = tpu.memref_slice %arg2[%mul3A_2] : memref<16384xf32, #tpu.memory_space<hbm>> -> memref<512xf32, #tpu.memory_space<hbm>>
      tpu.enqueue_dma source(%dma_start3A_8 : memref<512xf32, #tpu.memory_space<hbm>>) target(%arg6 : memref<512xf32, #tpu.memory_space<vmem>>) target_semaphore(%run_scoped3A : memref<!tpu.dma_semaphore, #tpu.memory_space<semaphore_mem>>)
      %dma_wait3A = tpu.memref_slice %arg2[%mul3A_2] : memref<16384xf32, #tpu.memory_space<hbm>> -> memref<512xf32, #tpu.memory_space<hbm>>
      %dma_wait3A_9 = tpu.memref_slice %arg2[%mul3A_2] : memref<16384xf32, #tpu.memory_space<hbm>> -> memref<512xf32, #tpu.memory_space<hbm>>
      tpu.wait_dma2 semaphore(%run_scoped3A : memref<!tpu.dma_semaphore, #tpu.memory_space<semaphore_mem>>) src(%dma_wait3A_9 : memref<512xf32, #tpu.memory_space<hbm>>) dst(%arg6 : memref<512xf32, #tpu.memory_space<vmem>>)
      tpu.yield
    }) : () -> ()
    "tpu.region"() ({
      %run_scoped3A = tpu.sem_alloc : memref<!tpu.dma_semaphore, #tpu.memory_space<semaphore_mem>>
      %dma_start3A = tpu.memref_slice %arg3[%mul3A_2] : memref<16384xi32, #tpu.memory_space<hbm>> -> memref<512xi32, #tpu.memory_space<hbm>>
      %dma_start3A_8 = tpu.memref_slice %arg3[%mul3A_2] : memref<16384xi32, #tpu.memory_space<hbm>> -> memref<512xi32, #tpu.memory_space<hbm>>
      tpu.enqueue_dma source(%dma_start3A_8 : memref<512xi32, #tpu.memory_space<hbm>>) target(%arg7 : memref<512xi32, #tpu.memory_space<vmem>>) target_semaphore(%run_scoped3A : memref<!tpu.dma_semaphore, #tpu.memory_space<semaphore_mem>>)
      %dma_wait3A = tpu.memref_slice %arg3[%mul3A_2] : memref<16384xi32, #tpu.memory_space<hbm>> -> memref<512xi32, #tpu.memory_space<hbm>>
      %dma_wait3A_9 = tpu.memref_slice %arg3[%mul3A_2] : memref<16384xi32, #tpu.memory_space<hbm>> -> memref<512xi32, #tpu.memory_space<hbm>>
      tpu.wait_dma2 semaphore(%run_scoped3A : memref<!tpu.dma_semaphore, #tpu.memory_space<semaphore_mem>>) src(%dma_wait3A_9 : memref<512xi32, #tpu.memory_space<hbm>>) dst(%arg7 : memref<512xi32, #tpu.memory_space<vmem>>)
      tpu.yield
    }) : () -> ()
    %iota3A = tpu.iota {dimensions = array<i32: 0>} : vector<16xi32>
    %scan3A = arith.constant 0 : i32
    %scan3A_3 = arith.constant 0 : i32
    %scan3A_4 = arith.constant 32 : i32
    %scan3A_5 = arith.addi %scan3A_3, %scan3A_4 : i32
    %scan3A_6 = arith.constant 1 : i32
    scf.for %scan3A_8 = %scan3A_3 to %scan3A_5 step %scan3A_6  : i32 {
      %mul3A_9 = arith.constant 16 : i32
      %mul3A_10 = arith.muli %scan3A_8, %mul3A_9 : i32
      %get3A = arith.index_cast %mul3A_10 : i32 to index
      %get3A_11 = tpu.vector_load %arg6[%get3A] {strides = array<i32>} : memref<512xf32, #tpu.memory_space<vmem>>, vector<16xf32>,
      %exp3A = math.exp %get3A_11 : vector<16xf32>
      %swap3A = arith.constant 0 : index
      %swap3A_12 = tpu.vector_load %arg11[%swap3A] {strides = array<i32>} : memref<16xf32, #tpu.memory_space<vmem>>, vector<16xf32>,
      tpu.vector_store %arg11[%swap3A], %exp3A {strides = array<i32>} : memref<16xf32, #tpu.memory_space<vmem>>, vector<16xf32>,
      %add3A_13 = arith.constant 8 : i32
      %add3A_14 = vector.broadcast %add3A_13 : i32 to vector<16xi32>
      %add3A_15 = arith.addi %iota3A, %add3A_14 : vector<16xi32>
      %and3A = arith.constant 15 : i32
      %and3A_16 = vector.broadcast %and3A : i32 to vector<16xi32>
      %and3A_17 = arith.andi %add3A_15, %and3A_16 : vector<16xi32>
      %gather3A = tpu.vector_load_idx %arg11[%and3A_17] : memref<16xf32, #tpu.memory_space<vmem>>[vector<16xi32>], vector<16xf32>,
      %add3A_18 = arith.addf %exp3A, %gather3A : vector<16xf32>
      %swap3A_19 = arith.constant 0 : index
      %swap3A_20 = tpu.vector_load %arg11[%swap3A_19] {strides = array<i32>} : memref<16xf32, #tpu.memory_space<vmem>>, vector<16xf32>,
      tpu.vector_store %arg11[%swap3A_19], %add3A_18 {strides = array<i32>} : memref<16xf32, #tpu.memory_space<vmem>>, vector<16xf32>,
      %add3A_21 = arith.constant 4 : i32
      %add3A_22 = vector.broadcast %add3A_21 : i32 to vector<16xi32>
      %add3A_23 = arith.addi %iota3A, %add3A_22 : vector<16xi32>
      %and3A_24 = arith.constant 15 : i32
      %and3A_25 = vector.broadcast %and3A_24 : i32 to vector<16xi32>
      %and3A_26 = arith.andi %add3A_23, %and3A_25 : vector<16xi32>
      %gather3A_27 = tpu.vector_load_idx %arg11[%and3A_26] : memref<16xf32, #tpu.memory_space<vmem>>[vector<16xi32>], vector<16xf32>,
      %add3A_28 = arith.addf %add3A_18, %gather3A_27 : vector<16xf32>
      %swap3A_29 = arith.constant 0 : index
      %swap3A_30 = tpu.vector_load %arg11[%swap3A_29] {strides = array<i32>} : memref<16xf32, #tpu.memory_space<vmem>>, vector<16xf32>,
      tpu.vector_store %arg11[%swap3A_29], %add3A_28 {strides = array<i32>} : memref<16xf32, #tpu.memory_space<vmem>>, vector<16xf32>,
      %add3A_31 = arith.constant 2 : i32
      %add3A_32 = vector.broadcast %add3A_31 : i32 to vector<16xi32>
      %add3A_33 = arith.addi %iota3A, %add3A_32 : vector<16xi32>
      %and3A_34 = arith.constant 15 : i32
      %and3A_35 = vector.broadcast %and3A_34 : i32 to vector<16xi32>
      %and3A_36 = arith.andi %add3A_33, %and3A_35 : vector<16xi32>
      %gather3A_37 = tpu.vector_load_idx %arg11[%and3A_36] : memref<16xf32, #tpu.memory_space<vmem>>[vector<16xi32>], vector<16xf32>,
      %add3A_38 = arith.addf %add3A_28, %gather3A_37 : vector<16xf32>
      %swap3A_39 = arith.constant 0 : index
      %swap3A_40 = tpu.vector_load %arg11[%swap3A_39] {strides = array<i32>} : memref<16xf32, #tpu.memory_space<vmem>>, vector<16xf32>,
      tpu.vector_store %arg11[%swap3A_39], %add3A_38 {strides = array<i32>} : memref<16xf32, #tpu.memory_space<vmem>>, vector<16xf32>,
      %add3A_41 = arith.constant 1 : i32
      %add3A_42 = vector.broadcast %add3A_41 : i32 to vector<16xi32>
      %add3A_43 = arith.addi %iota3A, %add3A_42 : vector<16xi32>
      %and3A_44 = arith.constant 15 : i32
      %and3A_45 = vector.broadcast %and3A_44 : i32 to vector<16xi32>
      %and3A_46 = arith.andi %add3A_43, %and3A_45 : vector<16xi32>
      %gather3A_47 = tpu.vector_load_idx %arg11[%and3A_46] : memref<16xf32, #tpu.memory_space<vmem>>[vector<16xi32>], vector<16xf32>,
      %add3A_48 = arith.addf %add3A_38, %gather3A_47 : vector<16xf32>
      %div3A = arith.divf %exp3A, %add3A_48 : vector<16xf32>
      %swap3A_49 = arith.constant 0 : index
      %swap3A_50 = tpu.vector_load %arg11[%swap3A_49] {strides = array<i32>} : memref<16xf32, #tpu.memory_space<vmem>>, vector<16xf32>,
      tpu.vector_store %arg11[%swap3A_49], %div3A {strides = array<i32>} : memref<16xf32, #tpu.memory_space<vmem>>, vector<16xf32>,
      %get3A_51 = arith.index_cast %mul3A_10 : i32 to index
      %get3A_52 = tpu.vector_load %arg7[%get3A_51] {strides = array<i32>} : memref<512xi32, #tpu.memory_space<vmem>>, vector<16xi32>,
      %shift_right_arithmetic3A = arith.constant 4 : i32
      %shift_right_arithmetic3A_53 = vector.broadcast %shift_right_arithmetic3A : i32 to vector<16xi32>
      %shift_right_arithmetic3A_54 = arith.shrsi %get3A_52, %shift_right_arithmetic3A_53 : vector<16xi32>
      %swap3A_55 = arith.constant 0 : index
      %swap3A_56 = tpu.vector_load %arg8[%swap3A_55] {strides = array<i32>} : memref<16xi32, #tpu.memory_space<vmem>>, vector<16xi32>,
      tpu.vector_store %arg8[%swap3A_55], %shift_right_arithmetic3A_54 {strides = array<i32>} : memref<16xi32, #tpu.memory_space<vmem>>, vector<16xi32>,
      %and3A_57 = arith.constant 15 : i32
      %and3A_58 = vector.broadcast %and3A_57 : i32 to vector<16xi32>
      %and3A_59 = arith.andi %get3A_52, %and3A_58 : vector<16xi32>
      %shift_left3A = arith.constant 3 : i32
      %shift_left3A_60 = vector.broadcast %shift_left3A : i32 to vector<16xi32>
      %shift_left3A_61 = arith.shli %and3A_59, %shift_left3A_60 : vector<16xi32>
      %swap3A_62 = arith.constant 0 : index
      %swap3A_63 = tpu.vector_load %arg9[%swap3A_62] {strides = array<i32>} : memref<16xi32, #tpu.memory_space<vmem>>, vector<16xi32>,
      tpu.vector_store %arg9[%swap3A_62], %shift_left3A_61 {strides = array<i32>} : memref<16xi32, #tpu.memory_space<vmem>>, vector<16xi32>,
      %dma_start3A = arith.constant 0 : i32
      %dma_start3A_64 = arith.constant 0 : i32
      %dma_start3A_65 = tpu.memref_slice %arg4[%dma_start3A, %dma_start3A_64] : memref<6250x128xf32, #tpu.memory_space<hbm>> -> memref<6250x128xf32, #tpu.memory_space<hbm>>
      tpu.enqueue_indirect_dma source(%dma_start3A_65 : memref<6250x128xf32, #tpu.memory_space<hbm>>) target(%arg10 : memref<16x128xf32, #tpu.memory_space<vmem>>) offsets(%arg8 : memref<16xi32, #tpu.memory_space<vmem>>) semaphore(%arg14 : memref<!tpu.dma_semaphore, #tpu.memory_space<semaphore_mem>>)
      %dma_wait3A = arith.constant 0 : i32
      %dma_wait3A_66 = arith.constant 0 : i32
      %dma_wait3A_67 = tpu.memref_slice %arg4[%dma_wait3A, %dma_wait3A_66] : memref<6250x128xf32, #tpu.memory_space<hbm>> -> memref<6250x128xf32, #tpu.memory_space<hbm>>
      tpu.wait_indirect_dma semaphore(%arg14 : memref<!tpu.dma_semaphore, #tpu.memory_space<semaphore_mem>>) src(%dma_wait3A_67 : memref<6250x128xf32, #tpu.memory_space<hbm>>) dst(%arg10 : memref<16x128xf32, #tpu.memory_space<vmem>>)
      %broadcast_in_dim3A = arith.constant 0.000000e+00 : f32
      %broadcast_in_dim3A_68 = vector.broadcast %broadcast_in_dim3A : f32 to vector<16xf32>
      %shift_right_arithmetic3A_69 = arith.constant 3 : i32
      %shift_right_arithmetic3A_70 = vector.broadcast %shift_right_arithmetic3A_69 : i32 to vector<16xi32>
      %shift_right_arithmetic3A_71 = arith.shrsi %iota3A, %shift_right_arithmetic3A_70 : vector<16xi32>
      %add3A_72 = arith.constant 0 : i32
      %add3A_73 = vector.broadcast %add3A_72 : i32 to vector<16xi32>
      %add3A_74 = arith.addi %shift_right_arithmetic3A_71, %add3A_73 : vector<16xi32>
      %gather3A_75 = tpu.vector_load_idx %arg9[%add3A_74] : memref<16xi32, #tpu.memory_space<vmem>>[vector<16xi32>], vector<16xi32>,
      %and3A_76 = arith.constant 7 : i32
      %and3A_77 = vector.broadcast %and3A_76 : i32 to vector<16xi32>
      %and3A_78 = arith.andi %iota3A, %and3A_77 : vector<16xi32>
      %add3A_79 = arith.addi %gather3A_75, %and3A_78 : vector<16xi32>
      %gather3A_80 = tpu.vector_load_idx %arg10[%add3A_74, %add3A_79] : memref<16x128xf32, #tpu.memory_space<vmem>>[vector<16xi32>, vector<16xi32>], vector<16xf32>,
      %gather3A_81 = tpu.vector_load_idx %arg11[%add3A_74] : memref<16xf32, #tpu.memory_space<vmem>>[vector<16xi32>], vector<16xf32>,
      %mul3A_82 = arith.mulf %gather3A_80, %gather3A_81 : vector<16xf32>
      %add3A_83 = arith.addf %broadcast_in_dim3A_68, %mul3A_82 : vector<16xf32>
      %shift_right_arithmetic3A_84 = arith.constant 3 : i32
      %shift_right_arithmetic3A_85 = vector.broadcast %shift_right_arithmetic3A_84 : i32 to vector<16xi32>
      %shift_right_arithmetic3A_86 = arith.shrsi %iota3A, %shift_right_arithmetic3A_85 : vector<16xi32>
      %add3A_87 = arith.constant 2 : i32
      %add3A_88 = vector.broadcast %add3A_87 : i32 to vector<16xi32>
      %add3A_89 = arith.addi %shift_right_arithmetic3A_86, %add3A_88 : vector<16xi32>
      %gather3A_90 = tpu.vector_load_idx %arg9[%add3A_89] : memref<16xi32, #tpu.memory_space<vmem>>[vector<16xi32>], vector<16xi32>,
      %and3A_91 = arith.constant 7 : i32
      %and3A_92 = vector.broadcast %and3A_91 : i32 to vector<16xi32>
      %and3A_93 = arith.andi %iota3A, %and3A_92 : vector<16xi32>
      %add3A_94 = arith.addi %gather3A_90, %and3A_93 : vector<16xi32>
      %gather3A_95 = tpu.vector_load_idx %arg10[%add3A_89, %add3A_94] : memref<16x128xf32, #tpu.memory_space<vmem>>[vector<16xi32>, vector<16xi32>], vector<16xf32>,
      %gather3A_96 = tpu.vector_load_idx %arg11[%add3A_89] : memref<16xf32, #tpu.memory_space<vmem>>[vector<16xi32>], vector<16xf32>,
      %mul3A_97 = arith.mulf %gather3A_95, %gather3A_96 : vector<16xf32>
      %add3A_98 = arith.addf %add3A_83, %mul3A_97 : vector<16xf32>
      %shift_right_arithmetic3A_99 = arith.constant 3 : i32
      %shift_right_arithmetic3A_100 = vector.broadcast %shift_right_arithmetic3A_99 : i32 to vector<16xi32>
      %shift_right_arithmetic3A_101 = arith.shrsi %iota3A, %shift_right_arithmetic3A_100 : vector<16xi32>
      %add3A_102 = arith.constant 4 : i32
      %add3A_103 = vector.broadcast %add3A_102 : i32 to vector<16xi32>
      %add3A_104 = arith.addi %shift_right_arithmetic3A_101, %add3A_103 : vector<16xi32>
      %gather3A_105 = tpu.vector_load_idx %arg9[%add3A_104] : memref<16xi32, #tpu.memory_space<vmem>>[vector<16xi32>], vector<16xi32>,
      %and3A_106 = arith.constant 7 : i32
      %and3A_107 = vector.broadcast %and3A_106 : i32 to vector<16xi32>
      %and3A_108 = arith.andi %iota3A, %and3A_107 : vector<16xi32>
      %add3A_109 = arith.addi %gather3A_105, %and3A_108 : vector<16xi32>
      %gather3A_110 = tpu.vector_load_idx %arg10[%add3A_104, %add3A_109] : memref<16x128xf32, #tpu.memory_space<vmem>>[vector<16xi32>, vector<16xi32>], vector<16xf32>,
      %gather3A_111 = tpu.vector_load_idx %arg11[%add3A_104] : memref<16xf32, #tpu.memory_space<vmem>>[vector<16xi32>], vector<16xf32>,
      %mul3A_112 = arith.mulf %gather3A_110, %gather3A_111 : vector<16xf32>
      %add3A_113 = arith.addf %add3A_98, %mul3A_112 : vector<16xf32>
      %shift_right_arithmetic3A_114 = arith.constant 3 : i32
      %shift_right_arithmetic3A_115 = vector.broadcast %shift_right_arithmetic3A_114 : i32 to vector<16xi32>
      %shift_right_arithmetic3A_116 = arith.shrsi %iota3A, %shift_right_arithmetic3A_115 : vector<16xi32>
      %add3A_117 = arith.constant 6 : i32
      %add3A_118 = vector.broadcast %add3A_117 : i32 to vector<16xi32>
      %add3A_119 = arith.addi %shift_right_arithmetic3A_116, %add3A_118 : vector<16xi32>
      %gather3A_120 = tpu.vector_load_idx %arg9[%add3A_119] : memref<16xi32, #tpu.memory_space<vmem>>[vector<16xi32>], vector<16xi32>,
      %and3A_121 = arith.constant 7 : i32
      %and3A_122 = vector.broadcast %and3A_121 : i32 to vector<16xi32>
      %and3A_123 = arith.andi %iota3A, %and3A_122 : vector<16xi32>
      %add3A_124 = arith.addi %gather3A_120, %and3A_123 : vector<16xi32>
      %gather3A_125 = tpu.vector_load_idx %arg10[%add3A_119, %add3A_124] : memref<16x128xf32, #tpu.memory_space<vmem>>[vector<16xi32>, vector<16xi32>], vector<16xf32>,
      %gather3A_126 = tpu.vector_load_idx %arg11[%add3A_119] : memref<16xf32, #tpu.memory_space<vmem>>[vector<16xi32>], vector<16xf32>,
      %mul3A_127 = arith.mulf %gather3A_125, %gather3A_126 : vector<16xf32>
      %add3A_128 = arith.addf %add3A_113, %mul3A_127 : vector<16xf32>
      %shift_right_arithmetic3A_129 = arith.constant 3 : i32
      %shift_right_arithmetic3A_130 = vector.broadcast %shift_right_arithmetic3A_129 : i32 to vector<16xi32>
      %shift_right_arithmetic3A_131 = arith.shrsi %iota3A, %shift_right_arithmetic3A_130 : vector<16xi32>
      %add3A_132 = arith.constant 8 : i32
      %add3A_133 = vector.broadcast %add3A_132 : i32 to vector<16xi32>
      %add3A_134 = arith.addi %shift_right_arithmetic3A_131, %add3A_133 : vector<16xi32>
      %gather3A_135 = tpu.vector_load_idx %arg9[%add3A_134] : memref<16xi32, #tpu.memory_space<vmem>>[vector<16xi32>], vector<16xi32>,
      %and3A_136 = arith.constant 7 : i32
      %and3A_137 = vector.broadcast %and3A_136 : i32 to vector<16xi32>
      %and3A_138 = arith.andi %iota3A, %and3A_137 : vector<16xi32>
      %add3A_139 = arith.addi %gather3A_135, %and3A_138 : vector<16xi32>
      %gather3A_140 = tpu.vector_load_idx %arg10[%add3A_134, %add3A_139] : memref<16x128xf32, #tpu.memory_space<vmem>>[vector<16xi32>, vector<16xi32>], vector<16xf32>,
      %gather3A_141 = tpu.vector_load_idx %arg11[%add3A_134] : memref<16xf32, #tpu.memory_space<vmem>>[vector<16xi32>], vector<16xf32>,
      %mul3A_142 = arith.mulf %gather3A_140, %gather3A_141 : vector<16xf32>
      %add3A_143 = arith.addf %add3A_128, %mul3A_142 : vector<16xf32>
      %shift_right_arithmetic3A_144 = arith.constant 3 : i32
      %shift_right_arithmetic3A_145 = vector.broadcast %shift_right_arithmetic3A_144 : i32 to vector<16xi32>
      %shift_right_arithmetic3A_146 = arith.shrsi %iota3A, %shift_right_arithmetic3A_145 : vector<16xi32>
      %add3A_147 = arith.constant 10 : i32
      %add3A_148 = vector.broadcast %add3A_147 : i32 to vector<16xi32>
      %add3A_149 = arith.addi %shift_right_arithmetic3A_146, %add3A_148 : vector<16xi32>
      %gather3A_150 = tpu.vector_load_idx %arg9[%add3A_149] : memref<16xi32, #tpu.memory_space<vmem>>[vector<16xi32>], vector<16xi32>,
      %and3A_151 = arith.constant 7 : i32
      %and3A_152 = vector.broadcast %and3A_151 : i32 to vector<16xi32>
      %and3A_153 = arith.andi %iota3A, %and3A_152 : vector<16xi32>
      %add3A_154 = arith.addi %gather3A_150, %and3A_153 : vector<16xi32>
      %gather3A_155 = tpu.vector_load_idx %arg10[%add3A_149, %add3A_154] : memref<16x128xf32, #tpu.memory_space<vmem>>[vector<16xi32>, vector<16xi32>], vector<16xf32>,
      %gather3A_156 = tpu.vector_load_idx %arg11[%add3A_149] : memref<16xf32, #tpu.memory_space<vmem>>[vector<16xi32>], vector<16xf32>,
      %mul3A_157 = arith.mulf %gather3A_155, %gather3A_156 : vector<16xf32>
      %add3A_158 = arith.addf %add3A_143, %mul3A_157 : vector<16xf32>
      %shift_right_arithmetic3A_159 = arith.constant 3 : i32
      %shift_right_arithmetic3A_160 = vector.broadcast %shift_right_arithmetic3A_159 : i32 to vector<16xi32>
      %shift_right_arithmetic3A_161 = arith.shrsi %iota3A, %shift_right_arithmetic3A_160 : vector<16xi32>
      %add3A_162 = arith.constant 12 : i32
      %add3A_163 = vector.broadcast %add3A_162 : i32 to vector<16xi32>
      %add3A_164 = arith.addi %shift_right_arithmetic3A_161, %add3A_163 : vector<16xi32>
      %gather3A_165 = tpu.vector_load_idx %arg9[%add3A_164] : memref<16xi32, #tpu.memory_space<vmem>>[vector<16xi32>], vector<16xi32>,
      %and3A_166 = arith.constant 7 : i32
      %and3A_167 = vector.broadcast %and3A_166 : i32 to vector<16xi32>
      %and3A_168 = arith.andi %iota3A, %and3A_167 : vector<16xi32>
      %add3A_169 = arith.addi %gather3A_165, %and3A_168 : vector<16xi32>
      %gather3A_170 = tpu.vector_load_idx %arg10[%add3A_164, %add3A_169] : memref<16x128xf32, #tpu.memory_space<vmem>>[vector<16xi32>, vector<16xi32>], vector<16xf32>,
      %gather3A_171 = tpu.vector_load_idx %arg11[%add3A_164] : memref<16xf32, #tpu.memory_space<vmem>>[vector<16xi32>], vector<16xf32>,
      %mul3A_172 = arith.mulf %gather3A_170, %gather3A_171 : vector<16xf32>
      %add3A_173 = arith.addf %add3A_158, %mul3A_172 : vector<16xf32>
      %shift_right_arithmetic3A_174 = arith.constant 3 : i32
      %shift_right_arithmetic3A_175 = vector.broadcast %shift_right_arithmetic3A_174 : i32 to vector<16xi32>
      %shift_right_arithmetic3A_176 = arith.shrsi %iota3A, %shift_right_arithmetic3A_175 : vector<16xi32>
      %add3A_177 = arith.constant 14 : i32
      %add3A_178 = vector.broadcast %add3A_177 : i32 to vector<16xi32>
      %add3A_179 = arith.addi %shift_right_arithmetic3A_176, %add3A_178 : vector<16xi32>
      %gather3A_180 = tpu.vector_load_idx %arg9[%add3A_179] : memref<16xi32, #tpu.memory_space<vmem>>[vector<16xi32>], vector<16xi32>,
      %and3A_181 = arith.constant 7 : i32
      %and3A_182 = vector.broadcast %and3A_181 : i32 to vector<16xi32>
      %and3A_183 = arith.andi %iota3A, %and3A_182 : vector<16xi32>
      %add3A_184 = arith.addi %gather3A_180, %and3A_183 : vector<16xi32>
      %gather3A_185 = tpu.vector_load_idx %arg10[%add3A_179, %add3A_184] : memref<16x128xf32, #tpu.memory_space<vmem>>[vector<16xi32>, vector<16xi32>], vector<16xf32>,
      %gather3A_186 = tpu.vector_load_idx %arg11[%add3A_179] : memref<16xf32, #tpu.memory_space<vmem>>[vector<16xi32>], vector<16xf32>,
      %mul3A_187 = arith.mulf %gather3A_185, %gather3A_186 : vector<16xf32>
      %add3A_188 = arith.addf %add3A_173, %mul3A_187 : vector<16xf32>
      %swap3A_189 = arith.constant 0 : index
      %swap3A_190 = tpu.vector_load %arg12[%swap3A_189] {strides = array<i32>} : memref<16xf32, #tpu.memory_space<vmem>>, vector<16xf32>,
      tpu.vector_store %arg12[%swap3A_189], %add3A_188 {strides = array<i32>} : memref<16xf32, #tpu.memory_space<vmem>>, vector<16xf32>,
      %add3A_191 = arith.constant 8 : i32
      %add3A_192 = vector.broadcast %add3A_191 : i32 to vector<16xi32>
      %add3A_193 = arith.addi %iota3A, %add3A_192 : vector<16xi32>
      %and3A_194 = arith.constant 15 : i32
      %and3A_195 = vector.broadcast %and3A_194 : i32 to vector<16xi32>
      %and3A_196 = arith.andi %add3A_193, %and3A_195 : vector<16xi32>
      %gather3A_197 = tpu.vector_load_idx %arg12[%and3A_196] : memref<16xf32, #tpu.memory_space<vmem>>[vector<16xi32>], vector<16xf32>,
      %add3A_198 = arith.addf %add3A_188, %gather3A_197 : vector<16xf32>
      %swap3A_199 = arith.index_cast %mul3A_10 : i32 to index
      %swap3A_200 = tpu.vector_load %arg13[%swap3A_199] {strides = array<i32>} : memref<512xf32, #tpu.memory_space<vmem>>, vector<16xf32>,
      tpu.vector_store %arg13[%swap3A_199], %add3A_198 {strides = array<i32>} : memref<512xf32, #tpu.memory_space<vmem>>, vector<16xf32>,
    }
    %scan3A_7 = arith.constant 32 : i32
    "tpu.region"() ({
      %run_scoped3A = tpu.sem_alloc : memref<!tpu.dma_semaphore, #tpu.memory_space<semaphore_mem>>
      %dma_start3A = tpu.memref_slice %arg5[%mul3A_2] : memref<16384xf32, #tpu.memory_space<hbm>> -> memref<512xf32, #tpu.memory_space<hbm>>
      %dma_start3A_8 = tpu.memref_slice %arg5[%mul3A_2] : memref<16384xf32, #tpu.memory_space<hbm>> -> memref<512xf32, #tpu.memory_space<hbm>>
      tpu.enqueue_dma source(%arg13 : memref<512xf32, #tpu.memory_space<vmem>>) target(%dma_start3A_8 : memref<512xf32, #tpu.memory_space<hbm>>) target_semaphore(%run_scoped3A : memref<!tpu.dma_semaphore, #tpu.memory_space<semaphore_mem>>)
      %dma_wait3A = tpu.memref_slice %arg5[%mul3A_2] : memref<16384xf32, #tpu.memory_space<hbm>> -> memref<512xf32, #tpu.memory_space<hbm>>
      %dma_wait3A_9 = tpu.memref_slice %arg5[%mul3A_2] : memref<16384xf32, #tpu.memory_space<hbm>> -> memref<512xf32, #tpu.memory_space<hbm>>
      tpu.wait_dma2 semaphore(%run_scoped3A : memref<!tpu.dma_semaphore, #tpu.memory_space<semaphore_mem>>) src(%arg13 : memref<512xf32, #tpu.memory_space<vmem>>) dst(%dma_wait3A_9 : memref<512xf32, #tpu.memory_space<hbm>>)
      tpu.yield
    }) : () -> ()
    return
  }
}

module attributes {stable_mosaic.version = 14 : i64} {
  func.func @_stage_a_body(%arg0: i32, %arg1: memref<1024x64xf32, #tpu.memory_space<vmem>>, %arg2: memref<1024x64xf32, #tpu.memory_space<vmem>>, %arg3: memref<32x64xf32, #tpu.memory_space<vmem>>, %arg4: memref<1x32xf32, #tpu.memory_space<vmem>>, %arg5: memref<32x32xf32, #tpu.memory_space<vmem>>, %arg6: memref<1x32xf32, #tpu.memory_space<vmem>>, %arg7: memref<1x32xf32, #tpu.memory_space<vmem>>, %arg8: memref<1x1xf32, #tpu.memory_space<vmem>>, %arg9: memref<1024x32xf32, #tpu.memory_space<vmem>>, %arg10: memref<16x1024xf32, #tpu.memory_space<vmem>>, %arg11: memref<16x1024xi32, #tpu.memory_space<vmem>>, %arg12: memref<1024x32xf32, #tpu.memory_space<vmem>>, %arg13: memref<1x1024xf32, #tpu.memory_space<vmem>>, %arg14: memref<1024x1024xf32, #tpu.memory_space<vmem>>, %arg15: memref<16x1024xf32, #tpu.memory_space<vmem>>, %arg16: memref<16x1024xi32, #tpu.memory_space<vmem>>, %arg17: memref<1x1024xf32, #tpu.memory_space<vmem>>) attributes {dimension_semantics = [#tpu.dimension_semantics<arbitrary>], iteration_bounds = array<i64: 98>, scalar_prefetch = 0 : i64, scratch_operands = 6 : i64, tpu.core_type = #tpu.core_type<tc>, window_params = [{pipeline_mode = #tpu.pipeline_mode<synchronous>, transform_indices = @transform_0, window_bounds = array<i64: 1024, 64>}, {transform_indices = @transform_1, window_bounds = array<i64: 1024, 64>}, {pipeline_mode = #tpu.pipeline_mode<synchronous>, transform_indices = @transform_2, window_bounds = array<i64: 32, 64>}, {pipeline_mode = #tpu.pipeline_mode<synchronous>, transform_indices = @transform_3, window_bounds = array<i64: 1, 32>}, {pipeline_mode = #tpu.pipeline_mode<synchronous>, transform_indices = @transform_4, window_bounds = array<i64: 32, 32>}, {pipeline_mode = #tpu.pipeline_mode<synchronous>, transform_indices = @transform_5, window_bounds = array<i64: 1, 32>}, {pipeline_mode = #tpu.pipeline_mode<synchronous>, transform_indices = @transform_6, window_bounds = array<i64: 1, 32>}, {pipeline_mode = #tpu.pipeline_mode<synchronous>, transform_indices = @transform_7, window_bounds = array<i64: 1, 1>}, {pipeline_mode = #tpu.pipeline_mode<synchronous>, transform_indices = @transform_8, window_bounds = array<i64: 1024, 32>}, {pipeline_mode = #tpu.pipeline_mode<synchronous>, transform_indices = @transform_9, window_bounds = array<i64: 16, 1024>}, {pipeline_mode = #tpu.pipeline_mode<synchronous>, transform_indices = @transform_10, window_bounds = array<i64: 16, 1024>}]} {
    %eq3A = arith.constant 0 : i32
    %eq3A_0 = arith.cmpi eq, %arg0, %eq3A : i32
    %convert_element_type3A = arith.extui %eq3A_0 : i1 to i32
    %cond3A = arith.constant 0 : i32
    %cond3A_1 = arith.cmpi ne, %convert_element_type3A, %cond3A : i32
    scf.if %cond3A_1 {
      %get3A_88 = arith.constant 0 : index
      %get3A_89 = arith.constant 0 : index
      %get3A_90 = vector.load %arg1[%get3A_88, %get3A_89] : memref<1024x64xf32, #tpu.memory_space<vmem>>, vector<1024x64xf32>
      %get3A_91 = arith.constant 0 : index
      %get3A_92 = arith.constant 0 : index
      %get3A_93 = vector.load %arg3[%get3A_91, %get3A_92] : memref<32x64xf32, #tpu.memory_space<vmem>>, vector<32x64xf32>
      %dot_general3A_94 = arith.constant dense<0.000000e+00> : vector<1024x32xf32>
      %dot_general3A_95 = tpu.matmul %get3A_90, %get3A_93, %dot_general3A_94 {dimension_numbers = #tpu.dot_dimension_numbers<[1], [1], [0], [0], [0, 0, 1, 0], [], []>, transpose_lhs_hint = false} : vector<1024x64xf32>, vector<32x64xf32>, vector<1024x32xf32> -> vector<1024x32xf32>
      %get3A_96 = arith.constant 0 : index
      %get3A_97 = arith.constant 0 : index
      %get3A_98 = vector.load %arg4[%get3A_96, %get3A_97] : memref<1x32xf32, #tpu.memory_space<vmem>>, vector<1x32xf32>
      %add3A_99 = vector.broadcast %get3A_98 : vector<1x32xf32> to vector<1024x32xf32>
      %add3A_100 = arith.addf %dot_general3A_95, %add3A_99 : vector<1024x32xf32>
      %max3A_101 = arith.constant 0.000000e+00 : f32
      %max3A_102 = vector.broadcast %max3A_101 : f32 to vector<1024x32xf32>
      %max3A_103 = arith.maximumf %add3A_100, %max3A_102 : vector<1024x32xf32>
      %get3A_104 = arith.constant 0 : index
      %get3A_105 = arith.constant 0 : index
      %get3A_106 = vector.load %arg5[%get3A_104, %get3A_105] : memref<32x32xf32, #tpu.memory_space<vmem>>, vector<32x32xf32>
      %dot_general3A_107 = arith.constant dense<0.000000e+00> : vector<1024x32xf32>
      %dot_general3A_108 = tpu.matmul %max3A_103, %get3A_106, %dot_general3A_107 {dimension_numbers = #tpu.dot_dimension_numbers<[1], [1], [0], [0], [0, 0, 1, 0], [], []>, transpose_lhs_hint = false} : vector<1024x32xf32>, vector<32x32xf32>, vector<1024x32xf32> -> vector<1024x32xf32>
      %get3A_109 = arith.constant 0 : index
      %get3A_110 = arith.constant 0 : index
      %get3A_111 = vector.load %arg6[%get3A_109, %get3A_110] : memref<1x32xf32, #tpu.memory_space<vmem>>, vector<1x32xf32>
      %add3A_112 = vector.broadcast %get3A_111 : vector<1x32xf32> to vector<1024x32xf32>
      %add3A_113 = arith.addf %dot_general3A_108, %add3A_112 : vector<1024x32xf32>
      %swap3A = arith.constant 0 : index
      %swap3A_114 = arith.constant 0 : index
      %swap3A_115 = vector.load %arg9[%swap3A, %swap3A_114] : memref<1024x32xf32, #tpu.memory_space<vmem>>, vector<1024x32xf32>
      tpu.vector_store %arg9[%swap3A, %swap3A_114], %add3A_113 {strides = array<i32>} : memref<1024x32xf32, #tpu.memory_space<vmem>>, vector<1024x32xf32>,
      %get3A_116 = arith.constant 0 : index
      %get3A_117 = arith.constant 0 : index
      %get3A_118 = vector.load %arg7[%get3A_116, %get3A_117] : memref<1x32xf32, #tpu.memory_space<vmem>>, vector<1x32xf32>
      %mul3A_119 = vector.broadcast %get3A_118 : vector<1x32xf32> to vector<1024x32xf32>
      %mul3A_120 = arith.mulf %add3A_113, %mul3A_119 : vector<1024x32xf32>
      %swap3A_121 = arith.constant 0 : index
      %swap3A_122 = arith.constant 0 : index
      %swap3A_123 = vector.load %arg12[%swap3A_121, %swap3A_122] : memref<1024x32xf32, #tpu.memory_space<vmem>>, vector<1024x32xf32>
      tpu.vector_store %arg12[%swap3A_121, %swap3A_122], %mul3A_120 {strides = array<i32>} : memref<1024x32xf32, #tpu.memory_space<vmem>>, vector<1024x32xf32>,
      %broadcast_in_dim3A_124 = arith.constant 1.000000e+00 : f32
      %broadcast_in_dim3A_125 = vector.broadcast %broadcast_in_dim3A_124 : f32 to vector<1x32xf32>
      %mul3A_126 = arith.mulf %mul3A_120, %mul3A_120 : vector<1024x32xf32>
      %dot_general3A_127 = arith.constant dense<0.000000e+00> : vector<1x1024xf32>
      %dot_general3A_128 = tpu.matmul %broadcast_in_dim3A_125, %mul3A_126, %dot_general3A_127 {dimension_numbers = #tpu.dot_dimension_numbers<[1], [1], [0], [0], [0, 0, 1, 0], [], []>, transpose_lhs_hint = false} : vector<1x32xf32>, vector<1024x32xf32>, vector<1x1024xf32> -> vector<1x1024xf32>
      %swap3A_129 = arith.constant 0 : index
      %swap3A_130 = arith.constant 0 : index
      %swap3A_131 = vector.load %arg13[%swap3A_129, %swap3A_130] : memref<1x1024xf32, #tpu.memory_space<vmem>>, vector<1x1024xf32>
      tpu.vector_store %arg13[%swap3A_129, %swap3A_130], %dot_general3A_128 {strides = array<i32>} : memref<1x1024xf32, #tpu.memory_space<vmem>>, vector<1x1024xf32>,
      %broadcast_in_dim3A_132 = arith.constant -3.000000e+38 : f32
      %broadcast_in_dim3A_133 = vector.broadcast %broadcast_in_dim3A_132 : f32 to vector<16x1024xf32>
      %swap3A_134 = arith.constant 0 : index
      %swap3A_135 = arith.constant 0 : index
      %swap3A_136 = vector.load %arg15[%swap3A_134, %swap3A_135] : memref<16x1024xf32, #tpu.memory_space<vmem>>, vector<16x1024xf32>
      tpu.vector_store %arg15[%swap3A_134, %swap3A_135], %broadcast_in_dim3A_133 {strides = array<i32>} : memref<16x1024xf32, #tpu.memory_space<vmem>>, vector<16x1024xf32>,
      %broadcast_in_dim3A_137 = arith.constant 0 : i32
      %broadcast_in_dim3A_138 = vector.broadcast %broadcast_in_dim3A_137 : i32 to vector<16x1024xi32>
      %swap3A_139 = arith.constant 0 : index
      %swap3A_140 = arith.constant 0 : index
      %swap3A_141 = vector.load %arg16[%swap3A_139, %swap3A_140] : memref<16x1024xi32, #tpu.memory_space<vmem>>, vector<16x1024xi32>
      tpu.vector_store %arg16[%swap3A_139, %swap3A_140], %broadcast_in_dim3A_138 {strides = array<i32>} : memref<16x1024xi32, #tpu.memory_space<vmem>>, vector<16x1024xi32>,
      %broadcast_in_dim3A_142 = arith.constant -3.000000e+38 : f32
      %broadcast_in_dim3A_143 = vector.broadcast %broadcast_in_dim3A_142 : f32 to vector<1x1024xf32>
      %swap3A_144 = arith.constant 0 : index
      %swap3A_145 = arith.constant 0 : index
      %swap3A_146 = vector.load %arg17[%swap3A_144, %swap3A_145] : memref<1x1024xf32, #tpu.memory_space<vmem>>, vector<1x1024xf32>
      tpu.vector_store %arg17[%swap3A_144, %swap3A_145], %broadcast_in_dim3A_143 {strides = array<i32>} : memref<1x1024xf32, #tpu.memory_space<vmem>>, vector<1x1024xf32>,
    } else {
    }
    %get3A = arith.constant 0 : index
    %get3A_2 = arith.constant 0 : index
    %get3A_3 = vector.load %arg2[%get3A, %get3A_2] : memref<1024x64xf32, #tpu.memory_space<vmem>>, vector<1024x64xf32>
    %get3A_4 = arith.constant 0 : index
    %get3A_5 = arith.constant 0 : index
    %get3A_6 = vector.load %arg3[%get3A_4, %get3A_5] : memref<32x64xf32, #tpu.memory_space<vmem>>, vector<32x64xf32>
    %dot_general3A = arith.constant dense<0.000000e+00> : vector<1024x32xf32>
    %dot_general3A_7 = tpu.matmul %get3A_3, %get3A_6, %dot_general3A {dimension_numbers = #tpu.dot_dimension_numbers<[1], [1], [0], [0], [0, 0, 1, 0], [], []>, transpose_lhs_hint = false} : vector<1024x64xf32>, vector<32x64xf32>, vector<1024x32xf32> -> vector<1024x32xf32>
    %get3A_8 = arith.constant 0 : index
    %get3A_9 = arith.constant 0 : index
    %get3A_10 = vector.load %arg4[%get3A_8, %get3A_9] : memref<1x32xf32, #tpu.memory_space<vmem>>, vector<1x32xf32>
    %add3A = vector.broadcast %get3A_10 : vector<1x32xf32> to vector<1024x32xf32>
    %add3A_11 = arith.addf %dot_general3A_7, %add3A : vector<1024x32xf32>
    %max3A = arith.constant 0.000000e+00 : f32
    %max3A_12 = vector.broadcast %max3A : f32 to vector<1024x32xf32>
    %max3A_13 = arith.maximumf %add3A_11, %max3A_12 : vector<1024x32xf32>
    %get3A_14 = arith.constant 0 : index
    %get3A_15 = arith.constant 0 : index
    %get3A_16 = vector.load %arg5[%get3A_14, %get3A_15] : memref<32x32xf32, #tpu.memory_space<vmem>>, vector<32x32xf32>
    %dot_general3A_17 = arith.constant dense<0.000000e+00> : vector<1024x32xf32>
    %dot_general3A_18 = tpu.matmul %max3A_13, %get3A_16, %dot_general3A_17 {dimension_numbers = #tpu.dot_dimension_numbers<[1], [1], [0], [0], [0, 0, 1, 0], [], []>, transpose_lhs_hint = false} : vector<1024x32xf32>, vector<32x32xf32>, vector<1024x32xf32> -> vector<1024x32xf32>
    %get3A_19 = arith.constant 0 : index
    %get3A_20 = arith.constant 0 : index
    %get3A_21 = vector.load %arg6[%get3A_19, %get3A_20] : memref<1x32xf32, #tpu.memory_space<vmem>>, vector<1x32xf32>
    %add3A_22 = vector.broadcast %get3A_21 : vector<1x32xf32> to vector<1024x32xf32>
    %add3A_23 = arith.addf %dot_general3A_18, %add3A_22 : vector<1024x32xf32>
    %get3A_24 = arith.constant 0 : index
    %get3A_25 = arith.constant 0 : index
    %get3A_26 = vector.load %arg7[%get3A_24, %get3A_25] : memref<1x32xf32, #tpu.memory_space<vmem>>, vector<1x32xf32>
    %mul3A = vector.broadcast %get3A_26 : vector<1x32xf32> to vector<1024x32xf32>
    %mul3A_27 = arith.mulf %add3A_23, %mul3A : vector<1024x32xf32>
    %get3A_28 = arith.constant 0 : index
    %get3A_29 = arith.constant 0 : index
    %get3A_30 = vector.load %arg12[%get3A_28, %get3A_29] : memref<1024x32xf32, #tpu.memory_space<vmem>>, vector<1024x32xf32>
    %dot_general3A_31 = arith.constant dense<0.000000e+00> : vector<1024x1024xf32>
    %dot_general3A_32 = tpu.matmul %mul3A_27, %get3A_30, %dot_general3A_31 {dimension_numbers = #tpu.dot_dimension_numbers<[1], [1], [0], [0], [0, 0, 1, 0], [], []>, transpose_lhs_hint = false} : vector<1024x32xf32>, vector<1024x32xf32>, vector<1024x1024xf32> -> vector<1024x1024xf32>
    %mul3A_33 = arith.mulf %mul3A_27, %mul3A_27 : vector<1024x32xf32>
    %reduce_sum3A = arith.constant dense<0.000000e+00> : vector<1024xf32>
    %reduce_sum3A_34 = vector.multi_reduction <add>, %mul3A_33, %reduce_sum3A [1] : vector<1024x32xf32> to vector<1024xf32>
    %broadcast_in_dim3A = vector.shape_cast %reduce_sum3A_34 : vector<1024xf32> to vector<1024x1xf32>
    %get3A_35 = arith.constant 0 : index
    %get3A_36 = arith.constant 0 : index
    %get3A_37 = vector.load %arg13[%get3A_35, %get3A_36] : memref<1x1024xf32, #tpu.memory_space<vmem>>, vector<1x1024xf32>
    %add3A_38 = vector.broadcast %get3A_37 : vector<1x1024xf32> to vector<1024x1024xf32>
    %add3A_39 = vector.broadcast %broadcast_in_dim3A : vector<1024x1xf32> to vector<1024x1024xf32>
    %add3A_40 = arith.addf %add3A_38, %add3A_39 : vector<1024x1024xf32>
    %mul3A_41 = arith.constant 2.000000e+00 : f32
    %mul3A_42 = vector.broadcast %mul3A_41 : f32 to vector<1024x1024xf32>
    %mul3A_43 = arith.mulf %mul3A_42, %dot_general3A_32 : vector<1024x1024xf32>
    %sub3A = arith.subf %add3A_40, %mul3A_43 : vector<1024x1024xf32>
    %max3A_44 = arith.constant 0.000000e+00 : f32
    %max3A_45 = vector.broadcast %max3A_44 : f32 to vector<1024x1024xf32>
    %max3A_46 = arith.maximumf %sub3A, %max3A_45 : vector<1024x1024xf32>
    %neg3A = arith.constant 0.000000e+00 : f32
    %neg3A_47 = vector.broadcast %neg3A : f32 to vector<1024x1024xf32>
    %neg3A_48 = arith.subf %neg3A_47, %max3A_46 : vector<1024x1024xf32>
    %get3A_49 = arith.constant 0 : index
    %get3A_50 = arith.constant 0 : index
    %get3A_51 = vector.load %arg8[%get3A_49, %get3A_50] : memref<1x1xf32, #tpu.memory_space<vmem>>, vector<1x1xf32>
    %div3A = vector.broadcast %get3A_51 : vector<1x1xf32> to vector<1024x1024xf32>
    %div3A_52 = arith.divf %neg3A_48, %div3A : vector<1024x1024xf32>
    %exp3A = math.exp %div3A_52 : vector<1024x1024xf32>
    %lt3A = arith.constant 97 : i32
    %lt3A_53 = arith.cmpi slt, %arg0, %lt3A : i32
    %convert_element_type3A_54 = arith.extui %lt3A_53 : i1 to i32
    %cond3A_55 = arith.constant 0 : i32
    %cond3A_56 = arith.cmpi ne, %convert_element_type3A_54, %cond3A_55 : i32
    scf.if %cond3A_56 {
      %swap3A = arith.constant 0 : index
      %swap3A_88 = arith.constant 0 : index
      %swap3A_89 = vector.load %arg14[%swap3A, %swap3A_88] : memref<1024x1024xf32, #tpu.memory_space<vmem>>, vector<1024x1024xf32>
      tpu.vector_store %arg14[%swap3A, %swap3A_88], %exp3A {strides = array<i32>} : memref<1024x1024xf32, #tpu.memory_space<vmem>>, vector<1024x1024xf32>,
    } else {
    }
    %eq3A_57 = arith.constant 97 : i32
    %eq3A_58 = arith.cmpi eq, %arg0, %eq3A_57 : i32
    %convert_element_type3A_59 = arith.extui %eq3A_58 : i1 to i32
    %cond3A_60 = arith.constant 0 : i32
    %cond3A_61 = arith.cmpi ne, %convert_element_type3A_59, %cond3A_60 : i32
    scf.if %cond3A_61 {
      %iota3A_88 = tpu.iota {dimensions = array<i32: 0>} : vector<1024x1xi32>
      %mul3A_89 = arith.constant 1024 : i32
      %mul3A_90 = arith.muli %arg0, %mul3A_89 : i32
      %add3A_91 = vector.broadcast %mul3A_90 : i32 to vector<1024x1xi32>
      %add3A_92 = arith.addi %add3A_91, %iota3A_88 : vector<1024x1xi32>
      %lt3A_93 = arith.constant 100000 : i32
      %lt3A_94 = vector.broadcast %lt3A_93 : i32 to vector<1024x1xi32>
      %lt3A_95 = arith.cmpi slt, %add3A_92, %lt3A_94 : vector<1024x1xi32>
      %jit3A_96 = arith.constant -3.000000e+38 : f32
      %broadcast_in_dim3A_97 = vector.shape_cast %lt3A_95 : vector<1024x1xi1> to vector<1024x1xi1>
      %broadcast_in_dim3A_98 = vector.broadcast %broadcast_in_dim3A_97 : vector<1024x1xi1> to vector<1024x1024xi1>
      %broadcast_in_dim3A_99 = vector.broadcast %jit3A_96 : f32 to vector<1024x1024xf32>
      %select_n3A_100 = arith.select %broadcast_in_dim3A_98, %exp3A, %broadcast_in_dim3A_99 : vector<1024x1024xi1>, vector<1024x1024xf32>
      %swap3A = arith.constant 0 : index
      %swap3A_101 = arith.constant 0 : index
      %swap3A_102 = vector.load %arg14[%swap3A, %swap3A_101] : memref<1024x1024xf32, #tpu.memory_space<vmem>>, vector<1024x1024xf32>
      tpu.vector_store %arg14[%swap3A, %swap3A_101], %select_n3A_100 {strides = array<i32>} : memref<1024x1024xf32, #tpu.memory_space<vmem>>, vector<1024x1024xf32>,
    } else {
    }
    %get3A_62 = arith.constant 0 : index
    %get3A_63 = arith.constant 0 : index
    %get3A_64 = vector.load %arg17[%get3A_62, %get3A_63] : memref<1x1024xf32, #tpu.memory_space<vmem>>, vector<1x1024xf32>
    %gt3A = vector.broadcast %get3A_64 : vector<1x1024xf32> to vector<1024x1024xf32>
    %gt3A_65 = arith.cmpf ogt, %exp3A, %gt3A : vector<1024x1024xf32>
    %jit3A = arith.constant 1 : i32
    %jit3A_66 = arith.constant 0 : i32
    %broadcast_in_dim3A_67 = vector.broadcast %jit3A : i32 to vector<1024x1024xi32>
    %broadcast_in_dim3A_68 = vector.broadcast %jit3A_66 : i32 to vector<1024x1024xi32>
    %select_n3A = arith.select %gt3A_65, %broadcast_in_dim3A_67, %broadcast_in_dim3A_68 : vector<1024x1024xi1>, vector<1024x1024xi32>
    %reduce_sum3A_69 = arith.constant dense<0> : vector<1024xi32>
    %reduce_sum3A_70 = vector.multi_reduction <add>, %select_n3A, %reduce_sum3A_69 [0] : vector<1024x1024xi32> to vector<1024xi32>
    %broadcast_in_dim3A_71 = vector.shape_cast %reduce_sum3A_70 : vector<1024xi32> to vector<1x1024xi32>
    %reduce_max3A = vector.shape_cast %broadcast_in_dim3A_71 : vector<1x1024xi32> to vector<1x1x1024xi32>
    %reduce_max3A_72 = arith.constant dense<-2147483648> : vector<1xi32>
    %reduce_max3A_73 = vector.multi_reduction <maxsi>, %reduce_max3A, %reduce_max3A_72 [1, 2] : vector<1x1x1024xi32> to vector<1xi32>
    %reduce_max3A_74 = vector.shape_cast %reduce_max3A_73 : vector<1xi32> to vector<1x1x1xi32>
    %reduce_max3A_75 = vector.extract %reduce_max3A_74[0, 0, 0] : i32 from vector<1x1x1xi32>
    %min3A = arith.constant 16 : i32
    %min3A_76 = arith.minsi %reduce_max3A_75, %min3A : i32
    %iota3A = tpu.iota {dimensions = array<i32: 0>} : vector<128x1024xi32>
    %iota3A_77 = tpu.iota {dimensions = array<i32: 0>} : vector<16x1024xi32>
    %gt3A_78 = arith.constant 0 : i32
    %gt3A_79 = arith.cmpi sgt, %min3A_76, %gt3A_78 : i32
    %convert_element_type3A_80 = arith.extui %gt3A_79 : i1 to i32
    %cond3A_81 = arith.constant 0 : i32
    %cond3A_82 = arith.cmpi ne, %convert_element_type3A_80, %cond3A_81 : i32
    scf.if %cond3A_82 {
      %broadcast_in_dim3A_88 = arith.constant -1 : i32
      %broadcast_in_dim3A_89 = vector.broadcast %broadcast_in_dim3A_88 : i32 to vector<1x1024xi32>
      %broadcast_in_dim3A_90 = arith.constant -3.000000e+38 : f32
      %broadcast_in_dim3A_91 = vector.broadcast %broadcast_in_dim3A_90 : f32 to vector<16x1024xf32>
      %broadcast_in_dim3A_92 = arith.constant 0 : i32
      %broadcast_in_dim3A_93 = vector.broadcast %broadcast_in_dim3A_92 : i32 to vector<16x1024xi32>
      %while3A = arith.constant 0 : i32
      %while3A_94 = arith.subi %min3A_76, %while3A : i32
      %while3A_95 = arith.addi %while3A, %while3A_94 : i32
      %while3A_96 = arith.constant 1 : i32
      %while3A_97 = arith.divsi %while3A_94, %while3A_96 : i32
      %while3A_98 = arith.muli %while3A_97, %while3A_96 : i32
      %while3A_99 = arith.addi %while3A, %while3A_98 : i32
      %while3A_100 = arith.constant 1 : i32
      %while3A_101:3 = scf.for %while3A_765 = %while3A to %while3A_99 step %while3A_100 iter_args(%while3A_766 = %broadcast_in_dim3A_89, %while3A_767 = %broadcast_in_dim3A_91, %while3A_768 = %broadcast_in_dim3A_93) -> (vector<1x1024xi32>, vector<16x1024xf32>, vector<16x1024xi32>)  : i32 {
        %broadcast_in_dim3A_769 = arith.constant -3.000000e+38 : f32
        %broadcast_in_dim3A_770 = vector.broadcast %broadcast_in_dim3A_769 : f32 to vector<1x1024xf32>
        %broadcast_in_dim3A_771 = arith.constant 1073741824 : i32
        %broadcast_in_dim3A_772 = vector.broadcast %broadcast_in_dim3A_771 : i32 to vector<1x1024xi32>
        %get3A_773 = arith.constant 0 : index
        %get3A_774 = arith.constant 0 : index
        %get3A_775 = vector.load %arg14[%get3A_773, %get3A_774] : memref<1024x1024xf32, #tpu.memory_space<vmem>>, vector<128x1024xf32>
        %add3A_776 = arith.constant 0 : i32
        %add3A_777 = vector.broadcast %add3A_776 : i32 to vector<128x1024xi32>
        %add3A_778 = arith.addi %iota3A, %add3A_777 : vector<128x1024xi32>
        %eq3A_779 = vector.broadcast %while3A_766 : vector<1x1024xi32> to vector<128x1024xi32>
        %eq3A_780 = arith.cmpi eq, %add3A_778, %eq3A_779 : vector<128x1024xi32>
        %jit3A_781 = arith.constant -3.000000e+38 : f32
        %broadcast_in_dim3A_782 = vector.broadcast %jit3A_781 : f32 to vector<128x1024xf32>
        %select_n3A_783 = arith.select %eq3A_780, %broadcast_in_dim3A_782, %get3A_775 : vector<128x1024xi1>, vector<128x1024xf32>
        %swap3A_784 = arith.constant 0 : index
        %swap3A_785 = arith.constant 0 : index
        %swap3A_786 = vector.load %arg14[%swap3A_784, %swap3A_785] : memref<1024x1024xf32, #tpu.memory_space<vmem>>, vector<128x1024xf32>
        tpu.vector_store %arg14[%swap3A_784, %swap3A_785], %select_n3A_783 {strides = array<i32>} : memref<1024x1024xf32, #tpu.memory_space<vmem>>, vector<128x1024xf32>,
        %reduce_max3A_787 = arith.constant dense<0xFF800000> : vector<1024xf32>
        %reduce_max3A_788 = vector.multi_reduction <maximumf>, %select_n3A_783, %reduce_max3A_787 [0] : vector<128x1024xf32> to vector<1024xf32>
        %broadcast_in_dim3A_789 = vector.shape_cast %reduce_max3A_788 : vector<1024xf32> to vector<1x1024xf32>
        %eq3A_790 = vector.broadcast %broadcast_in_dim3A_789 : vector<1x1024xf32> to vector<128x1024xf32>
        %eq3A_791 = arith.cmpf oeq, %select_n3A_783, %eq3A_790 : vector<128x1024xf32>
        %add3A_792 = arith.constant 0 : i32
        %add3A_793 = vector.broadcast %add3A_792 : i32 to vector<128x1024xi32>
        %add3A_794 = arith.addi %iota3A, %add3A_793 : vector<128x1024xi32>
        %jit3A_795 = arith.constant 1073741824 : i32
        %broadcast_in_dim3A_796 = vector.broadcast %jit3A_795 : i32 to vector<128x1024xi32>
        %select_n3A_797 = arith.select %eq3A_791, %add3A_794, %broadcast_in_dim3A_796 : vector<128x1024xi1>, vector<128x1024xi32>
        %reduce_min3A = arith.constant dense<2147483647> : vector<1024xi32>
        %reduce_min3A_798 = vector.multi_reduction <minsi>, %select_n3A_797, %reduce_min3A [0] : vector<128x1024xi32> to vector<1024xi32>
        %broadcast_in_dim3A_799 = vector.shape_cast %reduce_min3A_798 : vector<1024xi32> to vector<1x1024xi32>
        %gt3A_800 = arith.cmpf ogt, %broadcast_in_dim3A_789, %broadcast_in_dim3A_770 : vector<1x1024xf32>
        %select_n3A_801 = arith.select %gt3A_800, %broadcast_in_dim3A_789, %broadcast_in_dim3A_770 : vector<1x1024xi1>, vector<1x1024xf32>
        %select_n3A_802 = arith.select %gt3A_800, %broadcast_in_dim3A_799, %broadcast_in_dim3A_772 : vector<1x1024xi1>, vector<1x1024xi32>
        %get3A_803 = arith.constant 128 : index
        %get3A_804 = arith.constant 0 : index
        %get3A_805 = vector.load %arg14[%get3A_803, %get3A_804] : memref<1024x1024xf32, #tpu.memory_space<vmem>>, vector<128x1024xf32>
        %add3A_806 = arith.constant 128 : i32
        %add3A_807 = vector.broadcast %add3A_806 : i32 to vector<128x1024xi32>
        %add3A_808 = arith.addi %iota3A, %add3A_807 : vector<128x1024xi32>
        %eq3A_809 = vector.broadcast %while3A_766 : vector<1x1024xi32> to vector<128x1024xi32>
        %eq3A_810 = arith.cmpi eq, %add3A_808, %eq3A_809 : vector<128x1024xi32>
        %jit3A_811 = arith.constant -3.000000e+38 : f32
        %broadcast_in_dim3A_812 = vector.broadcast %jit3A_811 : f32 to vector<128x1024xf32>
        %select_n3A_813 = arith.select %eq3A_810, %broadcast_in_dim3A_812, %get3A_805 : vector<128x1024xi1>, vector<128x1024xf32>
        %swap3A_814 = arith.constant 128 : index
        %swap3A_815 = arith.constant 0 : index
        %swap3A_816 = vector.load %arg14[%swap3A_814, %swap3A_815] : memref<1024x1024xf32, #tpu.memory_space<vmem>>, vector<128x1024xf32>
        tpu.vector_store %arg14[%swap3A_814, %swap3A_815], %select_n3A_813 {strides = array<i32>} : memref<1024x1024xf32, #tpu.memory_space<vmem>>, vector<128x1024xf32>,
        %reduce_max3A_817 = arith.constant dense<0xFF800000> : vector<1024xf32>
        %reduce_max3A_818 = vector.multi_reduction <maximumf>, %select_n3A_813, %reduce_max3A_817 [0] : vector<128x1024xf32> to vector<1024xf32>
        %broadcast_in_dim3A_819 = vector.shape_cast %reduce_max3A_818 : vector<1024xf32> to vector<1x1024xf32>
        %eq3A_820 = vector.broadcast %broadcast_in_dim3A_819 : vector<1x1024xf32> to vector<128x1024xf32>
        %eq3A_821 = arith.cmpf oeq, %select_n3A_813, %eq3A_820 : vector<128x1024xf32>
        %add3A_822 = arith.constant 128 : i32
        %add3A_823 = vector.broadcast %add3A_822 : i32 to vector<128x1024xi32>
        %add3A_824 = arith.addi %iota3A, %add3A_823 : vector<128x1024xi32>
        %jit3A_825 = arith.constant 1073741824 : i32
        %broadcast_in_dim3A_826 = vector.broadcast %jit3A_825 : i32 to vector<128x1024xi32>
        %select_n3A_827 = arith.select %eq3A_821, %add3A_824, %broadcast_in_dim3A_826 : vector<128x1024xi1>, vector<128x1024xi32>
        %reduce_min3A_828 = arith.constant dense<2147483647> : vector<1024xi32>
        %reduce_min3A_829 = vector.multi_reduction <minsi>, %select_n3A_827, %reduce_min3A_828 [0] : vector<128x1024xi32> to vector<1024xi32>
        %broadcast_in_dim3A_830 = vector.shape_cast %reduce_min3A_829 : vector<1024xi32> to vector<1x1024xi32>
        %gt3A_831 = arith.cmpf ogt, %broadcast_in_dim3A_819, %select_n3A_801 : vector<1x1024xf32>
        %select_n3A_832 = arith.select %gt3A_831, %broadcast_in_dim3A_819, %select_n3A_801 : vector<1x1024xi1>, vector<1x1024xf32>
        %select_n3A_833 = arith.select %gt3A_831, %broadcast_in_dim3A_830, %select_n3A_802 : vector<1x1024xi1>, vector<1x1024xi32>
        %get3A_834 = arith.constant 256 : index
        %get3A_835 = arith.constant 0 : index
        %get3A_836 = vector.load %arg14[%get3A_834, %get3A_835] : memref<1024x1024xf32, #tpu.memory_space<vmem>>, vector<128x1024xf32>
        %add3A_837 = arith.constant 256 : i32
        %add3A_838 = vector.broadcast %add3A_837 : i32 to vector<128x1024xi32>
        %add3A_839 = arith.addi %iota3A, %add3A_838 : vector<128x1024xi32>
        %eq3A_840 = vector.broadcast %while3A_766 : vector<1x1024xi32> to vector<128x1024xi32>
        %eq3A_841 = arith.cmpi eq, %add3A_839, %eq3A_840 : vector<128x1024xi32>
        %jit3A_842 = arith.constant -3.000000e+38 : f32
        %broadcast_in_dim3A_843 = vector.broadcast %jit3A_842 : f32 to vector<128x1024xf32>
        %select_n3A_844 = arith.select %eq3A_841, %broadcast_in_dim3A_843, %get3A_836 : vector<128x1024xi1>, vector<128x1024xf32>
        %swap3A_845 = arith.constant 256 : index
        %swap3A_846 = arith.constant 0 : index
        %swap3A_847 = vector.load %arg14[%swap3A_845, %swap3A_846] : memref<1024x1024xf32, #tpu.memory_space<vmem>>, vector<128x1024xf32>
        tpu.vector_store %arg14[%swap3A_845, %swap3A_846], %select_n3A_844 {strides = array<i32>} : memref<1024x1024xf32, #tpu.memory_space<vmem>>, vector<128x1024xf32>,
        %reduce_max3A_848 = arith.constant dense<0xFF800000> : vector<1024xf32>
        %reduce_max3A_849 = vector.multi_reduction <maximumf>, %select_n3A_844, %reduce_max3A_848 [0] : vector<128x1024xf32> to vector<1024xf32>
        %broadcast_in_dim3A_850 = vector.shape_cast %reduce_max3A_849 : vector<1024xf32> to vector<1x1024xf32>
        %eq3A_851 = vector.broadcast %broadcast_in_dim3A_850 : vector<1x1024xf32> to vector<128x1024xf32>
        %eq3A_852 = arith.cmpf oeq, %select_n3A_844, %eq3A_851 : vector<128x1024xf32>
        %add3A_853 = arith.constant 256 : i32
        %add3A_854 = vector.broadcast %add3A_853 : i32 to vector<128x1024xi32>
        %add3A_855 = arith.addi %iota3A, %add3A_854 : vector<128x1024xi32>
        %jit3A_856 = arith.constant 1073741824 : i32
        %broadcast_in_dim3A_857 = vector.broadcast %jit3A_856 : i32 to vector<128x1024xi32>
        %select_n3A_858 = arith.select %eq3A_852, %add3A_855, %broadcast_in_dim3A_857 : vector<128x1024xi1>, vector<128x1024xi32>
        %reduce_min3A_859 = arith.constant dense<2147483647> : vector<1024xi32>
        %reduce_min3A_860 = vector.multi_reduction <minsi>, %select_n3A_858, %reduce_min3A_859 [0] : vector<128x1024xi32> to vector<1024xi32>
        %broadcast_in_dim3A_861 = vector.shape_cast %reduce_min3A_860 : vector<1024xi32> to vector<1x1024xi32>
        %gt3A_862 = arith.cmpf ogt, %broadcast_in_dim3A_850, %select_n3A_832 : vector<1x1024xf32>
        %select_n3A_863 = arith.select %gt3A_862, %broadcast_in_dim3A_850, %select_n3A_832 : vector<1x1024xi1>, vector<1x1024xf32>
        %select_n3A_864 = arith.select %gt3A_862, %broadcast_in_dim3A_861, %select_n3A_833 : vector<1x1024xi1>, vector<1x1024xi32>
        %get3A_865 = arith.constant 384 : index
        %get3A_866 = arith.constant 0 : index
        %get3A_867 = vector.load %arg14[%get3A_865, %get3A_866] : memref<1024x1024xf32, #tpu.memory_space<vmem>>, vector<128x1024xf32>
        %add3A_868 = arith.constant 384 : i32
        %add3A_869 = vector.broadcast %add3A_868 : i32 to vector<128x1024xi32>
        %add3A_870 = arith.addi %iota3A, %add3A_869 : vector<128x1024xi32>
        %eq3A_871 = vector.broadcast %while3A_766 : vector<1x1024xi32> to vector<128x1024xi32>
        %eq3A_872 = arith.cmpi eq, %add3A_870, %eq3A_871 : vector<128x1024xi32>
        %jit3A_873 = arith.constant -3.000000e+38 : f32
        %broadcast_in_dim3A_874 = vector.broadcast %jit3A_873 : f32 to vector<128x1024xf32>
        %select_n3A_875 = arith.select %eq3A_872, %broadcast_in_dim3A_874, %get3A_867 : vector<128x1024xi1>, vector<128x1024xf32>
        %swap3A_876 = arith.constant 384 : index
        %swap3A_877 = arith.constant 0 : index
        %swap3A_878 = vector.load %arg14[%swap3A_876, %swap3A_877] : memref<1024x1024xf32, #tpu.memory_space<vmem>>, vector<128x1024xf32>
        tpu.vector_store %arg14[%swap3A_876, %swap3A_877], %select_n3A_875 {strides = array<i32>} : memref<1024x1024xf32, #tpu.memory_space<vmem>>, vector<128x1024xf32>,
        %reduce_max3A_879 = arith.constant dense<0xFF800000> : vector<1024xf32>
        %reduce_max3A_880 = vector.multi_reduction <maximumf>, %select_n3A_875, %reduce_max3A_879 [0] : vector<128x1024xf32> to vector<1024xf32>
        %broadcast_in_dim3A_881 = vector.shape_cast %reduce_max3A_880 : vector<1024xf32> to vector<1x1024xf32>
        %eq3A_882 = vector.broadcast %broadcast_in_dim3A_881 : vector<1x1024xf32> to vector<128x1024xf32>
        %eq3A_883 = arith.cmpf oeq, %select_n3A_875, %eq3A_882 : vector<128x1024xf32>
        %add3A_884 = arith.constant 384 : i32
        %add3A_885 = vector.broadcast %add3A_884 : i32 to vector<128x1024xi32>
        %add3A_886 = arith.addi %iota3A, %add3A_885 : vector<128x1024xi32>
        %jit3A_887 = arith.constant 1073741824 : i32
        %broadcast_in_dim3A_888 = vector.broadcast %jit3A_887 : i32 to vector<128x1024xi32>
        %select_n3A_889 = arith.select %eq3A_883, %add3A_886, %broadcast_in_dim3A_888 : vector<128x1024xi1>, vector<128x1024xi32>
        %reduce_min3A_890 = arith.constant dense<2147483647> : vector<1024xi32>
        %reduce_min3A_891 = vector.multi_reduction <minsi>, %select_n3A_889, %reduce_min3A_890 [0] : vector<128x1024xi32> to vector<1024xi32>
        %broadcast_in_dim3A_892 = vector.shape_cast %reduce_min3A_891 : vector<1024xi32> to vector<1x1024xi32>
        %gt3A_893 = arith.cmpf ogt, %broadcast_in_dim3A_881, %select_n3A_863 : vector<1x1024xf32>
        %select_n3A_894 = arith.select %gt3A_893, %broadcast_in_dim3A_881, %select_n3A_863 : vector<1x1024xi1>, vector<1x1024xf32>
        %select_n3A_895 = arith.select %gt3A_893, %broadcast_in_dim3A_892, %select_n3A_864 : vector<1x1024xi1>, vector<1x1024xi32>
        %get3A_896 = arith.constant 512 : index
        %get3A_897 = arith.constant 0 : index
        %get3A_898 = vector.load %arg14[%get3A_896, %get3A_897] : memref<1024x1024xf32, #tpu.memory_space<vmem>>, vector<128x1024xf32>
        %add3A_899 = arith.constant 512 : i32
        %add3A_900 = vector.broadcast %add3A_899 : i32 to vector<128x1024xi32>
        %add3A_901 = arith.addi %iota3A, %add3A_900 : vector<128x1024xi32>
        %eq3A_902 = vector.broadcast %while3A_766 : vector<1x1024xi32> to vector<128x1024xi32>
        %eq3A_903 = arith.cmpi eq, %add3A_901, %eq3A_902 : vector<128x1024xi32>
        %jit3A_904 = arith.constant -3.000000e+38 : f32
        %broadcast_in_dim3A_905 = vector.broadcast %jit3A_904 : f32 to vector<128x1024xf32>
        %select_n3A_906 = arith.select %eq3A_903, %broadcast_in_dim3A_905, %get3A_898 : vector<128x1024xi1>, vector<128x1024xf32>
        %swap3A_907 = arith.constant 512 : index
        %swap3A_908 = arith.constant 0 : index
        %swap3A_909 = vector.load %arg14[%swap3A_907, %swap3A_908] : memref<1024x1024xf32, #tpu.memory_space<vmem>>, vector<128x1024xf32>
        tpu.vector_store %arg14[%swap3A_907, %swap3A_908], %select_n3A_906 {strides = array<i32>} : memref<1024x1024xf32, #tpu.memory_space<vmem>>, vector<128x1024xf32>,
        %reduce_max3A_910 = arith.constant dense<0xFF800000> : vector<1024xf32>
        %reduce_max3A_911 = vector.multi_reduction <maximumf>, %select_n3A_906, %reduce_max3A_910 [0] : vector<128x1024xf32> to vector<1024xf32>
        %broadcast_in_dim3A_912 = vector.shape_cast %reduce_max3A_911 : vector<1024xf32> to vector<1x1024xf32>
        %eq3A_913 = vector.broadcast %broadcast_in_dim3A_912 : vector<1x1024xf32> to vector<128x1024xf32>
        %eq3A_914 = arith.cmpf oeq, %select_n3A_906, %eq3A_913 : vector<128x1024xf32>
        %add3A_915 = arith.constant 512 : i32
        %add3A_916 = vector.broadcast %add3A_915 : i32 to vector<128x1024xi32>
        %add3A_917 = arith.addi %iota3A, %add3A_916 : vector<128x1024xi32>
        %jit3A_918 = arith.constant 1073741824 : i32
        %broadcast_in_dim3A_919 = vector.broadcast %jit3A_918 : i32 to vector<128x1024xi32>
        %select_n3A_920 = arith.select %eq3A_914, %add3A_917, %broadcast_in_dim3A_919 : vector<128x1024xi1>, vector<128x1024xi32>
        %reduce_min3A_921 = arith.constant dense<2147483647> : vector<1024xi32>
        %reduce_min3A_922 = vector.multi_reduction <minsi>, %select_n3A_920, %reduce_min3A_921 [0] : vector<128x1024xi32> to vector<1024xi32>
        %broadcast_in_dim3A_923 = vector.shape_cast %reduce_min3A_922 : vector<1024xi32> to vector<1x1024xi32>
        %gt3A_924 = arith.cmpf ogt, %broadcast_in_dim3A_912, %select_n3A_894 : vector<1x1024xf32>
        %select_n3A_925 = arith.select %gt3A_924, %broadcast_in_dim3A_912, %select_n3A_894 : vector<1x1024xi1>, vector<1x1024xf32>
        %select_n3A_926 = arith.select %gt3A_924, %broadcast_in_dim3A_923, %select_n3A_895 : vector<1x1024xi1>, vector<1x1024xi32>
        %get3A_927 = arith.constant 640 : index
        %get3A_928 = arith.constant 0 : index
        %get3A_929 = vector.load %arg14[%get3A_927, %get3A_928] : memref<1024x1024xf32, #tpu.memory_space<vmem>>, vector<128x1024xf32>
        %add3A_930 = arith.constant 640 : i32
        %add3A_931 = vector.broadcast %add3A_930 : i32 to vector<128x1024xi32>
        %add3A_932 = arith.addi %iota3A, %add3A_931 : vector<128x1024xi32>
        %eq3A_933 = vector.broadcast %while3A_766 : vector<1x1024xi32> to vector<128x1024xi32>
        %eq3A_934 = arith.cmpi eq, %add3A_932, %eq3A_933 : vector<128x1024xi32>
        %jit3A_935 = arith.constant -3.000000e+38 : f32
        %broadcast_in_dim3A_936 = vector.broadcast %jit3A_935 : f32 to vector<128x1024xf32>
        %select_n3A_937 = arith.select %eq3A_934, %broadcast_in_dim3A_936, %get3A_929 : vector<128x1024xi1>, vector<128x1024xf32>
        %swap3A_938 = arith.constant 640 : index
        %swap3A_939 = arith.constant 0 : index
        %swap3A_940 = vector.load %arg14[%swap3A_938, %swap3A_939] : memref<1024x1024xf32, #tpu.memory_space<vmem>>, vector<128x1024xf32>
        tpu.vector_store %arg14[%swap3A_938, %swap3A_939], %select_n3A_937 {strides = array<i32>} : memref<1024x1024xf32, #tpu.memory_space<vmem>>, vector<128x1024xf32>,
        %reduce_max3A_941 = arith.constant dense<0xFF800000> : vector<1024xf32>
        %reduce_max3A_942 = vector.multi_reduction <maximumf>, %select_n3A_937, %reduce_max3A_941 [0] : vector<128x1024xf32> to vector<1024xf32>
        %broadcast_in_dim3A_943 = vector.shape_cast %reduce_max3A_942 : vector<1024xf32> to vector<1x1024xf32>
        %eq3A_944 = vector.broadcast %broadcast_in_dim3A_943 : vector<1x1024xf32> to vector<128x1024xf32>
        %eq3A_945 = arith.cmpf oeq, %select_n3A_937, %eq3A_944 : vector<128x1024xf32>
        %add3A_946 = arith.constant 640 : i32
        %add3A_947 = vector.broadcast %add3A_946 : i32 to vector<128x1024xi32>
        %add3A_948 = arith.addi %iota3A, %add3A_947 : vector<128x1024xi32>
        %jit3A_949 = arith.constant 1073741824 : i32
        %broadcast_in_dim3A_950 = vector.broadcast %jit3A_949 : i32 to vector<128x1024xi32>
        %select_n3A_951 = arith.select %eq3A_945, %add3A_948, %broadcast_in_dim3A_950 : vector<128x1024xi1>, vector<128x1024xi32>
        %reduce_min3A_952 = arith.constant dense<2147483647> : vector<1024xi32>
        %reduce_min3A_953 = vector.multi_reduction <minsi>, %select_n3A_951, %reduce_min3A_952 [0] : vector<128x1024xi32> to vector<1024xi32>
        %broadcast_in_dim3A_954 = vector.shape_cast %reduce_min3A_953 : vector<1024xi32> to vector<1x1024xi32>
        %gt3A_955 = arith.cmpf ogt, %broadcast_in_dim3A_943, %select_n3A_925 : vector<1x1024xf32>
        %select_n3A_956 = arith.select %gt3A_955, %broadcast_in_dim3A_943, %select_n3A_925 : vector<1x1024xi1>, vector<1x1024xf32>
        %select_n3A_957 = arith.select %gt3A_955, %broadcast_in_dim3A_954, %select_n3A_926 : vector<1x1024xi1>, vector<1x1024xi32>
        %get3A_958 = arith.constant 768 : index
        %get3A_959 = arith.constant 0 : index
        %get3A_960 = vector.load %arg14[%get3A_958, %get3A_959] : memref<1024x1024xf32, #tpu.memory_space<vmem>>, vector<128x1024xf32>
        %add3A_961 = arith.constant 768 : i32
        %add3A_962 = vector.broadcast %add3A_961 : i32 to vector<128x1024xi32>
        %add3A_963 = arith.addi %iota3A, %add3A_962 : vector<128x1024xi32>
        %eq3A_964 = vector.broadcast %while3A_766 : vector<1x1024xi32> to vector<128x1024xi32>
        %eq3A_965 = arith.cmpi eq, %add3A_963, %eq3A_964 : vector<128x1024xi32>
        %jit3A_966 = arith.constant -3.000000e+38 : f32
        %broadcast_in_dim3A_967 = vector.broadcast %jit3A_966 : f32 to vector<128x1024xf32>
        %select_n3A_968 = arith.select %eq3A_965, %broadcast_in_dim3A_967, %get3A_960 : vector<128x1024xi1>, vector<128x1024xf32>
        %swap3A_969 = arith.constant 768 : index
        %swap3A_970 = arith.constant 0 : index
        %swap3A_971 = vector.load %arg14[%swap3A_969, %swap3A_970] : memref<1024x1024xf32, #tpu.memory_space<vmem>>, vector<128x1024xf32>
        tpu.vector_store %arg14[%swap3A_969, %swap3A_970], %select_n3A_968 {strides = array<i32>} : memref<1024x1024xf32, #tpu.memory_space<vmem>>, vector<128x1024xf32>,
        %reduce_max3A_972 = arith.constant dense<0xFF800000> : vector<1024xf32>
        %reduce_max3A_973 = vector.multi_reduction <maximumf>, %select_n3A_968, %reduce_max3A_972 [0] : vector<128x1024xf32> to vector<1024xf32>
        %broadcast_in_dim3A_974 = vector.shape_cast %reduce_max3A_973 : vector<1024xf32> to vector<1x1024xf32>
        %eq3A_975 = vector.broadcast %broadcast_in_dim3A_974 : vector<1x1024xf32> to vector<128x1024xf32>
        %eq3A_976 = arith.cmpf oeq, %select_n3A_968, %eq3A_975 : vector<128x1024xf32>
        %add3A_977 = arith.constant 768 : i32
        %add3A_978 = vector.broadcast %add3A_977 : i32 to vector<128x1024xi32>
        %add3A_979 = arith.addi %iota3A, %add3A_978 : vector<128x1024xi32>
        %jit3A_980 = arith.constant 1073741824 : i32
        %broadcast_in_dim3A_981 = vector.broadcast %jit3A_980 : i32 to vector<128x1024xi32>
        %select_n3A_982 = arith.select %eq3A_976, %add3A_979, %broadcast_in_dim3A_981 : vector<128x1024xi1>, vector<128x1024xi32>
        %reduce_min3A_983 = arith.constant dense<2147483647> : vector<1024xi32>
        %reduce_min3A_984 = vector.multi_reduction <minsi>, %select_n3A_982, %reduce_min3A_983 [0] : vector<128x1024xi32> to vector<1024xi32>
        %broadcast_in_dim3A_985 = vector.shape_cast %reduce_min3A_984 : vector<1024xi32> to vector<1x1024xi32>
        %gt3A_986 = arith.cmpf ogt, %broadcast_in_dim3A_974, %select_n3A_956 : vector<1x1024xf32>
        %select_n3A_987 = arith.select %gt3A_986, %broadcast_in_dim3A_974, %select_n3A_956 : vector<1x1024xi1>, vector<1x1024xf32>
        %select_n3A_988 = arith.select %gt3A_986, %broadcast_in_dim3A_985, %select_n3A_957 : vector<1x1024xi1>, vector<1x1024xi32>
        %get3A_989 = arith.constant 896 : index
        %get3A_990 = arith.constant 0 : index
        %get3A_991 = vector.load %arg14[%get3A_989, %get3A_990] : memref<1024x1024xf32, #tpu.memory_space<vmem>>, vector<128x1024xf32>
        %add3A_992 = arith.constant 896 : i32
        %add3A_993 = vector.broadcast %add3A_992 : i32 to vector<128x1024xi32>
        %add3A_994 = arith.addi %iota3A, %add3A_993 : vector<128x1024xi32>
        %eq3A_995 = vector.broadcast %while3A_766 : vector<1x1024xi32> to vector<128x1024xi32>
        %eq3A_996 = arith.cmpi eq, %add3A_994, %eq3A_995 : vector<128x1024xi32>
        %jit3A_997 = arith.constant -3.000000e+38 : f32
        %broadcast_in_dim3A_998 = vector.broadcast %jit3A_997 : f32 to vector<128x1024xf32>
        %select_n3A_999 = arith.select %eq3A_996, %broadcast_in_dim3A_998, %get3A_991 : vector<128x1024xi1>, vector<128x1024xf32>
        %swap3A_1000 = arith.constant 896 : index
        %swap3A_1001 = arith.constant 0 : index
        %swap3A_1002 = vector.load %arg14[%swap3A_1000, %swap3A_1001] : memref<1024x1024xf32, #tpu.memory_space<vmem>>, vector<128x1024xf32>
        tpu.vector_store %arg14[%swap3A_1000, %swap3A_1001], %select_n3A_999 {strides = array<i32>} : memref<1024x1024xf32, #tpu.memory_space<vmem>>, vector<128x1024xf32>,
        %reduce_max3A_1003 = arith.constant dense<0xFF800000> : vector<1024xf32>
        %reduce_max3A_1004 = vector.multi_reduction <maximumf>, %select_n3A_999, %reduce_max3A_1003 [0] : vector<128x1024xf32> to vector<1024xf32>
        %broadcast_in_dim3A_1005 = vector.shape_cast %reduce_max3A_1004 : vector<1024xf32> to vector<1x1024xf32>
        %eq3A_1006 = vector.broadcast %broadcast_in_dim3A_1005 : vector<1x1024xf32> to vector<128x1024xf32>
        %eq3A_1007 = arith.cmpf oeq, %select_n3A_999, %eq3A_1006 : vector<128x1024xf32>
        %add3A_1008 = arith.constant 896 : i32
        %add3A_1009 = vector.broadcast %add3A_1008 : i32 to vector<128x1024xi32>
        %add3A_1010 = arith.addi %iota3A, %add3A_1009 : vector<128x1024xi32>
        %jit3A_1011 = arith.constant 1073741824 : i32
        %broadcast_in_dim3A_1012 = vector.broadcast %jit3A_1011 : i32 to vector<128x1024xi32>
        %select_n3A_1013 = arith.select %eq3A_1007, %add3A_1010, %broadcast_in_dim3A_1012 : vector<128x1024xi1>, vector<128x1024xi32>
        %reduce_min3A_1014 = arith.constant dense<2147483647> : vector<1024xi32>
        %reduce_min3A_1015 = vector.multi_reduction <minsi>, %select_n3A_1013, %reduce_min3A_1014 [0] : vector<128x1024xi32> to vector<1024xi32>
        %broadcast_in_dim3A_1016 = vector.shape_cast %reduce_min3A_1015 : vector<1024xi32> to vector<1x1024xi32>
        %gt3A_1017 = arith.cmpf ogt, %broadcast_in_dim3A_1005, %select_n3A_987 : vector<1x1024xf32>
        %select_n3A_1018 = arith.select %gt3A_1017, %broadcast_in_dim3A_1005, %select_n3A_987 : vector<1x1024xi1>, vector<1x1024xf32>
        %select_n3A_1019 = arith.select %gt3A_1017, %broadcast_in_dim3A_1016, %select_n3A_988 : vector<1x1024xi1>, vector<1x1024xi32>
        %eq3A_1020 = vector.broadcast %while3A_765 : i32 to vector<16x1024xi32>
        %eq3A_1021 = arith.cmpi eq, %iota3A_77, %eq3A_1020 : vector<16x1024xi32>
        %broadcast_in_dim3A_1022 = vector.shape_cast %select_n3A_1018 : vector<1x1024xf32> to vector<1x1024xf32>
        %broadcast_in_dim3A_1023 = vector.broadcast %broadcast_in_dim3A_1022 : vector<1x1024xf32> to vector<16x1024xf32>
        %select_n3A_1024 = arith.select %eq3A_1021, %broadcast_in_dim3A_1023, %while3A_767 : vector<16x1024xi1>, vector<16x1024xf32>
        %eq3A_1025 = vector.broadcast %while3A_765 : i32 to vector<16x1024xi32>
        %eq3A_1026 = arith.cmpi eq, %iota3A_77, %eq3A_1025 : vector<16x1024xi32>
        %broadcast_in_dim3A_1027 = vector.shape_cast %select_n3A_1019 : vector<1x1024xi32> to vector<1x1024xi32>
        %broadcast_in_dim3A_1028 = vector.broadcast %broadcast_in_dim3A_1027 : vector<1x1024xi32> to vector<16x1024xi32>
        %select_n3A_1029 = arith.select %eq3A_1026, %broadcast_in_dim3A_1028, %while3A_768 : vector<16x1024xi1>, vector<16x1024xi32>
        scf.yield %select_n3A_1019, %select_n3A_1024, %select_n3A_1029 : vector<1x1024xi32>, vector<16x1024xf32>, vector<16x1024xi32>
      }
      %while3A_102 = arith.constant 1 : i32
      %while3A_103:3 = scf.for %while3A_765 = %while3A_99 to %while3A_95 step %while3A_102 iter_args(%while3A_766 = %while3A_101#0, %while3A_767 = %while3A_101#1, %while3A_768 = %while3A_101#2) -> (vector<1x1024xi32>, vector<16x1024xf32>, vector<16x1024xi32>)  : i32 {
        %broadcast_in_dim3A_769 = arith.constant -3.000000e+38 : f32
        %broadcast_in_dim3A_770 = vector.broadcast %broadcast_in_dim3A_769 : f32 to vector<1x1024xf32>
        %broadcast_in_dim3A_771 = arith.constant 1073741824 : i32
        %broadcast_in_dim3A_772 = vector.broadcast %broadcast_in_dim3A_771 : i32 to vector<1x1024xi32>
        %get3A_773 = arith.constant 0 : index
        %get3A_774 = arith.constant 0 : index
        %get3A_775 = vector.load %arg14[%get3A_773, %get3A_774] : memref<1024x1024xf32, #tpu.memory_space<vmem>>, vector<128x1024xf32>
        %add3A_776 = arith.constant 0 : i32
        %add3A_777 = vector.broadcast %add3A_776 : i32 to vector<128x1024xi32>
        %add3A_778 = arith.addi %iota3A, %add3A_777 : vector<128x1024xi32>
        %eq3A_779 = vector.broadcast %while3A_766 : vector<1x1024xi32> to vector<128x1024xi32>
        %eq3A_780 = arith.cmpi eq, %add3A_778, %eq3A_779 : vector<128x1024xi32>
        %jit3A_781 = arith.constant -3.000000e+38 : f32
        %broadcast_in_dim3A_782 = vector.broadcast %jit3A_781 : f32 to vector<128x1024xf32>
        %select_n3A_783 = arith.select %eq3A_780, %broadcast_in_dim3A_782, %get3A_775 : vector<128x1024xi1>, vector<128x1024xf32>
        %swap3A_784 = arith.constant 0 : index
        %swap3A_785 = arith.constant 0 : index
        %swap3A_786 = vector.load %arg14[%swap3A_784, %swap3A_785] : memref<1024x1024xf32, #tpu.memory_space<vmem>>, vector<128x1024xf32>
        tpu.vector_store %arg14[%swap3A_784, %swap3A_785], %select_n3A_783 {strides = array<i32>} : memref<1024x1024xf32, #tpu.memory_space<vmem>>, vector<128x1024xf32>,
        %reduce_max3A_787 = arith.constant dense<0xFF800000> : vector<1024xf32>
        %reduce_max3A_788 = vector.multi_reduction <maximumf>, %select_n3A_783, %reduce_max3A_787 [0] : vector<128x1024xf32> to vector<1024xf32>
        %broadcast_in_dim3A_789 = vector.shape_cast %reduce_max3A_788 : vector<1024xf32> to vector<1x1024xf32>
        %eq3A_790 = vector.broadcast %broadcast_in_dim3A_789 : vector<1x1024xf32> to vector<128x1024xf32>
        %eq3A_791 = arith.cmpf oeq, %select_n3A_783, %eq3A_790 : vector<128x1024xf32>
        %add3A_792 = arith.constant 0 : i32
        %add3A_793 = vector.broadcast %add3A_792 : i32 to vector<128x1024xi32>
        %add3A_794 = arith.addi %iota3A, %add3A_793 : vector<128x1024xi32>
        %jit3A_795 = arith.constant 1073741824 : i32
        %broadcast_in_dim3A_796 = vector.broadcast %jit3A_795 : i32 to vector<128x1024xi32>
        %select_n3A_797 = arith.select %eq3A_791, %add3A_794, %broadcast_in_dim3A_796 : vector<128x1024xi1>, vector<128x1024xi32>
        %reduce_min3A = arith.constant dense<2147483647> : vector<1024xi32>
        %reduce_min3A_798 = vector.multi_reduction <minsi>, %select_n3A_797, %reduce_min3A [0] : vector<128x1024xi32> to vector<1024xi32>
        %broadcast_in_dim3A_799 = vector.shape_cast %reduce_min3A_798 : vector<1024xi32> to vector<1x1024xi32>
        %gt3A_800 = arith.cmpf ogt, %broadcast_in_dim3A_789, %broadcast_in_dim3A_770 : vector<1x1024xf32>
        %select_n3A_801 = arith.select %gt3A_800, %broadcast_in_dim3A_789, %broadcast_in_dim3A_770 : vector<1x1024xi1>, vector<1x1024xf32>
        %select_n3A_802 = arith.select %gt3A_800, %broadcast_in_dim3A_799, %broadcast_in_dim3A_772 : vector<1x1024xi1>, vector<1x1024xi32>
        %get3A_803 = arith.constant 128 : index
        %get3A_804 = arith.constant 0 : index
        %get3A_805 = vector.load %arg14[%get3A_803, %get3A_804] : memref<1024x1024xf32, #tpu.memory_space<vmem>>, vector<128x1024xf32>
        %add3A_806 = arith.constant 128 : i32
        %add3A_807 = vector.broadcast %add3A_806 : i32 to vector<128x1024xi32>
        %add3A_808 = arith.addi %iota3A, %add3A_807 : vector<128x1024xi32>
        %eq3A_809 = vector.broadcast %while3A_766 : vector<1x1024xi32> to vector<128x1024xi32>
        %eq3A_810 = arith.cmpi eq, %add3A_808, %eq3A_809 : vector<128x1024xi32>
        %jit3A_811 = arith.constant -3.000000e+38 : f32
        %broadcast_in_dim3A_812 = vector.broadcast %jit3A_811 : f32 to vector<128x1024xf32>
        %select_n3A_813 = arith.select %eq3A_810, %broadcast_in_dim3A_812, %get3A_805 : vector<128x1024xi1>, vector<128x1024xf32>
        %swap3A_814 = arith.constant 128 : index
        %swap3A_815 = arith.constant 0 : index
        %swap3A_816 = vector.load %arg14[%swap3A_814, %swap3A_815] : memref<1024x1024xf32, #tpu.memory_space<vmem>>, vector<128x1024xf32>
        tpu.vector_store %arg14[%swap3A_814, %swap3A_815], %select_n3A_813 {strides = array<i32>} : memref<1024x1024xf32, #tpu.memory_space<vmem>>, vector<128x1024xf32>,
        %reduce_max3A_817 = arith.constant dense<0xFF800000> : vector<1024xf32>
        %reduce_max3A_818 = vector.multi_reduction <maximumf>, %select_n3A_813, %reduce_max3A_817 [0] : vector<128x1024xf32> to vector<1024xf32>
        %broadcast_in_dim3A_819 = vector.shape_cast %reduce_max3A_818 : vector<1024xf32> to vector<1x1024xf32>
        %eq3A_820 = vector.broadcast %broadcast_in_dim3A_819 : vector<1x1024xf32> to vector<128x1024xf32>
        %eq3A_821 = arith.cmpf oeq, %select_n3A_813, %eq3A_820 : vector<128x1024xf32>
        %add3A_822 = arith.constant 128 : i32
        %add3A_823 = vector.broadcast %add3A_822 : i32 to vector<128x1024xi32>
        %add3A_824 = arith.addi %iota3A, %add3A_823 : vector<128x1024xi32>
        %jit3A_825 = arith.constant 1073741824 : i32
        %broadcast_in_dim3A_826 = vector.broadcast %jit3A_825 : i32 to vector<128x1024xi32>
        %select_n3A_827 = arith.select %eq3A_821, %add3A_824, %broadcast_in_dim3A_826 : vector<128x1024xi1>, vector<128x1024xi32>
        %reduce_min3A_828 = arith.constant dense<2147483647> : vector<1024xi32>
        %reduce_min3A_829 = vector.multi_reduction <minsi>, %select_n3A_827, %reduce_min3A_828 [0] : vector<128x1024xi32> to vector<1024xi32>
        %broadcast_in_dim3A_830 = vector.shape_cast %reduce_min3A_829 : vector<1024xi32> to vector<1x1024xi32>
        %gt3A_831 = arith.cmpf ogt, %broadcast_in_dim3A_819, %select_n3A_801 : vector<1x1024xf32>
        %select_n3A_832 = arith.select %gt3A_831, %broadcast_in_dim3A_819, %select_n3A_801 : vector<1x1024xi1>, vector<1x1024xf32>
        %select_n3A_833 = arith.select %gt3A_831, %broadcast_in_dim3A_830, %select_n3A_802 : vector<1x1024xi1>, vector<1x1024xi32>
        %get3A_834 = arith.constant 256 : index
        %get3A_835 = arith.constant 0 : index
        %get3A_836 = vector.load %arg14[%get3A_834, %get3A_835] : memref<1024x1024xf32, #tpu.memory_space<vmem>>, vector<128x1024xf32>
        %add3A_837 = arith.constant 256 : i32
        %add3A_838 = vector.broadcast %add3A_837 : i32 to vector<128x1024xi32>
        %add3A_839 = arith.addi %iota3A, %add3A_838 : vector<128x1024xi32>
        %eq3A_840 = vector.broadcast %while3A_766 : vector<1x1024xi32> to vector<128x1024xi32>
        %eq3A_841 = arith.cmpi eq, %add3A_839, %eq3A_840 : vector<128x1024xi32>
        %jit3A_842 = arith.constant -3.000000e+38 : f32
        %broadcast_in_dim3A_843 = vector.broadcast %jit3A_842 : f32 to vector<128x1024xf32>
        %select_n3A_844 = arith.select %eq3A_841, %broadcast_in_dim3A_843, %get3A_836 : vector<128x1024xi1>, vector<128x1024xf32>
        %swap3A_845 = arith.constant 256 : index
        %swap3A_846 = arith.constant 0 : index
        %swap3A_847 = vector.load %arg14[%swap3A_845, %swap3A_846] : memref<1024x1024xf32, #tpu.memory_space<vmem>>, vector<128x1024xf32>
        tpu.vector_store %arg14[%swap3A_845, %swap3A_846], %select_n3A_844 {strides = array<i32>} : memref<1024x1024xf32, #tpu.memory_space<vmem>>, vector<128x1024xf32>,
        %reduce_max3A_848 = arith.constant dense<0xFF800000> : vector<1024xf32>
        %reduce_max3A_849 = vector.multi_reduction <maximumf>, %select_n3A_844, %reduce_max3A_848 [0] : vector<128x1024xf32> to vector<1024xf32>
        %broadcast_in_dim3A_850 = vector.shape_cast %reduce_max3A_849 : vector<1024xf32> to vector<1x1024xf32>
        %eq3A_851 = vector.broadcast %broadcast_in_dim3A_850 : vector<1x1024xf32> to vector<128x1024xf32>
        %eq3A_852 = arith.cmpf oeq, %select_n3A_844, %eq3A_851 : vector<128x1024xf32>
        %add3A_853 = arith.constant 256 : i32
        %add3A_854 = vector.broadcast %add3A_853 : i32 to vector<128x1024xi32>
        %add3A_855 = arith.addi %iota3A, %add3A_854 : vector<128x1024xi32>
        %jit3A_856 = arith.constant 1073741824 : i32
        %broadcast_in_dim3A_857 = vector.broadcast %jit3A_856 : i32 to vector<128x1024xi32>
        %select_n3A_858 = arith.select %eq3A_852, %add3A_855, %broadcast_in_dim3A_857 : vector<128x1024xi1>, vector<128x1024xi32>
        %reduce_min3A_859 = arith.constant dense<2147483647> : vector<1024xi32>
        %reduce_min3A_860 = vector.multi_reduction <minsi>, %select_n3A_858, %reduce_min3A_859 [0] : vector<128x1024xi32> to vector<1024xi32>
        %broadcast_in_dim3A_861 = vector.shape_cast %reduce_min3A_860 : vector<1024xi32> to vector<1x1024xi32>
        %gt3A_862 = arith.cmpf ogt, %broadcast_in_dim3A_850, %select_n3A_832 : vector<1x1024xf32>
        %select_n3A_863 = arith.select %gt3A_862, %broadcast_in_dim3A_850, %select_n3A_832 : vector<1x1024xi1>, vector<1x1024xf32>
        %select_n3A_864 = arith.select %gt3A_862, %broadcast_in_dim3A_861, %select_n3A_833 : vector<1x1024xi1>, vector<1x1024xi32>
        %get3A_865 = arith.constant 384 : index
        %get3A_866 = arith.constant 0 : index
        %get3A_867 = vector.load %arg14[%get3A_865, %get3A_866] : memref<1024x1024xf32, #tpu.memory_space<vmem>>, vector<128x1024xf32>
        %add3A_868 = arith.constant 384 : i32
        %add3A_869 = vector.broadcast %add3A_868 : i32 to vector<128x1024xi32>
        %add3A_870 = arith.addi %iota3A, %add3A_869 : vector<128x1024xi32>
        %eq3A_871 = vector.broadcast %while3A_766 : vector<1x1024xi32> to vector<128x1024xi32>
        %eq3A_872 = arith.cmpi eq, %add3A_870, %eq3A_871 : vector<128x1024xi32>
        %jit3A_873 = arith.constant -3.000000e+38 : f32
        %broadcast_in_dim3A_874 = vector.broadcast %jit3A_873 : f32 to vector<128x1024xf32>
        %select_n3A_875 = arith.select %eq3A_872, %broadcast_in_dim3A_874, %get3A_867 : vector<128x1024xi1>, vector<128x1024xf32>
        %swap3A_876 = arith.constant 384 : index
        %swap3A_877 = arith.constant 0 : index
        %swap3A_878 = vector.load %arg14[%swap3A_876, %swap3A_877] : memref<1024x1024xf32, #tpu.memory_space<vmem>>, vector<128x1024xf32>
        tpu.vector_store %arg14[%swap3A_876, %swap3A_877], %select_n3A_875 {strides = array<i32>} : memref<1024x1024xf32, #tpu.memory_space<vmem>>, vector<128x1024xf32>,
        %reduce_max3A_879 = arith.constant dense<0xFF800000> : vector<1024xf32>
        %reduce_max3A_880 = vector.multi_reduction <maximumf>, %select_n3A_875, %reduce_max3A_879 [0] : vector<128x1024xf32> to vector<1024xf32>
        %broadcast_in_dim3A_881 = vector.shape_cast %reduce_max3A_880 : vector<1024xf32> to vector<1x1024xf32>
        %eq3A_882 = vector.broadcast %broadcast_in_dim3A_881 : vector<1x1024xf32> to vector<128x1024xf32>
        %eq3A_883 = arith.cmpf oeq, %select_n3A_875, %eq3A_882 : vector<128x1024xf32>
        %add3A_884 = arith.constant 384 : i32
        %add3A_885 = vector.broadcast %add3A_884 : i32 to vector<128x1024xi32>
        %add3A_886 = arith.addi %iota3A, %add3A_885 : vector<128x1024xi32>
        %jit3A_887 = arith.constant 1073741824 : i32
        %broadcast_in_dim3A_888 = vector.broadcast %jit3A_887 : i32 to vector<128x1024xi32>
        %select_n3A_889 = arith.select %eq3A_883, %add3A_886, %broadcast_in_dim3A_888 : vector<128x1024xi1>, vector<128x1024xi32>
        %reduce_min3A_890 = arith.constant dense<2147483647> : vector<1024xi32>
        %reduce_min3A_891 = vector.multi_reduction <minsi>, %select_n3A_889, %reduce_min3A_890 [0] : vector<128x1024xi32> to vector<1024xi32>
        %broadcast_in_dim3A_892 = vector.shape_cast %reduce_min3A_891 : vector<1024xi32> to vector<1x1024xi32>
        %gt3A_893 = arith.cmpf ogt, %broadcast_in_dim3A_881, %select_n3A_863 : vector<1x1024xf32>
        %select_n3A_894 = arith.select %gt3A_893, %broadcast_in_dim3A_881, %select_n3A_863 : vector<1x1024xi1>, vector<1x1024xf32>
        %select_n3A_895 = arith.select %gt3A_893, %broadcast_in_dim3A_892, %select_n3A_864 : vector<1x1024xi1>, vector<1x1024xi32>
        %get3A_896 = arith.constant 512 : index
        %get3A_897 = arith.constant 0 : index
        %get3A_898 = vector.load %arg14[%get3A_896, %get3A_897] : memref<1024x1024xf32, #tpu.memory_space<vmem>>, vector<128x1024xf32>
        %add3A_899 = arith.constant 512 : i32
        %add3A_900 = vector.broadcast %add3A_899 : i32 to vector<128x1024xi32>
        %add3A_901 = arith.addi %iota3A, %add3A_900 : vector<128x1024xi32>
        %eq3A_902 = vector.broadcast %while3A_766 : vector<1x1024xi32> to vector<128x1024xi32>
        %eq3A_903 = arith.cmpi eq, %add3A_901, %eq3A_902 : vector<128x1024xi32>
        %jit3A_904 = arith.constant -3.000000e+38 : f32
        %broadcast_in_dim3A_905 = vector.broadcast %jit3A_904 : f32 to vector<128x1024xf32>
        %select_n3A_906 = arith.select %eq3A_903, %broadcast_in_dim3A_905, %get3A_898 : vector<128x1024xi1>, vector<128x1024xf32>
        %swap3A_907 = arith.constant 512 : index
        %swap3A_908 = arith.constant 0 : index
        %swap3A_909 = vector.load %arg14[%swap3A_907, %swap3A_908] : memref<1024x1024xf32, #tpu.memory_space<vmem>>, vector<128x1024xf32>
        tpu.vector_store %arg14[%swap3A_907, %swap3A_908], %select_n3A_906 {strides = array<i32>} : memref<1024x1024xf32, #tpu.memory_space<vmem>>, vector<128x1024xf32>,
        %reduce_max3A_910 = arith.constant dense<0xFF800000> : vector<1024xf32>
        %reduce_max3A_911 = vector.multi_reduction <maximumf>, %select_n3A_906, %reduce_max3A_910 [0] : vector<128x1024xf32> to vector<1024xf32>
        %broadcast_in_dim3A_912 = vector.shape_cast %reduce_max3A_911 : vector<1024xf32> to vector<1x1024xf32>
        %eq3A_913 = vector.broadcast %broadcast_in_dim3A_912 : vector<1x1024xf32> to vector<128x1024xf32>
        %eq3A_914 = arith.cmpf oeq, %select_n3A_906, %eq3A_913 : vector<128x1024xf32>
        %add3A_915 = arith.constant 512 : i32
        %add3A_916 = vector.broadcast %add3A_915 : i32 to vector<128x1024xi32>
        %add3A_917 = arith.addi %iota3A, %add3A_916 : vector<128x1024xi32>
        %jit3A_918 = arith.constant 1073741824 : i32
        %broadcast_in_dim3A_919 = vector.broadcast %jit3A_918 : i32 to vector<128x1024xi32>
        %select_n3A_920 = arith.select %eq3A_914, %add3A_917, %broadcast_in_dim3A_919 : vector<128x1024xi1>, vector<128x1024xi32>
        %reduce_min3A_921 = arith.constant dense<2147483647> : vector<1024xi32>
        %reduce_min3A_922 = vector.multi_reduction <minsi>, %select_n3A_920, %reduce_min3A_921 [0] : vector<128x1024xi32> to vector<1024xi32>
        %broadcast_in_dim3A_923 = vector.shape_cast %reduce_min3A_922 : vector<1024xi32> to vector<1x1024xi32>
        %gt3A_924 = arith.cmpf ogt, %broadcast_in_dim3A_912, %select_n3A_894 : vector<1x1024xf32>
        %select_n3A_925 = arith.select %gt3A_924, %broadcast_in_dim3A_912, %select_n3A_894 : vector<1x1024xi1>, vector<1x1024xf32>
        %select_n3A_926 = arith.select %gt3A_924, %broadcast_in_dim3A_923, %select_n3A_895 : vector<1x1024xi1>, vector<1x1024xi32>
        %get3A_927 = arith.constant 640 : index
        %get3A_928 = arith.constant 0 : index
        %get3A_929 = vector.load %arg14[%get3A_927, %get3A_928] : memref<1024x1024xf32, #tpu.memory_space<vmem>>, vector<128x1024xf32>
        %add3A_930 = arith.constant 640 : i32
        %add3A_931 = vector.broadcast %add3A_930 : i32 to vector<128x1024xi32>
        %add3A_932 = arith.addi %iota3A, %add3A_931 : vector<128x1024xi32>
        %eq3A_933 = vector.broadcast %while3A_766 : vector<1x1024xi32> to vector<128x1024xi32>
        %eq3A_934 = arith.cmpi eq, %add3A_932, %eq3A_933 : vector<128x1024xi32>
        %jit3A_935 = arith.constant -3.000000e+38 : f32
        %broadcast_in_dim3A_936 = vector.broadcast %jit3A_935 : f32 to vector<128x1024xf32>
        %select_n3A_937 = arith.select %eq3A_934, %broadcast_in_dim3A_936, %get3A_929 : vector<128x1024xi1>, vector<128x1024xf32>
        %swap3A_938 = arith.constant 640 : index
        %swap3A_939 = arith.constant 0 : index
        %swap3A_940 = vector.load %arg14[%swap3A_938, %swap3A_939] : memref<1024x1024xf32, #tpu.memory_space<vmem>>, vector<128x1024xf32>
        tpu.vector_store %arg14[%swap3A_938, %swap3A_939], %select_n3A_937 {strides = array<i32>} : memref<1024x1024xf32, #tpu.memory_space<vmem>>, vector<128x1024xf32>,
        %reduce_max3A_941 = arith.constant dense<0xFF800000> : vector<1024xf32>
        %reduce_max3A_942 = vector.multi_reduction <maximumf>, %select_n3A_937, %reduce_max3A_941 [0] : vector<128x1024xf32> to vector<1024xf32>
        %broadcast_in_dim3A_943 = vector.shape_cast %reduce_max3A_942 : vector<1024xf32> to vector<1x1024xf32>
        %eq3A_944 = vector.broadcast %broadcast_in_dim3A_943 : vector<1x1024xf32> to vector<128x1024xf32>
        %eq3A_945 = arith.cmpf oeq, %select_n3A_937, %eq3A_944 : vector<128x1024xf32>
        %add3A_946 = arith.constant 640 : i32
        %add3A_947 = vector.broadcast %add3A_946 : i32 to vector<128x1024xi32>
        %add3A_948 = arith.addi %iota3A, %add3A_947 : vector<128x1024xi32>
        %jit3A_949 = arith.constant 1073741824 : i32
        %broadcast_in_dim3A_950 = vector.broadcast %jit3A_949 : i32 to vector<128x1024xi32>
        %select_n3A_951 = arith.select %eq3A_945, %add3A_948, %broadcast_in_dim3A_950 : vector<128x1024xi1>, vector<128x1024xi32>
        %reduce_min3A_952 = arith.constant dense<2147483647> : vector<1024xi32>
        %reduce_min3A_953 = vector.multi_reduction <minsi>, %select_n3A_951, %reduce_min3A_952 [0] : vector<128x1024xi32> to vector<1024xi32>
        %broadcast_in_dim3A_954 = vector.shape_cast %reduce_min3A_953 : vector<1024xi32> to vector<1x1024xi32>
        %gt3A_955 = arith.cmpf ogt, %broadcast_in_dim3A_943, %select_n3A_925 : vector<1x1024xf32>
        %select_n3A_956 = arith.select %gt3A_955, %broadcast_in_dim3A_943, %select_n3A_925 : vector<1x1024xi1>, vector<1x1024xf32>
        %select_n3A_957 = arith.select %gt3A_955, %broadcast_in_dim3A_954, %select_n3A_926 : vector<1x1024xi1>, vector<1x1024xi32>
        %get3A_958 = arith.constant 768 : index
        %get3A_959 = arith.constant 0 : index
        %get3A_960 = vector.load %arg14[%get3A_958, %get3A_959] : memref<1024x1024xf32, #tpu.memory_space<vmem>>, vector<128x1024xf32>
        %add3A_961 = arith.constant 768 : i32
        %add3A_962 = vector.broadcast %add3A_961 : i32 to vector<128x1024xi32>
        %add3A_963 = arith.addi %iota3A, %add3A_962 : vector<128x1024xi32>
        %eq3A_964 = vector.broadcast %while3A_766 : vector<1x1024xi32> to vector<128x1024xi32>
        %eq3A_965 = arith.cmpi eq, %add3A_963, %eq3A_964 : vector<128x1024xi32>
        %jit3A_966 = arith.constant -3.000000e+38 : f32
        %broadcast_in_dim3A_967 = vector.broadcast %jit3A_966 : f32 to vector<128x1024xf32>
        %select_n3A_968 = arith.select %eq3A_965, %broadcast_in_dim3A_967, %get3A_960 : vector<128x1024xi1>, vector<128x1024xf32>
        %swap3A_969 = arith.constant 768 : index
        %swap3A_970 = arith.constant 0 : index
        %swap3A_971 = vector.load %arg14[%swap3A_969, %swap3A_970] : memref<1024x1024xf32, #tpu.memory_space<vmem>>, vector<128x1024xf32>
        tpu.vector_store %arg14[%swap3A_969, %swap3A_970], %select_n3A_968 {strides = array<i32>} : memref<1024x1024xf32, #tpu.memory_space<vmem>>, vector<128x1024xf32>,
        %reduce_max3A_972 = arith.constant dense<0xFF800000> : vector<1024xf32>
        %reduce_max3A_973 = vector.multi_reduction <maximumf>, %select_n3A_968, %reduce_max3A_972 [0] : vector<128x1024xf32> to vector<1024xf32>
        %broadcast_in_dim3A_974 = vector.shape_cast %reduce_max3A_973 : vector<1024xf32> to vector<1x1024xf32>
        %eq3A_975 = vector.broadcast %broadcast_in_dim3A_974 : vector<1x1024xf32> to vector<128x1024xf32>
        %eq3A_976 = arith.cmpf oeq, %select_n3A_968, %eq3A_975 : vector<128x1024xf32>
        %add3A_977 = arith.constant 768 : i32
        %add3A_978 = vector.broadcast %add3A_977 : i32 to vector<128x1024xi32>
        %add3A_979 = arith.addi %iota3A, %add3A_978 : vector<128x1024xi32>
        %jit3A_980 = arith.constant 1073741824 : i32
        %broadcast_in_dim3A_981 = vector.broadcast %jit3A_980 : i32 to vector<128x1024xi32>
        %select_n3A_982 = arith.select %eq3A_976, %add3A_979, %broadcast_in_dim3A_981 : vector<128x1024xi1>, vector<128x1024xi32>
        %reduce_min3A_983 = arith.constant dense<2147483647> : vector<1024xi32>
        %reduce_min3A_984 = vector.multi_reduction <minsi>, %select_n3A_982, %reduce_min3A_983 [0] : vector<128x1024xi32> to vector<1024xi32>
        %broadcast_in_dim3A_985 = vector.shape_cast %reduce_min3A_984 : vector<1024xi32> to vector<1x1024xi32>
        %gt3A_986 = arith.cmpf ogt, %broadcast_in_dim3A_974, %select_n3A_956 : vector<1x1024xf32>
        %select_n3A_987 = arith.select %gt3A_986, %broadcast_in_dim3A_974, %select_n3A_956 : vector<1x1024xi1>, vector<1x1024xf32>
        %select_n3A_988 = arith.select %gt3A_986, %broadcast_in_dim3A_985, %select_n3A_957 : vector<1x1024xi1>, vector<1x1024xi32>
        %get3A_989 = arith.constant 896 : index
        %get3A_990 = arith.constant 0 : index
        %get3A_991 = vector.load %arg14[%get3A_989, %get3A_990] : memref<1024x1024xf32, #tpu.memory_space<vmem>>, vector<128x1024xf32>
        %add3A_992 = arith.constant 896 : i32
        %add3A_993 = vector.broadcast %add3A_992 : i32 to vector<128x1024xi32>
        %add3A_994 = arith.addi %iota3A, %add3A_993 : vector<128x1024xi32>
        %eq3A_995 = vector.broadcast %while3A_766 : vector<1x1024xi32> to vector<128x1024xi32>
        %eq3A_996 = arith.cmpi eq, %add3A_994, %eq3A_995 : vector<128x1024xi32>
        %jit3A_997 = arith.constant -3.000000e+38 : f32
        %broadcast_in_dim3A_998 = vector.broadcast %jit3A_997 : f32 to vector<128x1024xf32>
        %select_n3A_999 = arith.select %eq3A_996, %broadcast_in_dim3A_998, %get3A_991 : vector<128x1024xi1>, vector<128x1024xf32>
        %swap3A_1000 = arith.constant 896 : index
        %swap3A_1001 = arith.constant 0 : index
        %swap3A_1002 = vector.load %arg14[%swap3A_1000, %swap3A_1001] : memref<1024x1024xf32, #tpu.memory_space<vmem>>, vector<128x1024xf32>
        tpu.vector_store %arg14[%swap3A_1000, %swap3A_1001], %select_n3A_999 {strides = array<i32>} : memref<1024x1024xf32, #tpu.memory_space<vmem>>, vector<128x1024xf32>,
        %reduce_max3A_1003 = arith.constant dense<0xFF800000> : vector<1024xf32>
        %reduce_max3A_1004 = vector.multi_reduction <maximumf>, %select_n3A_999, %reduce_max3A_1003 [0] : vector<128x1024xf32> to vector<1024xf32>
        %broadcast_in_dim3A_1005 = vector.shape_cast %reduce_max3A_1004 : vector<1024xf32> to vector<1x1024xf32>
        %eq3A_1006 = vector.broadcast %broadcast_in_dim3A_1005 : vector<1x1024xf32> to vector<128x1024xf32>
        %eq3A_1007 = arith.cmpf oeq, %select_n3A_999, %eq3A_1006 : vector<128x1024xf32>
        %add3A_1008 = arith.constant 896 : i32
        %add3A_1009 = vector.broadcast %add3A_1008 : i32 to vector<128x1024xi32>
        %add3A_1010 = arith.addi %iota3A, %add3A_1009 : vector<128x1024xi32>
        %jit3A_1011 = arith.constant 1073741824 : i32
        %broadcast_in_dim3A_1012 = vector.broadcast %jit3A_1011 : i32 to vector<128x1024xi32>
        %select_n3A_1013 = arith.select %eq3A_1007, %add3A_1010, %broadcast_in_dim3A_1012 : vector<128x1024xi1>, vector<128x1024xi32>
        %reduce_min3A_1014 = arith.constant dense<2147483647> : vector<1024xi32>
        %reduce_min3A_1015 = vector.multi_reduction <minsi>, %select_n3A_1013, %reduce_min3A_1014 [0] : vector<128x1024xi32> to vector<1024xi32>
        %broadcast_in_dim3A_1016 = vector.shape_cast %reduce_min3A_1015 : vector<1024xi32> to vector<1x1024xi32>
        %gt3A_1017 = arith.cmpf ogt, %broadcast_in_dim3A_1005, %select_n3A_987 : vector<1x1024xf32>
        %select_n3A_1018 = arith.select %gt3A_1017, %broadcast_in_dim3A_1005, %select_n3A_987 : vector<1x1024xi1>, vector<1x1024xf32>
        %select_n3A_1019 = arith.select %gt3A_1017, %broadcast_in_dim3A_1016, %select_n3A_988 : vector<1x1024xi1>, vector<1x1024xi32>
        %eq3A_1020 = vector.broadcast %while3A_765 : i32 to vector<16x1024xi32>
        %eq3A_1021 = arith.cmpi eq, %iota3A_77, %eq3A_1020 : vector<16x1024xi32>
        %broadcast_in_dim3A_1022 = vector.shape_cast %select_n3A_1018 : vector<1x1024xf32> to vector<1x1024xf32>
        %broadcast_in_dim3A_1023 = vector.broadcast %broadcast_in_dim3A_1022 : vector<1x1024xf32> to vector<16x1024xf32>
        %select_n3A_1024 = arith.select %eq3A_1021, %broadcast_in_dim3A_1023, %while3A_767 : vector<16x1024xi1>, vector<16x1024xf32>
        %eq3A_1025 = vector.broadcast %while3A_765 : i32 to vector<16x1024xi32>
        %eq3A_1026 = arith.cmpi eq, %iota3A_77, %eq3A_1025 : vector<16x1024xi32>
        %broadcast_in_dim3A_1027 = vector.shape_cast %select_n3A_1019 : vector<1x1024xi32> to vector<1x1024xi32>
        %broadcast_in_dim3A_1028 = vector.broadcast %broadcast_in_dim3A_1027 : vector<1x1024xi32> to vector<16x1024xi32>
        %select_n3A_1029 = arith.select %eq3A_1026, %broadcast_in_dim3A_1028, %while3A_768 : vector<16x1024xi1>, vector<16x1024xi32>
        scf.yield %select_n3A_1019, %select_n3A_1024, %select_n3A_1029 : vector<1x1024xi32>, vector<16x1024xf32>, vector<16x1024xi32>
      }
      %get3A_104 = arith.constant 0 : index
      %get3A_105 = arith.constant 0 : index
      %get3A_106 = vector.load %arg15[%get3A_104, %get3A_105] : memref<16x1024xf32, #tpu.memory_space<vmem>>, vector<16x1024xf32>
      %get3A_107 = arith.constant 0 : index
      %get3A_108 = arith.constant 0 : index
      %get3A_109 = vector.load %arg16[%get3A_107, %get3A_108] : memref<16x1024xi32, #tpu.memory_space<vmem>>, vector<16x1024xi32>
      %mul3A_110 = arith.constant 1024 : i32
      %mul3A_111 = arith.muli %arg0, %mul3A_110 : i32
      %add3A_112 = vector.broadcast %mul3A_111 : i32 to vector<16x1024xi32>
      %add3A_113 = arith.addi %while3A_103#2, %add3A_112 : vector<16x1024xi32>
      %slice3A = vector.extract_strided_slice %while3A_103#1 {offsets = [0, 0], sizes = [1, 1024], strides = [1, 1]} : vector<16x1024xf32> to vector<1x1024xf32>
      %gt3A_114 = vector.broadcast %slice3A : vector<1x1024xf32> to vector<16x1024xf32>
      %gt3A_115 = arith.cmpf ogt, %gt3A_114, %get3A_106 : vector<16x1024xf32>
      %jit3A_116 = arith.constant 1 : i32
      %jit3A_117 = arith.constant 0 : i32
      %broadcast_in_dim3A_118 = vector.broadcast %jit3A_116 : i32 to vector<16x1024xi32>
      %broadcast_in_dim3A_119 = vector.broadcast %jit3A_117 : i32 to vector<16x1024xi32>
      %select_n3A_120 = arith.select %gt3A_115, %broadcast_in_dim3A_118, %broadcast_in_dim3A_119 : vector<16x1024xi1>, vector<16x1024xi32>
      %add3A_121 = arith.addi %iota3A_77, %select_n3A_120 : vector<16x1024xi32>
      %slice3A_122 = vector.extract_strided_slice %get3A_106 {offsets = [0, 0], sizes = [1, 1024], strides = [1, 1]} : vector<16x1024xf32> to vector<1x1024xf32>
      %ge3A = vector.broadcast %slice3A_122 : vector<1x1024xf32> to vector<16x1024xf32>
      %ge3A_123 = arith.cmpf oge, %ge3A, %while3A_103#1 : vector<16x1024xf32>
      %jit3A_124 = arith.constant 1 : i32
      %jit3A_125 = arith.constant 0 : i32
      %broadcast_in_dim3A_126 = vector.broadcast %jit3A_124 : i32 to vector<16x1024xi32>
      %broadcast_in_dim3A_127 = vector.broadcast %jit3A_125 : i32 to vector<16x1024xi32>
      %select_n3A_128 = arith.select %ge3A_123, %broadcast_in_dim3A_126, %broadcast_in_dim3A_127 : vector<16x1024xi1>, vector<16x1024xi32>
      %add3A_129 = arith.addi %iota3A_77, %select_n3A_128 : vector<16x1024xi32>
      %slice3A_130 = vector.extract_strided_slice %while3A_103#1 {offsets = [1, 0], sizes = [1, 1024], strides = [1, 1]} : vector<16x1024xf32> to vector<1x1024xf32>
      %gt3A_131 = vector.broadcast %slice3A_130 : vector<1x1024xf32> to vector<16x1024xf32>
      %gt3A_132 = arith.cmpf ogt, %gt3A_131, %get3A_106 : vector<16x1024xf32>
      %jit3A_133 = arith.constant 1 : i32
      %jit3A_134 = arith.constant 0 : i32
      %broadcast_in_dim3A_135 = vector.broadcast %jit3A_133 : i32 to vector<16x1024xi32>
      %broadcast_in_dim3A_136 = vector.broadcast %jit3A_134 : i32 to vector<16x1024xi32>
      %select_n3A_137 = arith.select %gt3A_132, %broadcast_in_dim3A_135, %broadcast_in_dim3A_136 : vector<16x1024xi1>, vector<16x1024xi32>
      %add3A_138 = arith.addi %add3A_121, %select_n3A_137 : vector<16x1024xi32>
      %slice3A_139 = vector.extract_strided_slice %get3A_106 {offsets = [1, 0], sizes = [1, 1024], strides = [1, 1]} : vector<16x1024xf32> to vector<1x1024xf32>
      %ge3A_140 = vector.broadcast %slice3A_139 : vector<1x1024xf32> to vector<16x1024xf32>
      %ge3A_141 = arith.cmpf oge, %ge3A_140, %while3A_103#1 : vector<16x1024xf32>
      %jit3A_142 = arith.constant 1 : i32
      %jit3A_143 = arith.constant 0 : i32
      %broadcast_in_dim3A_144 = vector.broadcast %jit3A_142 : i32 to vector<16x1024xi32>
      %broadcast_in_dim3A_145 = vector.broadcast %jit3A_143 : i32 to vector<16x1024xi32>
      %select_n3A_146 = arith.select %ge3A_141, %broadcast_in_dim3A_144, %broadcast_in_dim3A_145 : vector<16x1024xi1>, vector<16x1024xi32>
      %add3A_147 = arith.addi %add3A_129, %select_n3A_146 : vector<16x1024xi32>
      %slice3A_148 = vector.extract_strided_slice %while3A_103#1 {offsets = [2, 0], sizes = [1, 1024], strides = [1, 1]} : vector<16x1024xf32> to vector<1x1024xf32>
      %gt3A_149 = vector.broadcast %slice3A_148 : vector<1x1024xf32> to vector<16x1024xf32>
      %gt3A_150 = arith.cmpf ogt, %gt3A_149, %get3A_106 : vector<16x1024xf32>
      %jit3A_151 = arith.constant 1 : i32
      %jit3A_152 = arith.constant 0 : i32
      %broadcast_in_dim3A_153 = vector.broadcast %jit3A_151 : i32 to vector<16x1024xi32>
      %broadcast_in_dim3A_154 = vector.broadcast %jit3A_152 : i32 to vector<16x1024xi32>
      %select_n3A_155 = arith.select %gt3A_150, %broadcast_in_dim3A_153, %broadcast_in_dim3A_154 : vector<16x1024xi1>, vector<16x1024xi32>
      %add3A_156 = arith.addi %add3A_138, %select_n3A_155 : vector<16x1024xi32>
      %slice3A_157 = vector.extract_strided_slice %get3A_106 {offsets = [2, 0], sizes = [1, 1024], strides = [1, 1]} : vector<16x1024xf32> to vector<1x1024xf32>
      %ge3A_158 = vector.broadcast %slice3A_157 : vector<1x1024xf32> to vector<16x1024xf32>
      %ge3A_159 = arith.cmpf oge, %ge3A_158, %while3A_103#1 : vector<16x1024xf32>
      %jit3A_160 = arith.constant 1 : i32
      %jit3A_161 = arith.constant 0 : i32
      %broadcast_in_dim3A_162 = vector.broadcast %jit3A_160 : i32 to vector<16x1024xi32>
      %broadcast_in_dim3A_163 = vector.broadcast %jit3A_161 : i32 to vector<16x1024xi32>
      %select_n3A_164 = arith.select %ge3A_159, %broadcast_in_dim3A_162, %broadcast_in_dim3A_163 : vector<16x1024xi1>, vector<16x1024xi32>
      %add3A_165 = arith.addi %add3A_147, %select_n3A_164 : vector<16x1024xi32>
      %slice3A_166 = vector.extract_strided_slice %while3A_103#1 {offsets = [3, 0], sizes = [1, 1024], strides = [1, 1]} : vector<16x1024xf32> to vector<1x1024xf32>
      %gt3A_167 = vector.broadcast %slice3A_166 : vector<1x1024xf32> to vector<16x1024xf32>
      %gt3A_168 = arith.cmpf ogt, %gt3A_167, %get3A_106 : vector<16x1024xf32>
      %jit3A_169 = arith.constant 1 : i32
      %jit3A_170 = arith.constant 0 : i32
      %broadcast_in_dim3A_171 = vector.broadcast %jit3A_169 : i32 to vector<16x1024xi32>
      %broadcast_in_dim3A_172 = vector.broadcast %jit3A_170 : i32 to vector<16x1024xi32>
      %select_n3A_173 = arith.select %gt3A_168, %broadcast_in_dim3A_171, %broadcast_in_dim3A_172 : vector<16x1024xi1>, vector<16x1024xi32>
      %add3A_174 = arith.addi %add3A_156, %select_n3A_173 : vector<16x1024xi32>
      %slice3A_175 = vector.extract_strided_slice %get3A_106 {offsets = [3, 0], sizes = [1, 1024], strides = [1, 1]} : vector<16x1024xf32> to vector<1x1024xf32>
      %ge3A_176 = vector.broadcast %slice3A_175 : vector<1x1024xf32> to vector<16x1024xf32>
      %ge3A_177 = arith.cmpf oge, %ge3A_176, %while3A_103#1 : vector<16x1024xf32>
      %jit3A_178 = arith.constant 1 : i32
      %jit3A_179 = arith.constant 0 : i32
      %broadcast_in_dim3A_180 = vector.broadcast %jit3A_178 : i32 to vector<16x1024xi32>
      %broadcast_in_dim3A_181 = vector.broadcast %jit3A_179 : i32 to vector<16x1024xi32>
      %select_n3A_182 = arith.select %ge3A_177, %broadcast_in_dim3A_180, %broadcast_in_dim3A_181 : vector<16x1024xi1>, vector<16x1024xi32>
      %add3A_183 = arith.addi %add3A_165, %select_n3A_182 : vector<16x1024xi32>
      %slice3A_184 = vector.extract_strided_slice %while3A_103#1 {offsets = [4, 0], sizes = [1, 1024], strides = [1, 1]} : vector<16x1024xf32> to vector<1x1024xf32>
      %gt3A_185 = vector.broadcast %slice3A_184 : vector<1x1024xf32> to vector<16x1024xf32>
      %gt3A_186 = arith.cmpf ogt, %gt3A_185, %get3A_106 : vector<16x1024xf32>
      %jit3A_187 = arith.constant 1 : i32
      %jit3A_188 = arith.constant 0 : i32
      %broadcast_in_dim3A_189 = vector.broadcast %jit3A_187 : i32 to vector<16x1024xi32>
      %broadcast_in_dim3A_190 = vector.broadcast %jit3A_188 : i32 to vector<16x1024xi32>
      %select_n3A_191 = arith.select %gt3A_186, %broadcast_in_dim3A_189, %broadcast_in_dim3A_190 : vector<16x1024xi1>, vector<16x1024xi32>
      %add3A_192 = arith.addi %add3A_174, %select_n3A_191 : vector<16x1024xi32>
      %slice3A_193 = vector.extract_strided_slice %get3A_106 {offsets = [4, 0], sizes = [1, 1024], strides = [1, 1]} : vector<16x1024xf32> to vector<1x1024xf32>
      %ge3A_194 = vector.broadcast %slice3A_193 : vector<1x1024xf32> to vector<16x1024xf32>
      %ge3A_195 = arith.cmpf oge, %ge3A_194, %while3A_103#1 : vector<16x1024xf32>
      %jit3A_196 = arith.constant 1 : i32
      %jit3A_197 = arith.constant 0 : i32
      %broadcast_in_dim3A_198 = vector.broadcast %jit3A_196 : i32 to vector<16x1024xi32>
      %broadcast_in_dim3A_199 = vector.broadcast %jit3A_197 : i32 to vector<16x1024xi32>
      %select_n3A_200 = arith.select %ge3A_195, %broadcast_in_dim3A_198, %broadcast_in_dim3A_199 : vector<16x1024xi1>, vector<16x1024xi32>
      %add3A_201 = arith.addi %add3A_183, %select_n3A_200 : vector<16x1024xi32>
      %slice3A_202 = vector.extract_strided_slice %while3A_103#1 {offsets = [5, 0], sizes = [1, 1024], strides = [1, 1]} : vector<16x1024xf32> to vector<1x1024xf32>
      %gt3A_203 = vector.broadcast %slice3A_202 : vector<1x1024xf32> to vector<16x1024xf32>
      %gt3A_204 = arith.cmpf ogt, %gt3A_203, %get3A_106 : vector<16x1024xf32>
      %jit3A_205 = arith.constant 1 : i32
      %jit3A_206 = arith.constant 0 : i32
      %broadcast_in_dim3A_207 = vector.broadcast %jit3A_205 : i32 to vector<16x1024xi32>
      %broadcast_in_dim3A_208 = vector.broadcast %jit3A_206 : i32 to vector<16x1024xi32>
      %select_n3A_209 = arith.select %gt3A_204, %broadcast_in_dim3A_207, %broadcast_in_dim3A_208 : vector<16x1024xi1>, vector<16x1024xi32>
      %add3A_210 = arith.addi %add3A_192, %select_n3A_209 : vector<16x1024xi32>
      %slice3A_211 = vector.extract_strided_slice %get3A_106 {offsets = [5, 0], sizes = [1, 1024], strides = [1, 1]} : vector<16x1024xf32> to vector<1x1024xf32>
      %ge3A_212 = vector.broadcast %slice3A_211 : vector<1x1024xf32> to vector<16x1024xf32>
      %ge3A_213 = arith.cmpf oge, %ge3A_212, %while3A_103#1 : vector<16x1024xf32>
      %jit3A_214 = arith.constant 1 : i32
      %jit3A_215 = arith.constant 0 : i32
      %broadcast_in_dim3A_216 = vector.broadcast %jit3A_214 : i32 to vector<16x1024xi32>
      %broadcast_in_dim3A_217 = vector.broadcast %jit3A_215 : i32 to vector<16x1024xi32>
      %select_n3A_218 = arith.select %ge3A_213, %broadcast_in_dim3A_216, %broadcast_in_dim3A_217 : vector<16x1024xi1>, vector<16x1024xi32>
      %add3A_219 = arith.addi %add3A_201, %select_n3A_218 : vector<16x1024xi32>
      %slice3A_220 = vector.extract_strided_slice %while3A_103#1 {offsets = [6, 0], sizes = [1, 1024], strides = [1, 1]} : vector<16x1024xf32> to vector<1x1024xf32>
      %gt3A_221 = vector.broadcast %slice3A_220 : vector<1x1024xf32> to vector<16x1024xf32>
      %gt3A_222 = arith.cmpf ogt, %gt3A_221, %get3A_106 : vector<16x1024xf32>
      %jit3A_223 = arith.constant 1 : i32
      %jit3A_224 = arith.constant 0 : i32
      %broadcast_in_dim3A_225 = vector.broadcast %jit3A_223 : i32 to vector<16x1024xi32>
      %broadcast_in_dim3A_226 = vector.broadcast %jit3A_224 : i32 to vector<16x1024xi32>
      %select_n3A_227 = arith.select %gt3A_222, %broadcast_in_dim3A_225, %broadcast_in_dim3A_226 : vector<16x1024xi1>, vector<16x1024xi32>
      %add3A_228 = arith.addi %add3A_210, %select_n3A_227 : vector<16x1024xi32>
      %slice3A_229 = vector.extract_strided_slice %get3A_106 {offsets = [6, 0], sizes = [1, 1024], strides = [1, 1]} : vector<16x1024xf32> to vector<1x1024xf32>
      %ge3A_230 = vector.broadcast %slice3A_229 : vector<1x1024xf32> to vector<16x1024xf32>
      %ge3A_231 = arith.cmpf oge, %ge3A_230, %while3A_103#1 : vector<16x1024xf32>
      %jit3A_232 = arith.constant 1 : i32
      %jit3A_233 = arith.constant 0 : i32
      %broadcast_in_dim3A_234 = vector.broadcast %jit3A_232 : i32 to vector<16x1024xi32>
      %broadcast_in_dim3A_235 = vector.broadcast %jit3A_233 : i32 to vector<16x1024xi32>
      %select_n3A_236 = arith.select %ge3A_231, %broadcast_in_dim3A_234, %broadcast_in_dim3A_235 : vector<16x1024xi1>, vector<16x1024xi32>
      %add3A_237 = arith.addi %add3A_219, %select_n3A_236 : vector<16x1024xi32>
      %slice3A_238 = vector.extract_strided_slice %while3A_103#1 {offsets = [7, 0], sizes = [1, 1024], strides = [1, 1]} : vector<16x1024xf32> to vector<1x1024xf32>
      %gt3A_239 = vector.broadcast %slice3A_238 : vector<1x1024xf32> to vector<16x1024xf32>
      %gt3A_240 = arith.cmpf ogt, %gt3A_239, %get3A_106 : vector<16x1024xf32>
      %jit3A_241 = arith.constant 1 : i32
      %jit3A_242 = arith.constant 0 : i32
      %broadcast_in_dim3A_243 = vector.broadcast %jit3A_241 : i32 to vector<16x1024xi32>
      %broadcast_in_dim3A_244 = vector.broadcast %jit3A_242 : i32 to vector<16x1024xi32>
      %select_n3A_245 = arith.select %gt3A_240, %broadcast_in_dim3A_243, %broadcast_in_dim3A_244 : vector<16x1024xi1>, vector<16x1024xi32>
      %add3A_246 = arith.addi %add3A_228, %select_n3A_245 : vector<16x1024xi32>
      %slice3A_247 = vector.extract_strided_slice %get3A_106 {offsets = [7, 0], sizes = [1, 1024], strides = [1, 1]} : vector<16x1024xf32> to vector<1x1024xf32>
      %ge3A_248 = vector.broadcast %slice3A_247 : vector<1x1024xf32> to vector<16x1024xf32>
      %ge3A_249 = arith.cmpf oge, %ge3A_248, %while3A_103#1 : vector<16x1024xf32>
      %jit3A_250 = arith.constant 1 : i32
      %jit3A_251 = arith.constant 0 : i32
      %broadcast_in_dim3A_252 = vector.broadcast %jit3A_250 : i32 to vector<16x1024xi32>
      %broadcast_in_dim3A_253 = vector.broadcast %jit3A_251 : i32 to vector<16x1024xi32>
      %select_n3A_254 = arith.select %ge3A_249, %broadcast_in_dim3A_252, %broadcast_in_dim3A_253 : vector<16x1024xi1>, vector<16x1024xi32>
      %add3A_255 = arith.addi %add3A_237, %select_n3A_254 : vector<16x1024xi32>
      %slice3A_256 = vector.extract_strided_slice %while3A_103#1 {offsets = [8, 0], sizes = [1, 1024], strides = [1, 1]} : vector<16x1024xf32> to vector<1x1024xf32>
      %gt3A_257 = vector.broadcast %slice3A_256 : vector<1x1024xf32> to vector<16x1024xf32>
      %gt3A_258 = arith.cmpf ogt, %gt3A_257, %get3A_106 : vector<16x1024xf32>
      %jit3A_259 = arith.constant 1 : i32
      %jit3A_260 = arith.constant 0 : i32
      %broadcast_in_dim3A_261 = vector.broadcast %jit3A_259 : i32 to vector<16x1024xi32>
      %broadcast_in_dim3A_262 = vector.broadcast %jit3A_260 : i32 to vector<16x1024xi32>
      %select_n3A_263 = arith.select %gt3A_258, %broadcast_in_dim3A_261, %broadcast_in_dim3A_262 : vector<16x1024xi1>, vector<16x1024xi32>
      %add3A_264 = arith.addi %add3A_246, %select_n3A_263 : vector<16x1024xi32>
      %slice3A_265 = vector.extract_strided_slice %get3A_106 {offsets = [8, 0], sizes = [1, 1024], strides = [1, 1]} : vector<16x1024xf32> to vector<1x1024xf32>
      %ge3A_266 = vector.broadcast %slice3A_265 : vector<1x1024xf32> to vector<16x1024xf32>
      %ge3A_267 = arith.cmpf oge, %ge3A_266, %while3A_103#1 : vector<16x1024xf32>
      %jit3A_268 = arith.constant 1 : i32
      %jit3A_269 = arith.constant 0 : i32
      %broadcast_in_dim3A_270 = vector.broadcast %jit3A_268 : i32 to vector<16x1024xi32>
      %broadcast_in_dim3A_271 = vector.broadcast %jit3A_269 : i32 to vector<16x1024xi32>
      %select_n3A_272 = arith.select %ge3A_267, %broadcast_in_dim3A_270, %broadcast_in_dim3A_271 : vector<16x1024xi1>, vector<16x1024xi32>
      %add3A_273 = arith.addi %add3A_255, %select_n3A_272 : vector<16x1024xi32>
      %slice3A_274 = vector.extract_strided_slice %while3A_103#1 {offsets = [9, 0], sizes = [1, 1024], strides = [1, 1]} : vector<16x1024xf32> to vector<1x1024xf32>
      %gt3A_275 = vector.broadcast %slice3A_274 : vector<1x1024xf32> to vector<16x1024xf32>
      %gt3A_276 = arith.cmpf ogt, %gt3A_275, %get3A_106 : vector<16x1024xf32>
      %jit3A_277 = arith.constant 1 : i32
      %jit3A_278 = arith.constant 0 : i32
      %broadcast_in_dim3A_279 = vector.broadcast %jit3A_277 : i32 to vector<16x1024xi32>
      %broadcast_in_dim3A_280 = vector.broadcast %jit3A_278 : i32 to vector<16x1024xi32>
      %select_n3A_281 = arith.select %gt3A_276, %broadcast_in_dim3A_279, %broadcast_in_dim3A_280 : vector<16x1024xi1>, vector<16x1024xi32>
      %add3A_282 = arith.addi %add3A_264, %select_n3A_281 : vector<16x1024xi32>
      %slice3A_283 = vector.extract_strided_slice %get3A_106 {offsets = [9, 0], sizes = [1, 1024], strides = [1, 1]} : vector<16x1024xf32> to vector<1x1024xf32>
      %ge3A_284 = vector.broadcast %slice3A_283 : vector<1x1024xf32> to vector<16x1024xf32>
      %ge3A_285 = arith.cmpf oge, %ge3A_284, %while3A_103#1 : vector<16x1024xf32>
      %jit3A_286 = arith.constant 1 : i32
      %jit3A_287 = arith.constant 0 : i32
      %broadcast_in_dim3A_288 = vector.broadcast %jit3A_286 : i32 to vector<16x1024xi32>
      %broadcast_in_dim3A_289 = vector.broadcast %jit3A_287 : i32 to vector<16x1024xi32>
      %select_n3A_290 = arith.select %ge3A_285, %broadcast_in_dim3A_288, %broadcast_in_dim3A_289 : vector<16x1024xi1>, vector<16x1024xi32>
      %add3A_291 = arith.addi %add3A_273, %select_n3A_290 : vector<16x1024xi32>
      %slice3A_292 = vector.extract_strided_slice %while3A_103#1 {offsets = [10, 0], sizes = [1, 1024], strides = [1, 1]} : vector<16x1024xf32> to vector<1x1024xf32>
      %gt3A_293 = vector.broadcast %slice3A_292 : vector<1x1024xf32> to vector<16x1024xf32>
      %gt3A_294 = arith.cmpf ogt, %gt3A_293, %get3A_106 : vector<16x1024xf32>
      %jit3A_295 = arith.constant 1 : i32
      %jit3A_296 = arith.constant 0 : i32
      %broadcast_in_dim3A_297 = vector.broadcast %jit3A_295 : i32 to vector<16x1024xi32>
      %broadcast_in_dim3A_298 = vector.broadcast %jit3A_296 : i32 to vector<16x1024xi32>
      %select_n3A_299 = arith.select %gt3A_294, %broadcast_in_dim3A_297, %broadcast_in_dim3A_298 : vector<16x1024xi1>, vector<16x1024xi32>
      %add3A_300 = arith.addi %add3A_282, %select_n3A_299 : vector<16x1024xi32>
      %slice3A_301 = vector.extract_strided_slice %get3A_106 {offsets = [10, 0], sizes = [1, 1024], strides = [1, 1]} : vector<16x1024xf32> to vector<1x1024xf32>
      %ge3A_302 = vector.broadcast %slice3A_301 : vector<1x1024xf32> to vector<16x1024xf32>
      %ge3A_303 = arith.cmpf oge, %ge3A_302, %while3A_103#1 : vector<16x1024xf32>
      %jit3A_304 = arith.constant 1 : i32
      %jit3A_305 = arith.constant 0 : i32
      %broadcast_in_dim3A_306 = vector.broadcast %jit3A_304 : i32 to vector<16x1024xi32>
      %broadcast_in_dim3A_307 = vector.broadcast %jit3A_305 : i32 to vector<16x1024xi32>
      %select_n3A_308 = arith.select %ge3A_303, %broadcast_in_dim3A_306, %broadcast_in_dim3A_307 : vector<16x1024xi1>, vector<16x1024xi32>
      %add3A_309 = arith.addi %add3A_291, %select_n3A_308 : vector<16x1024xi32>
      %slice3A_310 = vector.extract_strided_slice %while3A_103#1 {offsets = [11, 0], sizes = [1, 1024], strides = [1, 1]} : vector<16x1024xf32> to vector<1x1024xf32>
      %gt3A_311 = vector.broadcast %slice3A_310 : vector<1x1024xf32> to vector<16x1024xf32>
      %gt3A_312 = arith.cmpf ogt, %gt3A_311, %get3A_106 : vector<16x1024xf32>
      %jit3A_313 = arith.constant 1 : i32
      %jit3A_314 = arith.constant 0 : i32
      %broadcast_in_dim3A_315 = vector.broadcast %jit3A_313 : i32 to vector<16x1024xi32>
      %broadcast_in_dim3A_316 = vector.broadcast %jit3A_314 : i32 to vector<16x1024xi32>
      %select_n3A_317 = arith.select %gt3A_312, %broadcast_in_dim3A_315, %broadcast_in_dim3A_316 : vector<16x1024xi1>, vector<16x1024xi32>
      %add3A_318 = arith.addi %add3A_300, %select_n3A_317 : vector<16x1024xi32>
      %slice3A_319 = vector.extract_strided_slice %get3A_106 {offsets = [11, 0], sizes = [1, 1024], strides = [1, 1]} : vector<16x1024xf32> to vector<1x1024xf32>
      %ge3A_320 = vector.broadcast %slice3A_319 : vector<1x1024xf32> to vector<16x1024xf32>
      %ge3A_321 = arith.cmpf oge, %ge3A_320, %while3A_103#1 : vector<16x1024xf32>
      %jit3A_322 = arith.constant 1 : i32
      %jit3A_323 = arith.constant 0 : i32
      %broadcast_in_dim3A_324 = vector.broadcast %jit3A_322 : i32 to vector<16x1024xi32>
      %broadcast_in_dim3A_325 = vector.broadcast %jit3A_323 : i32 to vector<16x1024xi32>
      %select_n3A_326 = arith.select %ge3A_321, %broadcast_in_dim3A_324, %broadcast_in_dim3A_325 : vector<16x1024xi1>, vector<16x1024xi32>
      %add3A_327 = arith.addi %add3A_309, %select_n3A_326 : vector<16x1024xi32>
      %slice3A_328 = vector.extract_strided_slice %while3A_103#1 {offsets = [12, 0], sizes = [1, 1024], strides = [1, 1]} : vector<16x1024xf32> to vector<1x1024xf32>
      %gt3A_329 = vector.broadcast %slice3A_328 : vector<1x1024xf32> to vector<16x1024xf32>
      %gt3A_330 = arith.cmpf ogt, %gt3A_329, %get3A_106 : vector<16x1024xf32>
      %jit3A_331 = arith.constant 1 : i32
      %jit3A_332 = arith.constant 0 : i32
      %broadcast_in_dim3A_333 = vector.broadcast %jit3A_331 : i32 to vector<16x1024xi32>
      %broadcast_in_dim3A_334 = vector.broadcast %jit3A_332 : i32 to vector<16x1024xi32>
      %select_n3A_335 = arith.select %gt3A_330, %broadcast_in_dim3A_333, %broadcast_in_dim3A_334 : vector<16x1024xi1>, vector<16x1024xi32>
      %add3A_336 = arith.addi %add3A_318, %select_n3A_335 : vector<16x1024xi32>
      %slice3A_337 = vector.extract_strided_slice %get3A_106 {offsets = [12, 0], sizes = [1, 1024], strides = [1, 1]} : vector<16x1024xf32> to vector<1x1024xf32>
      %ge3A_338 = vector.broadcast %slice3A_337 : vector<1x1024xf32> to vector<16x1024xf32>
      %ge3A_339 = arith.cmpf oge, %ge3A_338, %while3A_103#1 : vector<16x1024xf32>
      %jit3A_340 = arith.constant 1 : i32
      %jit3A_341 = arith.constant 0 : i32
      %broadcast_in_dim3A_342 = vector.broadcast %jit3A_340 : i32 to vector<16x1024xi32>
      %broadcast_in_dim3A_343 = vector.broadcast %jit3A_341 : i32 to vector<16x1024xi32>
      %select_n3A_344 = arith.select %ge3A_339, %broadcast_in_dim3A_342, %broadcast_in_dim3A_343 : vector<16x1024xi1>, vector<16x1024xi32>
      %add3A_345 = arith.addi %add3A_327, %select_n3A_344 : vector<16x1024xi32>
      %slice3A_346 = vector.extract_strided_slice %while3A_103#1 {offsets = [13, 0], sizes = [1, 1024], strides = [1, 1]} : vector<16x1024xf32> to vector<1x1024xf32>
      %gt3A_347 = vector.broadcast %slice3A_346 : vector<1x1024xf32> to vector<16x1024xf32>
      %gt3A_348 = arith.cmpf ogt, %gt3A_347, %get3A_106 : vector<16x1024xf32>
      %jit3A_349 = arith.constant 1 : i32
      %jit3A_350 = arith.constant 0 : i32
      %broadcast_in_dim3A_351 = vector.broadcast %jit3A_349 : i32 to vector<16x1024xi32>
      %broadcast_in_dim3A_352 = vector.broadcast %jit3A_350 : i32 to vector<16x1024xi32>
      %select_n3A_353 = arith.select %gt3A_348, %broadcast_in_dim3A_351, %broadcast_in_dim3A_352 : vector<16x1024xi1>, vector<16x1024xi32>
      %add3A_354 = arith.addi %add3A_336, %select_n3A_353 : vector<16x1024xi32>
      %slice3A_355 = vector.extract_strided_slice %get3A_106 {offsets = [13, 0], sizes = [1, 1024], strides = [1, 1]} : vector<16x1024xf32> to vector<1x1024xf32>
      %ge3A_356 = vector.broadcast %slice3A_355 : vector<1x1024xf32> to vector<16x1024xf32>
      %ge3A_357 = arith.cmpf oge, %ge3A_356, %while3A_103#1 : vector<16x1024xf32>
      %jit3A_358 = arith.constant 1 : i32
      %jit3A_359 = arith.constant 0 : i32
      %broadcast_in_dim3A_360 = vector.broadcast %jit3A_358 : i32 to vector<16x1024xi32>
      %broadcast_in_dim3A_361 = vector.broadcast %jit3A_359 : i32 to vector<16x1024xi32>
      %select_n3A_362 = arith.select %ge3A_357, %broadcast_in_dim3A_360, %broadcast_in_dim3A_361 : vector<16x1024xi1>, vector<16x1024xi32>
      %add3A_363 = arith.addi %add3A_345, %select_n3A_362 : vector<16x1024xi32>
      %slice3A_364 = vector.extract_strided_slice %while3A_103#1 {offsets = [14, 0], sizes = [1, 1024], strides = [1, 1]} : vector<16x1024xf32> to vector<1x1024xf32>
      %gt3A_365 = vector.broadcast %slice3A_364 : vector<1x1024xf32> to vector<16x1024xf32>
      %gt3A_366 = arith.cmpf ogt, %gt3A_365, %get3A_106 : vector<16x1024xf32>
      %jit3A_367 = arith.constant 1 : i32
      %jit3A_368 = arith.constant 0 : i32
      %broadcast_in_dim3A_369 = vector.broadcast %jit3A_367 : i32 to vector<16x1024xi32>
      %broadcast_in_dim3A_370 = vector.broadcast %jit3A_368 : i32 to vector<16x1024xi32>
      %select_n3A_371 = arith.select %gt3A_366, %broadcast_in_dim3A_369, %broadcast_in_dim3A_370 : vector<16x1024xi1>, vector<16x1024xi32>
      %add3A_372 = arith.addi %add3A_354, %select_n3A_371 : vector<16x1024xi32>
      %slice3A_373 = vector.extract_strided_slice %get3A_106 {offsets = [14, 0], sizes = [1, 1024], strides = [1, 1]} : vector<16x1024xf32> to vector<1x1024xf32>
      %ge3A_374 = vector.broadcast %slice3A_373 : vector<1x1024xf32> to vector<16x1024xf32>
      %ge3A_375 = arith.cmpf oge, %ge3A_374, %while3A_103#1 : vector<16x1024xf32>
      %jit3A_376 = arith.constant 1 : i32
      %jit3A_377 = arith.constant 0 : i32
      %broadcast_in_dim3A_378 = vector.broadcast %jit3A_376 : i32 to vector<16x1024xi32>
      %broadcast_in_dim3A_379 = vector.broadcast %jit3A_377 : i32 to vector<16x1024xi32>
      %select_n3A_380 = arith.select %ge3A_375, %broadcast_in_dim3A_378, %broadcast_in_dim3A_379 : vector<16x1024xi1>, vector<16x1024xi32>
      %add3A_381 = arith.addi %add3A_363, %select_n3A_380 : vector<16x1024xi32>
      %slice3A_382 = vector.extract_strided_slice %while3A_103#1 {offsets = [15, 0], sizes = [1, 1024], strides = [1, 1]} : vector<16x1024xf32> to vector<1x1024xf32>
      %gt3A_383 = vector.broadcast %slice3A_382 : vector<1x1024xf32> to vector<16x1024xf32>
      %gt3A_384 = arith.cmpf ogt, %gt3A_383, %get3A_106 : vector<16x1024xf32>
      %jit3A_385 = arith.constant 1 : i32
      %jit3A_386 = arith.constant 0 : i32
      %broadcast_in_dim3A_387 = vector.broadcast %jit3A_385 : i32 to vector<16x1024xi32>
      %broadcast_in_dim3A_388 = vector.broadcast %jit3A_386 : i32 to vector<16x1024xi32>
      %select_n3A_389 = arith.select %gt3A_384, %broadcast_in_dim3A_387, %broadcast_in_dim3A_388 : vector<16x1024xi1>, vector<16x1024xi32>
      %add3A_390 = arith.addi %add3A_372, %select_n3A_389 : vector<16x1024xi32>
      %slice3A_391 = vector.extract_strided_slice %get3A_106 {offsets = [15, 0], sizes = [1, 1024], strides = [1, 1]} : vector<16x1024xf32> to vector<1x1024xf32>
      %ge3A_392 = vector.broadcast %slice3A_391 : vector<1x1024xf32> to vector<16x1024xf32>
      %ge3A_393 = arith.cmpf oge, %ge3A_392, %while3A_103#1 : vector<16x1024xf32>
      %jit3A_394 = arith.constant 1 : i32
      %jit3A_395 = arith.constant 0 : i32
      %broadcast_in_dim3A_396 = vector.broadcast %jit3A_394 : i32 to vector<16x1024xi32>
      %broadcast_in_dim3A_397 = vector.broadcast %jit3A_395 : i32 to vector<16x1024xi32>
      %select_n3A_398 = arith.select %ge3A_393, %broadcast_in_dim3A_396, %broadcast_in_dim3A_397 : vector<16x1024xi1>, vector<16x1024xi32>
      %add3A_399 = arith.addi %add3A_381, %select_n3A_398 : vector<16x1024xi32>
      %broadcast_in_dim3A_400 = arith.constant -3.000000e+38 : f32
      %broadcast_in_dim3A_401 = vector.broadcast %broadcast_in_dim3A_400 : f32 to vector<16x1024xf32>
      %broadcast_in_dim3A_402 = arith.constant 0 : i32
      %broadcast_in_dim3A_403 = vector.broadcast %broadcast_in_dim3A_402 : i32 to vector<16x1024xi32>
      %slice3A_404 = vector.extract_strided_slice %add3A_390 {offsets = [0, 0], sizes = [1, 1024], strides = [1, 1]} : vector<16x1024xi32> to vector<1x1024xi32>
      %eq3A_405 = vector.broadcast %slice3A_404 : vector<1x1024xi32> to vector<16x1024xi32>
      %eq3A_406 = arith.cmpi eq, %iota3A_77, %eq3A_405 : vector<16x1024xi32>
      %slice3A_407 = vector.extract_strided_slice %get3A_106 {offsets = [0, 0], sizes = [1, 1024], strides = [1, 1]} : vector<16x1024xf32> to vector<1x1024xf32>
      %broadcast_in_dim3A_408 = vector.shape_cast %slice3A_407 : vector<1x1024xf32> to vector<1x1024xf32>
      %broadcast_in_dim3A_409 = vector.broadcast %broadcast_in_dim3A_408 : vector<1x1024xf32> to vector<16x1024xf32>
      %select_n3A_410 = arith.select %eq3A_406, %broadcast_in_dim3A_409, %broadcast_in_dim3A_401 : vector<16x1024xi1>, vector<16x1024xf32>
      %slice3A_411 = vector.extract_strided_slice %get3A_109 {offsets = [0, 0], sizes = [1, 1024], strides = [1, 1]} : vector<16x1024xi32> to vector<1x1024xi32>
      %broadcast_in_dim3A_412 = vector.shape_cast %slice3A_411 : vector<1x1024xi32> to vector<1x1024xi32>
      %broadcast_in_dim3A_413 = vector.broadcast %broadcast_in_dim3A_412 : vector<1x1024xi32> to vector<16x1024xi32>
      %select_n3A_414 = arith.select %eq3A_406, %broadcast_in_dim3A_413, %broadcast_in_dim3A_403 : vector<16x1024xi1>, vector<16x1024xi32>
      %slice3A_415 = vector.extract_strided_slice %add3A_399 {offsets = [0, 0], sizes = [1, 1024], strides = [1, 1]} : vector<16x1024xi32> to vector<1x1024xi32>
      %eq3A_416 = vector.broadcast %slice3A_415 : vector<1x1024xi32> to vector<16x1024xi32>
      %eq3A_417 = arith.cmpi eq, %iota3A_77, %eq3A_416 : vector<16x1024xi32>
      %slice3A_418 = vector.extract_strided_slice %while3A_103#1 {offsets = [0, 0], sizes = [1, 1024], strides = [1, 1]} : vector<16x1024xf32> to vector<1x1024xf32>
      %broadcast_in_dim3A_419 = vector.shape_cast %slice3A_418 : vector<1x1024xf32> to vector<1x1024xf32>
      %broadcast_in_dim3A_420 = vector.broadcast %broadcast_in_dim3A_419 : vector<1x1024xf32> to vector<16x1024xf32>
      %select_n3A_421 = arith.select %eq3A_417, %broadcast_in_dim3A_420, %select_n3A_410 : vector<16x1024xi1>, vector<16x1024xf32>
      %slice3A_422 = vector.extract_strided_slice %add3A_113 {offsets = [0, 0], sizes = [1, 1024], strides = [1, 1]} : vector<16x1024xi32> to vector<1x1024xi32>
      %broadcast_in_dim3A_423 = vector.shape_cast %slice3A_422 : vector<1x1024xi32> to vector<1x1024xi32>
      %broadcast_in_dim3A_424 = vector.broadcast %broadcast_in_dim3A_423 : vector<1x1024xi32> to vector<16x1024xi32>
      %select_n3A_425 = arith.select %eq3A_417, %broadcast_in_dim3A_424, %select_n3A_414 : vector<16x1024xi1>, vector<16x1024xi32>
      %slice3A_426 = vector.extract_strided_slice %add3A_390 {offsets = [1, 0], sizes = [1, 1024], strides = [1, 1]} : vector<16x1024xi32> to vector<1x1024xi32>
      %eq3A_427 = vector.broadcast %slice3A_426 : vector<1x1024xi32> to vector<16x1024xi32>
      %eq3A_428 = arith.cmpi eq, %iota3A_77, %eq3A_427 : vector<16x1024xi32>
      %slice3A_429 = vector.extract_strided_slice %get3A_106 {offsets = [1, 0], sizes = [1, 1024], strides = [1, 1]} : vector<16x1024xf32> to vector<1x1024xf32>
      %broadcast_in_dim3A_430 = vector.shape_cast %slice3A_429 : vector<1x1024xf32> to vector<1x1024xf32>
      %broadcast_in_dim3A_431 = vector.broadcast %broadcast_in_dim3A_430 : vector<1x1024xf32> to vector<16x1024xf32>
      %select_n3A_432 = arith.select %eq3A_428, %broadcast_in_dim3A_431, %select_n3A_421 : vector<16x1024xi1>, vector<16x1024xf32>
      %slice3A_433 = vector.extract_strided_slice %get3A_109 {offsets = [1, 0], sizes = [1, 1024], strides = [1, 1]} : vector<16x1024xi32> to vector<1x1024xi32>
      %broadcast_in_dim3A_434 = vector.shape_cast %slice3A_433 : vector<1x1024xi32> to vector<1x1024xi32>
      %broadcast_in_dim3A_435 = vector.broadcast %broadcast_in_dim3A_434 : vector<1x1024xi32> to vector<16x1024xi32>
      %select_n3A_436 = arith.select %eq3A_428, %broadcast_in_dim3A_435, %select_n3A_425 : vector<16x1024xi1>, vector<16x1024xi32>
      %slice3A_437 = vector.extract_strided_slice %add3A_399 {offsets = [1, 0], sizes = [1, 1024], strides = [1, 1]} : vector<16x1024xi32> to vector<1x1024xi32>
      %eq3A_438 = vector.broadcast %slice3A_437 : vector<1x1024xi32> to vector<16x1024xi32>
      %eq3A_439 = arith.cmpi eq, %iota3A_77, %eq3A_438 : vector<16x1024xi32>
      %slice3A_440 = vector.extract_strided_slice %while3A_103#1 {offsets = [1, 0], sizes = [1, 1024], strides = [1, 1]} : vector<16x1024xf32> to vector<1x1024xf32>
      %broadcast_in_dim3A_441 = vector.shape_cast %slice3A_440 : vector<1x1024xf32> to vector<1x1024xf32>
      %broadcast_in_dim3A_442 = vector.broadcast %broadcast_in_dim3A_441 : vector<1x1024xf32> to vector<16x1024xf32>
      %select_n3A_443 = arith.select %eq3A_439, %broadcast_in_dim3A_442, %select_n3A_432 : vector<16x1024xi1>, vector<16x1024xf32>
      %slice3A_444 = vector.extract_strided_slice %add3A_113 {offsets = [1, 0], sizes = [1, 1024], strides = [1, 1]} : vector<16x1024xi32> to vector<1x1024xi32>
      %broadcast_in_dim3A_445 = vector.shape_cast %slice3A_444 : vector<1x1024xi32> to vector<1x1024xi32>
      %broadcast_in_dim3A_446 = vector.broadcast %broadcast_in_dim3A_445 : vector<1x1024xi32> to vector<16x1024xi32>
      %select_n3A_447 = arith.select %eq3A_439, %broadcast_in_dim3A_446, %select_n3A_436 : vector<16x1024xi1>, vector<16x1024xi32>
      %slice3A_448 = vector.extract_strided_slice %add3A_390 {offsets = [2, 0], sizes = [1, 1024], strides = [1, 1]} : vector<16x1024xi32> to vector<1x1024xi32>
      %eq3A_449 = vector.broadcast %slice3A_448 : vector<1x1024xi32> to vector<16x1024xi32>
      %eq3A_450 = arith.cmpi eq, %iota3A_77, %eq3A_449 : vector<16x1024xi32>
      %slice3A_451 = vector.extract_strided_slice %get3A_106 {offsets = [2, 0], sizes = [1, 1024], strides = [1, 1]} : vector<16x1024xf32> to vector<1x1024xf32>
      %broadcast_in_dim3A_452 = vector.shape_cast %slice3A_451 : vector<1x1024xf32> to vector<1x1024xf32>
      %broadcast_in_dim3A_453 = vector.broadcast %broadcast_in_dim3A_452 : vector<1x1024xf32> to vector<16x1024xf32>
      %select_n3A_454 = arith.select %eq3A_450, %broadcast_in_dim3A_453, %select_n3A_443 : vector<16x1024xi1>, vector<16x1024xf32>
      %slice3A_455 = vector.extract_strided_slice %get3A_109 {offsets = [2, 0], sizes = [1, 1024], strides = [1, 1]} : vector<16x1024xi32> to vector<1x1024xi32>
      %broadcast_in_dim3A_456 = vector.shape_cast %slice3A_455 : vector<1x1024xi32> to vector<1x1024xi32>
      %broadcast_in_dim3A_457 = vector.broadcast %broadcast_in_dim3A_456 : vector<1x1024xi32> to vector<16x1024xi32>
      %select_n3A_458 = arith.select %eq3A_450, %broadcast_in_dim3A_457, %select_n3A_447 : vector<16x1024xi1>, vector<16x1024xi32>
      %slice3A_459 = vector.extract_strided_slice %add3A_399 {offsets = [2, 0], sizes = [1, 1024], strides = [1, 1]} : vector<16x1024xi32> to vector<1x1024xi32>
      %eq3A_460 = vector.broadcast %slice3A_459 : vector<1x1024xi32> to vector<16x1024xi32>
      %eq3A_461 = arith.cmpi eq, %iota3A_77, %eq3A_460 : vector<16x1024xi32>
      %slice3A_462 = vector.extract_strided_slice %while3A_103#1 {offsets = [2, 0], sizes = [1, 1024], strides = [1, 1]} : vector<16x1024xf32> to vector<1x1024xf32>
      %broadcast_in_dim3A_463 = vector.shape_cast %slice3A_462 : vector<1x1024xf32> to vector<1x1024xf32>
      %broadcast_in_dim3A_464 = vector.broadcast %broadcast_in_dim3A_463 : vector<1x1024xf32> to vector<16x1024xf32>
      %select_n3A_465 = arith.select %eq3A_461, %broadcast_in_dim3A_464, %select_n3A_454 : vector<16x1024xi1>, vector<16x1024xf32>
      %slice3A_466 = vector.extract_strided_slice %add3A_113 {offsets = [2, 0], sizes = [1, 1024], strides = [1, 1]} : vector<16x1024xi32> to vector<1x1024xi32>
      %broadcast_in_dim3A_467 = vector.shape_cast %slice3A_466 : vector<1x1024xi32> to vector<1x1024xi32>
      %broadcast_in_dim3A_468 = vector.broadcast %broadcast_in_dim3A_467 : vector<1x1024xi32> to vector<16x1024xi32>
      %select_n3A_469 = arith.select %eq3A_461, %broadcast_in_dim3A_468, %select_n3A_458 : vector<16x1024xi1>, vector<16x1024xi32>
      %slice3A_470 = vector.extract_strided_slice %add3A_390 {offsets = [3, 0], sizes = [1, 1024], strides = [1, 1]} : vector<16x1024xi32> to vector<1x1024xi32>
      %eq3A_471 = vector.broadcast %slice3A_470 : vector<1x1024xi32> to vector<16x1024xi32>
      %eq3A_472 = arith.cmpi eq, %iota3A_77, %eq3A_471 : vector<16x1024xi32>
      %slice3A_473 = vector.extract_strided_slice %get3A_106 {offsets = [3, 0], sizes = [1, 1024], strides = [1, 1]} : vector<16x1024xf32> to vector<1x1024xf32>
      %broadcast_in_dim3A_474 = vector.shape_cast %slice3A_473 : vector<1x1024xf32> to vector<1x1024xf32>
      %broadcast_in_dim3A_475 = vector.broadcast %broadcast_in_dim3A_474 : vector<1x1024xf32> to vector<16x1024xf32>
      %select_n3A_476 = arith.select %eq3A_472, %broadcast_in_dim3A_475, %select_n3A_465 : vector<16x1024xi1>, vector<16x1024xf32>
      %slice3A_477 = vector.extract_strided_slice %get3A_109 {offsets = [3, 0], sizes = [1, 1024], strides = [1, 1]} : vector<16x1024xi32> to vector<1x1024xi32>
      %broadcast_in_dim3A_478 = vector.shape_cast %slice3A_477 : vector<1x1024xi32> to vector<1x1024xi32>
      %broadcast_in_dim3A_479 = vector.broadcast %broadcast_in_dim3A_478 : vector<1x1024xi32> to vector<16x1024xi32>
      %select_n3A_480 = arith.select %eq3A_472, %broadcast_in_dim3A_479, %select_n3A_469 : vector<16x1024xi1>, vector<16x1024xi32>
      %slice3A_481 = vector.extract_strided_slice %add3A_399 {offsets = [3, 0], sizes = [1, 1024], strides = [1, 1]} : vector<16x1024xi32> to vector<1x1024xi32>
      %eq3A_482 = vector.broadcast %slice3A_481 : vector<1x1024xi32> to vector<16x1024xi32>
      %eq3A_483 = arith.cmpi eq, %iota3A_77, %eq3A_482 : vector<16x1024xi32>
      %slice3A_484 = vector.extract_strided_slice %while3A_103#1 {offsets = [3, 0], sizes = [1, 1024], strides = [1, 1]} : vector<16x1024xf32> to vector<1x1024xf32>
      %broadcast_in_dim3A_485 = vector.shape_cast %slice3A_484 : vector<1x1024xf32> to vector<1x1024xf32>
      %broadcast_in_dim3A_486 = vector.broadcast %broadcast_in_dim3A_485 : vector<1x1024xf32> to vector<16x1024xf32>
      %select_n3A_487 = arith.select %eq3A_483, %broadcast_in_dim3A_486, %select_n3A_476 : vector<16x1024xi1>, vector<16x1024xf32>
      %slice3A_488 = vector.extract_strided_slice %add3A_113 {offsets = [3, 0], sizes = [1, 1024], strides = [1, 1]} : vector<16x1024xi32> to vector<1x1024xi32>
      %broadcast_in_dim3A_489 = vector.shape_cast %slice3A_488 : vector<1x1024xi32> to vector<1x1024xi32>
      %broadcast_in_dim3A_490 = vector.broadcast %broadcast_in_dim3A_489 : vector<1x1024xi32> to vector<16x1024xi32>
      %select_n3A_491 = arith.select %eq3A_483, %broadcast_in_dim3A_490, %select_n3A_480 : vector<16x1024xi1>, vector<16x1024xi32>
      %slice3A_492 = vector.extract_strided_slice %add3A_390 {offsets = [4, 0], sizes = [1, 1024], strides = [1, 1]} : vector<16x1024xi32> to vector<1x1024xi32>
      %eq3A_493 = vector.broadcast %slice3A_492 : vector<1x1024xi32> to vector<16x1024xi32>
      %eq3A_494 = arith.cmpi eq, %iota3A_77, %eq3A_493 : vector<16x1024xi32>
      %slice3A_495 = vector.extract_strided_slice %get3A_106 {offsets = [4, 0], sizes = [1, 1024], strides = [1, 1]} : vector<16x1024xf32> to vector<1x1024xf32>
      %broadcast_in_dim3A_496 = vector.shape_cast %slice3A_495 : vector<1x1024xf32> to vector<1x1024xf32>
      %broadcast_in_dim3A_497 = vector.broadcast %broadcast_in_dim3A_496 : vector<1x1024xf32> to vector<16x1024xf32>
      %select_n3A_498 = arith.select %eq3A_494, %broadcast_in_dim3A_497, %select_n3A_487 : vector<16x1024xi1>, vector<16x1024xf32>
      %slice3A_499 = vector.extract_strided_slice %get3A_109 {offsets = [4, 0], sizes = [1, 1024], strides = [1, 1]} : vector<16x1024xi32> to vector<1x1024xi32>
      %broadcast_in_dim3A_500 = vector.shape_cast %slice3A_499 : vector<1x1024xi32> to vector<1x1024xi32>
      %broadcast_in_dim3A_501 = vector.broadcast %broadcast_in_dim3A_500 : vector<1x1024xi32> to vector<16x1024xi32>
      %select_n3A_502 = arith.select %eq3A_494, %broadcast_in_dim3A_501, %select_n3A_491 : vector<16x1024xi1>, vector<16x1024xi32>
      %slice3A_503 = vector.extract_strided_slice %add3A_399 {offsets = [4, 0], sizes = [1, 1024], strides = [1, 1]} : vector<16x1024xi32> to vector<1x1024xi32>
      %eq3A_504 = vector.broadcast %slice3A_503 : vector<1x1024xi32> to vector<16x1024xi32>
      %eq3A_505 = arith.cmpi eq, %iota3A_77, %eq3A_504 : vector<16x1024xi32>
      %slice3A_506 = vector.extract_strided_slice %while3A_103#1 {offsets = [4, 0], sizes = [1, 1024], strides = [1, 1]} : vector<16x1024xf32> to vector<1x1024xf32>
      %broadcast_in_dim3A_507 = vector.shape_cast %slice3A_506 : vector<1x1024xf32> to vector<1x1024xf32>
      %broadcast_in_dim3A_508 = vector.broadcast %broadcast_in_dim3A_507 : vector<1x1024xf32> to vector<16x1024xf32>
      %select_n3A_509 = arith.select %eq3A_505, %broadcast_in_dim3A_508, %select_n3A_498 : vector<16x1024xi1>, vector<16x1024xf32>
      %slice3A_510 = vector.extract_strided_slice %add3A_113 {offsets = [4, 0], sizes = [1, 1024], strides = [1, 1]} : vector<16x1024xi32> to vector<1x1024xi32>
      %broadcast_in_dim3A_511 = vector.shape_cast %slice3A_510 : vector<1x1024xi32> to vector<1x1024xi32>
      %broadcast_in_dim3A_512 = vector.broadcast %broadcast_in_dim3A_511 : vector<1x1024xi32> to vector<16x1024xi32>
      %select_n3A_513 = arith.select %eq3A_505, %broadcast_in_dim3A_512, %select_n3A_502 : vector<16x1024xi1>, vector<16x1024xi32>
      %slice3A_514 = vector.extract_strided_slice %add3A_390 {offsets = [5, 0], sizes = [1, 1024], strides = [1, 1]} : vector<16x1024xi32> to vector<1x1024xi32>
      %eq3A_515 = vector.broadcast %slice3A_514 : vector<1x1024xi32> to vector<16x1024xi32>
      %eq3A_516 = arith.cmpi eq, %iota3A_77, %eq3A_515 : vector<16x1024xi32>
      %slice3A_517 = vector.extract_strided_slice %get3A_106 {offsets = [5, 0], sizes = [1, 1024], strides = [1, 1]} : vector<16x1024xf32> to vector<1x1024xf32>
      %broadcast_in_dim3A_518 = vector.shape_cast %slice3A_517 : vector<1x1024xf32> to vector<1x1024xf32>
      %broadcast_in_dim3A_519 = vector.broadcast %broadcast_in_dim3A_518 : vector<1x1024xf32> to vector<16x1024xf32>
      %select_n3A_520 = arith.select %eq3A_516, %broadcast_in_dim3A_519, %select_n3A_509 : vector<16x1024xi1>, vector<16x1024xf32>
      %slice3A_521 = vector.extract_strided_slice %get3A_109 {offsets = [5, 0], sizes = [1, 1024], strides = [1, 1]} : vector<16x1024xi32> to vector<1x1024xi32>
      %broadcast_in_dim3A_522 = vector.shape_cast %slice3A_521 : vector<1x1024xi32> to vector<1x1024xi32>
      %broadcast_in_dim3A_523 = vector.broadcast %broadcast_in_dim3A_522 : vector<1x1024xi32> to vector<16x1024xi32>
      %select_n3A_524 = arith.select %eq3A_516, %broadcast_in_dim3A_523, %select_n3A_513 : vector<16x1024xi1>, vector<16x1024xi32>
      %slice3A_525 = vector.extract_strided_slice %add3A_399 {offsets = [5, 0], sizes = [1, 1024], strides = [1, 1]} : vector<16x1024xi32> to vector<1x1024xi32>
      %eq3A_526 = vector.broadcast %slice3A_525 : vector<1x1024xi32> to vector<16x1024xi32>
      %eq3A_527 = arith.cmpi eq, %iota3A_77, %eq3A_526 : vector<16x1024xi32>
      %slice3A_528 = vector.extract_strided_slice %while3A_103#1 {offsets = [5, 0], sizes = [1, 1024], strides = [1, 1]} : vector<16x1024xf32> to vector<1x1024xf32>
      %broadcast_in_dim3A_529 = vector.shape_cast %slice3A_528 : vector<1x1024xf32> to vector<1x1024xf32>
      %broadcast_in_dim3A_530 = vector.broadcast %broadcast_in_dim3A_529 : vector<1x1024xf32> to vector<16x1024xf32>
      %select_n3A_531 = arith.select %eq3A_527, %broadcast_in_dim3A_530, %select_n3A_520 : vector<16x1024xi1>, vector<16x1024xf32>
      %slice3A_532 = vector.extract_strided_slice %add3A_113 {offsets = [5, 0], sizes = [1, 1024], strides = [1, 1]} : vector<16x1024xi32> to vector<1x1024xi32>
      %broadcast_in_dim3A_533 = vector.shape_cast %slice3A_532 : vector<1x1024xi32> to vector<1x1024xi32>
      %broadcast_in_dim3A_534 = vector.broadcast %broadcast_in_dim3A_533 : vector<1x1024xi32> to vector<16x1024xi32>
      %select_n3A_535 = arith.select %eq3A_527, %broadcast_in_dim3A_534, %select_n3A_524 : vector<16x1024xi1>, vector<16x1024xi32>
      %slice3A_536 = vector.extract_strided_slice %add3A_390 {offsets = [6, 0], sizes = [1, 1024], strides = [1, 1]} : vector<16x1024xi32> to vector<1x1024xi32>
      %eq3A_537 = vector.broadcast %slice3A_536 : vector<1x1024xi32> to vector<16x1024xi32>
      %eq3A_538 = arith.cmpi eq, %iota3A_77, %eq3A_537 : vector<16x1024xi32>
      %slice3A_539 = vector.extract_strided_slice %get3A_106 {offsets = [6, 0], sizes = [1, 1024], strides = [1, 1]} : vector<16x1024xf32> to vector<1x1024xf32>
      %broadcast_in_dim3A_540 = vector.shape_cast %slice3A_539 : vector<1x1024xf32> to vector<1x1024xf32>
      %broadcast_in_dim3A_541 = vector.broadcast %broadcast_in_dim3A_540 : vector<1x1024xf32> to vector<16x1024xf32>
      %select_n3A_542 = arith.select %eq3A_538, %broadcast_in_dim3A_541, %select_n3A_531 : vector<16x1024xi1>, vector<16x1024xf32>
      %slice3A_543 = vector.extract_strided_slice %get3A_109 {offsets = [6, 0], sizes = [1, 1024], strides = [1, 1]} : vector<16x1024xi32> to vector<1x1024xi32>
      %broadcast_in_dim3A_544 = vector.shape_cast %slice3A_543 : vector<1x1024xi32> to vector<1x1024xi32>
      %broadcast_in_dim3A_545 = vector.broadcast %broadcast_in_dim3A_544 : vector<1x1024xi32> to vector<16x1024xi32>
      %select_n3A_546 = arith.select %eq3A_538, %broadcast_in_dim3A_545, %select_n3A_535 : vector<16x1024xi1>, vector<16x1024xi32>
      %slice3A_547 = vector.extract_strided_slice %add3A_399 {offsets = [6, 0], sizes = [1, 1024], strides = [1, 1]} : vector<16x1024xi32> to vector<1x1024xi32>
      %eq3A_548 = vector.broadcast %slice3A_547 : vector<1x1024xi32> to vector<16x1024xi32>
      %eq3A_549 = arith.cmpi eq, %iota3A_77, %eq3A_548 : vector<16x1024xi32>
      %slice3A_550 = vector.extract_strided_slice %while3A_103#1 {offsets = [6, 0], sizes = [1, 1024], strides = [1, 1]} : vector<16x1024xf32> to vector<1x1024xf32>
      %broadcast_in_dim3A_551 = vector.shape_cast %slice3A_550 : vector<1x1024xf32> to vector<1x1024xf32>
      %broadcast_in_dim3A_552 = vector.broadcast %broadcast_in_dim3A_551 : vector<1x1024xf32> to vector<16x1024xf32>
      %select_n3A_553 = arith.select %eq3A_549, %broadcast_in_dim3A_552, %select_n3A_542 : vector<16x1024xi1>, vector<16x1024xf32>
      %slice3A_554 = vector.extract_strided_slice %add3A_113 {offsets = [6, 0], sizes = [1, 1024], strides = [1, 1]} : vector<16x1024xi32> to vector<1x1024xi32>
      %broadcast_in_dim3A_555 = vector.shape_cast %slice3A_554 : vector<1x1024xi32> to vector<1x1024xi32>
      %broadcast_in_dim3A_556 = vector.broadcast %broadcast_in_dim3A_555 : vector<1x1024xi32> to vector<16x1024xi32>
      %select_n3A_557 = arith.select %eq3A_549, %broadcast_in_dim3A_556, %select_n3A_546 : vector<16x1024xi1>, vector<16x1024xi32>
      %slice3A_558 = vector.extract_strided_slice %add3A_390 {offsets = [7, 0], sizes = [1, 1024], strides = [1, 1]} : vector<16x1024xi32> to vector<1x1024xi32>
      %eq3A_559 = vector.broadcast %slice3A_558 : vector<1x1024xi32> to vector<16x1024xi32>
      %eq3A_560 = arith.cmpi eq, %iota3A_77, %eq3A_559 : vector<16x1024xi32>
      %slice3A_561 = vector.extract_strided_slice %get3A_106 {offsets = [7, 0], sizes = [1, 1024], strides = [1, 1]} : vector<16x1024xf32> to vector<1x1024xf32>
      %broadcast_in_dim3A_562 = vector.shape_cast %slice3A_561 : vector<1x1024xf32> to vector<1x1024xf32>
      %broadcast_in_dim3A_563 = vector.broadcast %broadcast_in_dim3A_562 : vector<1x1024xf32> to vector<16x1024xf32>
      %select_n3A_564 = arith.select %eq3A_560, %broadcast_in_dim3A_563, %select_n3A_553 : vector<16x1024xi1>, vector<16x1024xf32>
      %slice3A_565 = vector.extract_strided_slice %get3A_109 {offsets = [7, 0], sizes = [1, 1024], strides = [1, 1]} : vector<16x1024xi32> to vector<1x1024xi32>
      %broadcast_in_dim3A_566 = vector.shape_cast %slice3A_565 : vector<1x1024xi32> to vector<1x1024xi32>
      %broadcast_in_dim3A_567 = vector.broadcast %broadcast_in_dim3A_566 : vector<1x1024xi32> to vector<16x1024xi32>
      %select_n3A_568 = arith.select %eq3A_560, %broadcast_in_dim3A_567, %select_n3A_557 : vector<16x1024xi1>, vector<16x1024xi32>
      %slice3A_569 = vector.extract_strided_slice %add3A_399 {offsets = [7, 0], sizes = [1, 1024], strides = [1, 1]} : vector<16x1024xi32> to vector<1x1024xi32>
      %eq3A_570 = vector.broadcast %slice3A_569 : vector<1x1024xi32> to vector<16x1024xi32>
      %eq3A_571 = arith.cmpi eq, %iota3A_77, %eq3A_570 : vector<16x1024xi32>
      %slice3A_572 = vector.extract_strided_slice %while3A_103#1 {offsets = [7, 0], sizes = [1, 1024], strides = [1, 1]} : vector<16x1024xf32> to vector<1x1024xf32>
      %broadcast_in_dim3A_573 = vector.shape_cast %slice3A_572 : vector<1x1024xf32> to vector<1x1024xf32>
      %broadcast_in_dim3A_574 = vector.broadcast %broadcast_in_dim3A_573 : vector<1x1024xf32> to vector<16x1024xf32>
      %select_n3A_575 = arith.select %eq3A_571, %broadcast_in_dim3A_574, %select_n3A_564 : vector<16x1024xi1>, vector<16x1024xf32>
      %slice3A_576 = vector.extract_strided_slice %add3A_113 {offsets = [7, 0], sizes = [1, 1024], strides = [1, 1]} : vector<16x1024xi32> to vector<1x1024xi32>
      %broadcast_in_dim3A_577 = vector.shape_cast %slice3A_576 : vector<1x1024xi32> to vector<1x1024xi32>
      %broadcast_in_dim3A_578 = vector.broadcast %broadcast_in_dim3A_577 : vector<1x1024xi32> to vector<16x1024xi32>
      %select_n3A_579 = arith.select %eq3A_571, %broadcast_in_dim3A_578, %select_n3A_568 : vector<16x1024xi1>, vector<16x1024xi32>
      %slice3A_580 = vector.extract_strided_slice %add3A_390 {offsets = [8, 0], sizes = [1, 1024], strides = [1, 1]} : vector<16x1024xi32> to vector<1x1024xi32>
      %eq3A_581 = vector.broadcast %slice3A_580 : vector<1x1024xi32> to vector<16x1024xi32>
      %eq3A_582 = arith.cmpi eq, %iota3A_77, %eq3A_581 : vector<16x1024xi32>
      %slice3A_583 = vector.extract_strided_slice %get3A_106 {offsets = [8, 0], sizes = [1, 1024], strides = [1, 1]} : vector<16x1024xf32> to vector<1x1024xf32>
      %broadcast_in_dim3A_584 = vector.shape_cast %slice3A_583 : vector<1x1024xf32> to vector<1x1024xf32>
      %broadcast_in_dim3A_585 = vector.broadcast %broadcast_in_dim3A_584 : vector<1x1024xf32> to vector<16x1024xf32>
      %select_n3A_586 = arith.select %eq3A_582, %broadcast_in_dim3A_585, %select_n3A_575 : vector<16x1024xi1>, vector<16x1024xf32>
      %slice3A_587 = vector.extract_strided_slice %get3A_109 {offsets = [8, 0], sizes = [1, 1024], strides = [1, 1]} : vector<16x1024xi32> to vector<1x1024xi32>
      %broadcast_in_dim3A_588 = vector.shape_cast %slice3A_587 : vector<1x1024xi32> to vector<1x1024xi32>
      %broadcast_in_dim3A_589 = vector.broadcast %broadcast_in_dim3A_588 : vector<1x1024xi32> to vector<16x1024xi32>
      %select_n3A_590 = arith.select %eq3A_582, %broadcast_in_dim3A_589, %select_n3A_579 : vector<16x1024xi1>, vector<16x1024xi32>
      %slice3A_591 = vector.extract_strided_slice %add3A_399 {offsets = [8, 0], sizes = [1, 1024], strides = [1, 1]} : vector<16x1024xi32> to vector<1x1024xi32>
      %eq3A_592 = vector.broadcast %slice3A_591 : vector<1x1024xi32> to vector<16x1024xi32>
      %eq3A_593 = arith.cmpi eq, %iota3A_77, %eq3A_592 : vector<16x1024xi32>
      %slice3A_594 = vector.extract_strided_slice %while3A_103#1 {offsets = [8, 0], sizes = [1, 1024], strides = [1, 1]} : vector<16x1024xf32> to vector<1x1024xf32>
      %broadcast_in_dim3A_595 = vector.shape_cast %slice3A_594 : vector<1x1024xf32> to vector<1x1024xf32>
      %broadcast_in_dim3A_596 = vector.broadcast %broadcast_in_dim3A_595 : vector<1x1024xf32> to vector<16x1024xf32>
      %select_n3A_597 = arith.select %eq3A_593, %broadcast_in_dim3A_596, %select_n3A_586 : vector<16x1024xi1>, vector<16x1024xf32>
      %slice3A_598 = vector.extract_strided_slice %add3A_113 {offsets = [8, 0], sizes = [1, 1024], strides = [1, 1]} : vector<16x1024xi32> to vector<1x1024xi32>
      %broadcast_in_dim3A_599 = vector.shape_cast %slice3A_598 : vector<1x1024xi32> to vector<1x1024xi32>
      %broadcast_in_dim3A_600 = vector.broadcast %broadcast_in_dim3A_599 : vector<1x1024xi32> to vector<16x1024xi32>
      %select_n3A_601 = arith.select %eq3A_593, %broadcast_in_dim3A_600, %select_n3A_590 : vector<16x1024xi1>, vector<16x1024xi32>
      %slice3A_602 = vector.extract_strided_slice %add3A_390 {offsets = [9, 0], sizes = [1, 1024], strides = [1, 1]} : vector<16x1024xi32> to vector<1x1024xi32>
      %eq3A_603 = vector.broadcast %slice3A_602 : vector<1x1024xi32> to vector<16x1024xi32>
      %eq3A_604 = arith.cmpi eq, %iota3A_77, %eq3A_603 : vector<16x1024xi32>
      %slice3A_605 = vector.extract_strided_slice %get3A_106 {offsets = [9, 0], sizes = [1, 1024], strides = [1, 1]} : vector<16x1024xf32> to vector<1x1024xf32>
      %broadcast_in_dim3A_606 = vector.shape_cast %slice3A_605 : vector<1x1024xf32> to vector<1x1024xf32>
      %broadcast_in_dim3A_607 = vector.broadcast %broadcast_in_dim3A_606 : vector<1x1024xf32> to vector<16x1024xf32>
      %select_n3A_608 = arith.select %eq3A_604, %broadcast_in_dim3A_607, %select_n3A_597 : vector<16x1024xi1>, vector<16x1024xf32>
      %slice3A_609 = vector.extract_strided_slice %get3A_109 {offsets = [9, 0], sizes = [1, 1024], strides = [1, 1]} : vector<16x1024xi32> to vector<1x1024xi32>
      %broadcast_in_dim3A_610 = vector.shape_cast %slice3A_609 : vector<1x1024xi32> to vector<1x1024xi32>
      %broadcast_in_dim3A_611 = vector.broadcast %broadcast_in_dim3A_610 : vector<1x1024xi32> to vector<16x1024xi32>
      %select_n3A_612 = arith.select %eq3A_604, %broadcast_in_dim3A_611, %select_n3A_601 : vector<16x1024xi1>, vector<16x1024xi32>
      %slice3A_613 = vector.extract_strided_slice %add3A_399 {offsets = [9, 0], sizes = [1, 1024], strides = [1, 1]} : vector<16x1024xi32> to vector<1x1024xi32>
      %eq3A_614 = vector.broadcast %slice3A_613 : vector<1x1024xi32> to vector<16x1024xi32>
      %eq3A_615 = arith.cmpi eq, %iota3A_77, %eq3A_614 : vector<16x1024xi32>
      %slice3A_616 = vector.extract_strided_slice %while3A_103#1 {offsets = [9, 0], sizes = [1, 1024], strides = [1, 1]} : vector<16x1024xf32> to vector<1x1024xf32>
      %broadcast_in_dim3A_617 = vector.shape_cast %slice3A_616 : vector<1x1024xf32> to vector<1x1024xf32>
      %broadcast_in_dim3A_618 = vector.broadcast %broadcast_in_dim3A_617 : vector<1x1024xf32> to vector<16x1024xf32>
      %select_n3A_619 = arith.select %eq3A_615, %broadcast_in_dim3A_618, %select_n3A_608 : vector<16x1024xi1>, vector<16x1024xf32>
      %slice3A_620 = vector.extract_strided_slice %add3A_113 {offsets = [9, 0], sizes = [1, 1024], strides = [1, 1]} : vector<16x1024xi32> to vector<1x1024xi32>
      %broadcast_in_dim3A_621 = vector.shape_cast %slice3A_620 : vector<1x1024xi32> to vector<1x1024xi32>
      %broadcast_in_dim3A_622 = vector.broadcast %broadcast_in_dim3A_621 : vector<1x1024xi32> to vector<16x1024xi32>
      %select_n3A_623 = arith.select %eq3A_615, %broadcast_in_dim3A_622, %select_n3A_612 : vector<16x1024xi1>, vector<16x1024xi32>
      %slice3A_624 = vector.extract_strided_slice %add3A_390 {offsets = [10, 0], sizes = [1, 1024], strides = [1, 1]} : vector<16x1024xi32> to vector<1x1024xi32>
      %eq3A_625 = vector.broadcast %slice3A_624 : vector<1x1024xi32> to vector<16x1024xi32>
      %eq3A_626 = arith.cmpi eq, %iota3A_77, %eq3A_625 : vector<16x1024xi32>
      %slice3A_627 = vector.extract_strided_slice %get3A_106 {offsets = [10, 0], sizes = [1, 1024], strides = [1, 1]} : vector<16x1024xf32> to vector<1x1024xf32>
      %broadcast_in_dim3A_628 = vector.shape_cast %slice3A_627 : vector<1x1024xf32> to vector<1x1024xf32>
      %broadcast_in_dim3A_629 = vector.broadcast %broadcast_in_dim3A_628 : vector<1x1024xf32> to vector<16x1024xf32>
      %select_n3A_630 = arith.select %eq3A_626, %broadcast_in_dim3A_629, %select_n3A_619 : vector<16x1024xi1>, vector<16x1024xf32>
      %slice3A_631 = vector.extract_strided_slice %get3A_109 {offsets = [10, 0], sizes = [1, 1024], strides = [1, 1]} : vector<16x1024xi32> to vector<1x1024xi32>
      %broadcast_in_dim3A_632 = vector.shape_cast %slice3A_631 : vector<1x1024xi32> to vector<1x1024xi32>
      %broadcast_in_dim3A_633 = vector.broadcast %broadcast_in_dim3A_632 : vector<1x1024xi32> to vector<16x1024xi32>
      %select_n3A_634 = arith.select %eq3A_626, %broadcast_in_dim3A_633, %select_n3A_623 : vector<16x1024xi1>, vector<16x1024xi32>
      %slice3A_635 = vector.extract_strided_slice %add3A_399 {offsets = [10, 0], sizes = [1, 1024], strides = [1, 1]} : vector<16x1024xi32> to vector<1x1024xi32>
      %eq3A_636 = vector.broadcast %slice3A_635 : vector<1x1024xi32> to vector<16x1024xi32>
      %eq3A_637 = arith.cmpi eq, %iota3A_77, %eq3A_636 : vector<16x1024xi32>
      %slice3A_638 = vector.extract_strided_slice %while3A_103#1 {offsets = [10, 0], sizes = [1, 1024], strides = [1, 1]} : vector<16x1024xf32> to vector<1x1024xf32>
      %broadcast_in_dim3A_639 = vector.shape_cast %slice3A_638 : vector<1x1024xf32> to vector<1x1024xf32>
      %broadcast_in_dim3A_640 = vector.broadcast %broadcast_in_dim3A_639 : vector<1x1024xf32> to vector<16x1024xf32>
      %select_n3A_641 = arith.select %eq3A_637, %broadcast_in_dim3A_640, %select_n3A_630 : vector<16x1024xi1>, vector<16x1024xf32>
      %slice3A_642 = vector.extract_strided_slice %add3A_113 {offsets = [10, 0], sizes = [1, 1024], strides = [1, 1]} : vector<16x1024xi32> to vector<1x1024xi32>
      %broadcast_in_dim3A_643 = vector.shape_cast %slice3A_642 : vector<1x1024xi32> to vector<1x1024xi32>
      %broadcast_in_dim3A_644 = vector.broadcast %broadcast_in_dim3A_643 : vector<1x1024xi32> to vector<16x1024xi32>
      %select_n3A_645 = arith.select %eq3A_637, %broadcast_in_dim3A_644, %select_n3A_634 : vector<16x1024xi1>, vector<16x1024xi32>
      %slice3A_646 = vector.extract_strided_slice %add3A_390 {offsets = [11, 0], sizes = [1, 1024], strides = [1, 1]} : vector<16x1024xi32> to vector<1x1024xi32>
      %eq3A_647 = vector.broadcast %slice3A_646 : vector<1x1024xi32> to vector<16x1024xi32>
      %eq3A_648 = arith.cmpi eq, %iota3A_77, %eq3A_647 : vector<16x1024xi32>
      %slice3A_649 = vector.extract_strided_slice %get3A_106 {offsets = [11, 0], sizes = [1, 1024], strides = [1, 1]} : vector<16x1024xf32> to vector<1x1024xf32>
      %broadcast_in_dim3A_650 = vector.shape_cast %slice3A_649 : vector<1x1024xf32> to vector<1x1024xf32>
      %broadcast_in_dim3A_651 = vector.broadcast %broadcast_in_dim3A_650 : vector<1x1024xf32> to vector<16x1024xf32>
      %select_n3A_652 = arith.select %eq3A_648, %broadcast_in_dim3A_651, %select_n3A_641 : vector<16x1024xi1>, vector<16x1024xf32>
      %slice3A_653 = vector.extract_strided_slice %get3A_109 {offsets = [11, 0], sizes = [1, 1024], strides = [1, 1]} : vector<16x1024xi32> to vector<1x1024xi32>
      %broadcast_in_dim3A_654 = vector.shape_cast %slice3A_653 : vector<1x1024xi32> to vector<1x1024xi32>
      %broadcast_in_dim3A_655 = vector.broadcast %broadcast_in_dim3A_654 : vector<1x1024xi32> to vector<16x1024xi32>
      %select_n3A_656 = arith.select %eq3A_648, %broadcast_in_dim3A_655, %select_n3A_645 : vector<16x1024xi1>, vector<16x1024xi32>
      %slice3A_657 = vector.extract_strided_slice %add3A_399 {offsets = [11, 0], sizes = [1, 1024], strides = [1, 1]} : vector<16x1024xi32> to vector<1x1024xi32>
      %eq3A_658 = vector.broadcast %slice3A_657 : vector<1x1024xi32> to vector<16x1024xi32>
      %eq3A_659 = arith.cmpi eq, %iota3A_77, %eq3A_658 : vector<16x1024xi32>
      %slice3A_660 = vector.extract_strided_slice %while3A_103#1 {offsets = [11, 0], sizes = [1, 1024], strides = [1, 1]} : vector<16x1024xf32> to vector<1x1024xf32>
      %broadcast_in_dim3A_661 = vector.shape_cast %slice3A_660 : vector<1x1024xf32> to vector<1x1024xf32>
      %broadcast_in_dim3A_662 = vector.broadcast %broadcast_in_dim3A_661 : vector<1x1024xf32> to vector<16x1024xf32>
      %select_n3A_663 = arith.select %eq3A_659, %broadcast_in_dim3A_662, %select_n3A_652 : vector<16x1024xi1>, vector<16x1024xf32>
      %slice3A_664 = vector.extract_strided_slice %add3A_113 {offsets = [11, 0], sizes = [1, 1024], strides = [1, 1]} : vector<16x1024xi32> to vector<1x1024xi32>
      %broadcast_in_dim3A_665 = vector.shape_cast %slice3A_664 : vector<1x1024xi32> to vector<1x1024xi32>
      %broadcast_in_dim3A_666 = vector.broadcast %broadcast_in_dim3A_665 : vector<1x1024xi32> to vector<16x1024xi32>
      %select_n3A_667 = arith.select %eq3A_659, %broadcast_in_dim3A_666, %select_n3A_656 : vector<16x1024xi1>, vector<16x1024xi32>
      %slice3A_668 = vector.extract_strided_slice %add3A_390 {offsets = [12, 0], sizes = [1, 1024], strides = [1, 1]} : vector<16x1024xi32> to vector<1x1024xi32>
      %eq3A_669 = vector.broadcast %slice3A_668 : vector<1x1024xi32> to vector<16x1024xi32>
      %eq3A_670 = arith.cmpi eq, %iota3A_77, %eq3A_669 : vector<16x1024xi32>
      %slice3A_671 = vector.extract_strided_slice %get3A_106 {offsets = [12, 0], sizes = [1, 1024], strides = [1, 1]} : vector<16x1024xf32> to vector<1x1024xf32>
      %broadcast_in_dim3A_672 = vector.shape_cast %slice3A_671 : vector<1x1024xf32> to vector<1x1024xf32>
      %broadcast_in_dim3A_673 = vector.broadcast %broadcast_in_dim3A_672 : vector<1x1024xf32> to vector<16x1024xf32>
      %select_n3A_674 = arith.select %eq3A_670, %broadcast_in_dim3A_673, %select_n3A_663 : vector<16x1024xi1>, vector<16x1024xf32>
      %slice3A_675 = vector.extract_strided_slice %get3A_109 {offsets = [12, 0], sizes = [1, 1024], strides = [1, 1]} : vector<16x1024xi32> to vector<1x1024xi32>
      %broadcast_in_dim3A_676 = vector.shape_cast %slice3A_675 : vector<1x1024xi32> to vector<1x1024xi32>
      %broadcast_in_dim3A_677 = vector.broadcast %broadcast_in_dim3A_676 : vector<1x1024xi32> to vector<16x1024xi32>
      %select_n3A_678 = arith.select %eq3A_670, %broadcast_in_dim3A_677, %select_n3A_667 : vector<16x1024xi1>, vector<16x1024xi32>
      %slice3A_679 = vector.extract_strided_slice %add3A_399 {offsets = [12, 0], sizes = [1, 1024], strides = [1, 1]} : vector<16x1024xi32> to vector<1x1024xi32>
      %eq3A_680 = vector.broadcast %slice3A_679 : vector<1x1024xi32> to vector<16x1024xi32>
      %eq3A_681 = arith.cmpi eq, %iota3A_77, %eq3A_680 : vector<16x1024xi32>
      %slice3A_682 = vector.extract_strided_slice %while3A_103#1 {offsets = [12, 0], sizes = [1, 1024], strides = [1, 1]} : vector<16x1024xf32> to vector<1x1024xf32>
      %broadcast_in_dim3A_683 = vector.shape_cast %slice3A_682 : vector<1x1024xf32> to vector<1x1024xf32>
      %broadcast_in_dim3A_684 = vector.broadcast %broadcast_in_dim3A_683 : vector<1x1024xf32> to vector<16x1024xf32>
      %select_n3A_685 = arith.select %eq3A_681, %broadcast_in_dim3A_684, %select_n3A_674 : vector<16x1024xi1>, vector<16x1024xf32>
      %slice3A_686 = vector.extract_strided_slice %add3A_113 {offsets = [12, 0], sizes = [1, 1024], strides = [1, 1]} : vector<16x1024xi32> to vector<1x1024xi32>
      %broadcast_in_dim3A_687 = vector.shape_cast %slice3A_686 : vector<1x1024xi32> to vector<1x1024xi32>
      %broadcast_in_dim3A_688 = vector.broadcast %broadcast_in_dim3A_687 : vector<1x1024xi32> to vector<16x1024xi32>
      %select_n3A_689 = arith.select %eq3A_681, %broadcast_in_dim3A_688, %select_n3A_678 : vector<16x1024xi1>, vector<16x1024xi32>
      %slice3A_690 = vector.extract_strided_slice %add3A_390 {offsets = [13, 0], sizes = [1, 1024], strides = [1, 1]} : vector<16x1024xi32> to vector<1x1024xi32>
      %eq3A_691 = vector.broadcast %slice3A_690 : vector<1x1024xi32> to vector<16x1024xi32>
      %eq3A_692 = arith.cmpi eq, %iota3A_77, %eq3A_691 : vector<16x1024xi32>
      %slice3A_693 = vector.extract_strided_slice %get3A_106 {offsets = [13, 0], sizes = [1, 1024], strides = [1, 1]} : vector<16x1024xf32> to vector<1x1024xf32>
      %broadcast_in_dim3A_694 = vector.shape_cast %slice3A_693 : vector<1x1024xf32> to vector<1x1024xf32>
      %broadcast_in_dim3A_695 = vector.broadcast %broadcast_in_dim3A_694 : vector<1x1024xf32> to vector<16x1024xf32>
      %select_n3A_696 = arith.select %eq3A_692, %broadcast_in_dim3A_695, %select_n3A_685 : vector<16x1024xi1>, vector<16x1024xf32>
      %slice3A_697 = vector.extract_strided_slice %get3A_109 {offsets = [13, 0], sizes = [1, 1024], strides = [1, 1]} : vector<16x1024xi32> to vector<1x1024xi32>
      %broadcast_in_dim3A_698 = vector.shape_cast %slice3A_697 : vector<1x1024xi32> to vector<1x1024xi32>
      %broadcast_in_dim3A_699 = vector.broadcast %broadcast_in_dim3A_698 : vector<1x1024xi32> to vector<16x1024xi32>
      %select_n3A_700 = arith.select %eq3A_692, %broadcast_in_dim3A_699, %select_n3A_689 : vector<16x1024xi1>, vector<16x1024xi32>
      %slice3A_701 = vector.extract_strided_slice %add3A_399 {offsets = [13, 0], sizes = [1, 1024], strides = [1, 1]} : vector<16x1024xi32> to vector<1x1024xi32>
      %eq3A_702 = vector.broadcast %slice3A_701 : vector<1x1024xi32> to vector<16x1024xi32>
      %eq3A_703 = arith.cmpi eq, %iota3A_77, %eq3A_702 : vector<16x1024xi32>
      %slice3A_704 = vector.extract_strided_slice %while3A_103#1 {offsets = [13, 0], sizes = [1, 1024], strides = [1, 1]} : vector<16x1024xf32> to vector<1x1024xf32>
      %broadcast_in_dim3A_705 = vector.shape_cast %slice3A_704 : vector<1x1024xf32> to vector<1x1024xf32>
      %broadcast_in_dim3A_706 = vector.broadcast %broadcast_in_dim3A_705 : vector<1x1024xf32> to vector<16x1024xf32>
      %select_n3A_707 = arith.select %eq3A_703, %broadcast_in_dim3A_706, %select_n3A_696 : vector<16x1024xi1>, vector<16x1024xf32>
      %slice3A_708 = vector.extract_strided_slice %add3A_113 {offsets = [13, 0], sizes = [1, 1024], strides = [1, 1]} : vector<16x1024xi32> to vector<1x1024xi32>
      %broadcast_in_dim3A_709 = vector.shape_cast %slice3A_708 : vector<1x1024xi32> to vector<1x1024xi32>
      %broadcast_in_dim3A_710 = vector.broadcast %broadcast_in_dim3A_709 : vector<1x1024xi32> to vector<16x1024xi32>
      %select_n3A_711 = arith.select %eq3A_703, %broadcast_in_dim3A_710, %select_n3A_700 : vector<16x1024xi1>, vector<16x1024xi32>
      %slice3A_712 = vector.extract_strided_slice %add3A_390 {offsets = [14, 0], sizes = [1, 1024], strides = [1, 1]} : vector<16x1024xi32> to vector<1x1024xi32>
      %eq3A_713 = vector.broadcast %slice3A_712 : vector<1x1024xi32> to vector<16x1024xi32>
      %eq3A_714 = arith.cmpi eq, %iota3A_77, %eq3A_713 : vector<16x1024xi32>
      %slice3A_715 = vector.extract_strided_slice %get3A_106 {offsets = [14, 0], sizes = [1, 1024], strides = [1, 1]} : vector<16x1024xf32> to vector<1x1024xf32>
      %broadcast_in_dim3A_716 = vector.shape_cast %slice3A_715 : vector<1x1024xf32> to vector<1x1024xf32>
      %broadcast_in_dim3A_717 = vector.broadcast %broadcast_in_dim3A_716 : vector<1x1024xf32> to vector<16x1024xf32>
      %select_n3A_718 = arith.select %eq3A_714, %broadcast_in_dim3A_717, %select_n3A_707 : vector<16x1024xi1>, vector<16x1024xf32>
      %slice3A_719 = vector.extract_strided_slice %get3A_109 {offsets = [14, 0], sizes = [1, 1024], strides = [1, 1]} : vector<16x1024xi32> to vector<1x1024xi32>
      %broadcast_in_dim3A_720 = vector.shape_cast %slice3A_719 : vector<1x1024xi32> to vector<1x1024xi32>
      %broadcast_in_dim3A_721 = vector.broadcast %broadcast_in_dim3A_720 : vector<1x1024xi32> to vector<16x1024xi32>
      %select_n3A_722 = arith.select %eq3A_714, %broadcast_in_dim3A_721, %select_n3A_711 : vector<16x1024xi1>, vector<16x1024xi32>
      %slice3A_723 = vector.extract_strided_slice %add3A_399 {offsets = [14, 0], sizes = [1, 1024], strides = [1, 1]} : vector<16x1024xi32> to vector<1x1024xi32>
      %eq3A_724 = vector.broadcast %slice3A_723 : vector<1x1024xi32> to vector<16x1024xi32>
      %eq3A_725 = arith.cmpi eq, %iota3A_77, %eq3A_724 : vector<16x1024xi32>
      %slice3A_726 = vector.extract_strided_slice %while3A_103#1 {offsets = [14, 0], sizes = [1, 1024], strides = [1, 1]} : vector<16x1024xf32> to vector<1x1024xf32>
      %broadcast_in_dim3A_727 = vector.shape_cast %slice3A_726 : vector<1x1024xf32> to vector<1x1024xf32>
      %broadcast_in_dim3A_728 = vector.broadcast %broadcast_in_dim3A_727 : vector<1x1024xf32> to vector<16x1024xf32>
      %select_n3A_729 = arith.select %eq3A_725, %broadcast_in_dim3A_728, %select_n3A_718 : vector<16x1024xi1>, vector<16x1024xf32>
      %slice3A_730 = vector.extract_strided_slice %add3A_113 {offsets = [14, 0], sizes = [1, 1024], strides = [1, 1]} : vector<16x1024xi32> to vector<1x1024xi32>
      %broadcast_in_dim3A_731 = vector.shape_cast %slice3A_730 : vector<1x1024xi32> to vector<1x1024xi32>
      %broadcast_in_dim3A_732 = vector.broadcast %broadcast_in_dim3A_731 : vector<1x1024xi32> to vector<16x1024xi32>
      %select_n3A_733 = arith.select %eq3A_725, %broadcast_in_dim3A_732, %select_n3A_722 : vector<16x1024xi1>, vector<16x1024xi32>
      %slice3A_734 = vector.extract_strided_slice %add3A_390 {offsets = [15, 0], sizes = [1, 1024], strides = [1, 1]} : vector<16x1024xi32> to vector<1x1024xi32>
      %eq3A_735 = vector.broadcast %slice3A_734 : vector<1x1024xi32> to vector<16x1024xi32>
      %eq3A_736 = arith.cmpi eq, %iota3A_77, %eq3A_735 : vector<16x1024xi32>
      %slice3A_737 = vector.extract_strided_slice %get3A_106 {offsets = [15, 0], sizes = [1, 1024], strides = [1, 1]} : vector<16x1024xf32> to vector<1x1024xf32>
      %broadcast_in_dim3A_738 = vector.shape_cast %slice3A_737 : vector<1x1024xf32> to vector<1x1024xf32>
      %broadcast_in_dim3A_739 = vector.broadcast %broadcast_in_dim3A_738 : vector<1x1024xf32> to vector<16x1024xf32>
      %select_n3A_740 = arith.select %eq3A_736, %broadcast_in_dim3A_739, %select_n3A_729 : vector<16x1024xi1>, vector<16x1024xf32>
      %slice3A_741 = vector.extract_strided_slice %get3A_109 {offsets = [15, 0], sizes = [1, 1024], strides = [1, 1]} : vector<16x1024xi32> to vector<1x1024xi32>
      %broadcast_in_dim3A_742 = vector.shape_cast %slice3A_741 : vector<1x1024xi32> to vector<1x1024xi32>
      %broadcast_in_dim3A_743 = vector.broadcast %broadcast_in_dim3A_742 : vector<1x1024xi32> to vector<16x1024xi32>
      %select_n3A_744 = arith.select %eq3A_736, %broadcast_in_dim3A_743, %select_n3A_733 : vector<16x1024xi1>, vector<16x1024xi32>
      %slice3A_745 = vector.extract_strided_slice %add3A_399 {offsets = [15, 0], sizes = [1, 1024], strides = [1, 1]} : vector<16x1024xi32> to vector<1x1024xi32>
      %eq3A_746 = vector.broadcast %slice3A_745 : vector<1x1024xi32> to vector<16x1024xi32>
      %eq3A_747 = arith.cmpi eq, %iota3A_77, %eq3A_746 : vector<16x1024xi32>
      %slice3A_748 = vector.extract_strided_slice %while3A_103#1 {offsets = [15, 0], sizes = [1, 1024], strides = [1, 1]} : vector<16x1024xf32> to vector<1x1024xf32>
      %broadcast_in_dim3A_749 = vector.shape_cast %slice3A_748 : vector<1x1024xf32> to vector<1x1024xf32>
      %broadcast_in_dim3A_750 = vector.broadcast %broadcast_in_dim3A_749 : vector<1x1024xf32> to vector<16x1024xf32>
      %select_n3A_751 = arith.select %eq3A_747, %broadcast_in_dim3A_750, %select_n3A_740 : vector<16x1024xi1>, vector<16x1024xf32>
      %slice3A_752 = vector.extract_strided_slice %add3A_113 {offsets = [15, 0], sizes = [1, 1024], strides = [1, 1]} : vector<16x1024xi32> to vector<1x1024xi32>
      %broadcast_in_dim3A_753 = vector.shape_cast %slice3A_752 : vector<1x1024xi32> to vector<1x1024xi32>
      %broadcast_in_dim3A_754 = vector.broadcast %broadcast_in_dim3A_753 : vector<1x1024xi32> to vector<16x1024xi32>
      %select_n3A_755 = arith.select %eq3A_747, %broadcast_in_dim3A_754, %select_n3A_744 : vector<16x1024xi1>, vector<16x1024xi32>
      %swap3A = arith.constant 0 : index
      %swap3A_756 = arith.constant 0 : index
      %swap3A_757 = vector.load %arg15[%swap3A, %swap3A_756] : memref<16x1024xf32, #tpu.memory_space<vmem>>, vector<16x1024xf32>
      tpu.vector_store %arg15[%swap3A, %swap3A_756], %select_n3A_751 {strides = array<i32>} : memref<16x1024xf32, #tpu.memory_space<vmem>>, vector<16x1024xf32>,
      %swap3A_758 = arith.constant 0 : index
      %swap3A_759 = arith.constant 0 : index
      %swap3A_760 = vector.load %arg16[%swap3A_758, %swap3A_759] : memref<16x1024xi32, #tpu.memory_space<vmem>>, vector<16x1024xi32>
      tpu.vector_store %arg16[%swap3A_758, %swap3A_759], %select_n3A_755 {strides = array<i32>} : memref<16x1024xi32, #tpu.memory_space<vmem>>, vector<16x1024xi32>,
      %slice3A_761 = vector.extract_strided_slice %select_n3A_751 {offsets = [15, 0], sizes = [1, 1024], strides = [1, 1]} : vector<16x1024xf32> to vector<1x1024xf32>
      %swap3A_762 = arith.constant 0 : index
      %swap3A_763 = arith.constant 0 : index
      %swap3A_764 = vector.load %arg17[%swap3A_762, %swap3A_763] : memref<1x1024xf32, #tpu.memory_space<vmem>>, vector<1x1024xf32>
      tpu.vector_store %arg17[%swap3A_762, %swap3A_763], %slice3A_761 {strides = array<i32>} : memref<1x1024xf32, #tpu.memory_space<vmem>>, vector<1x1024xf32>,
    } else {
    }
    %eq3A_83 = arith.constant 97 : i32
    %eq3A_84 = arith.cmpi eq, %arg0, %eq3A_83 : i32
    %convert_element_type3A_85 = arith.extui %eq3A_84 : i1 to i32
    %cond3A_86 = arith.constant 0 : i32
    %cond3A_87 = arith.cmpi ne, %convert_element_type3A_85, %cond3A_86 : i32
    scf.if %cond3A_87 {
      %get3A_88 = arith.constant 0 : index
      %get3A_89 = arith.constant 0 : index
      %get3A_90 = vector.load %arg15[%get3A_88, %get3A_89] : memref<16x1024xf32, #tpu.memory_space<vmem>>, vector<16x1024xf32>
      %swap3A = arith.constant 0 : index
      %swap3A_91 = arith.constant 0 : index
      %swap3A_92 = vector.load %arg10[%swap3A, %swap3A_91] : memref<16x1024xf32, #tpu.memory_space<vmem>>, vector<16x1024xf32>
      tpu.vector_store %arg10[%swap3A, %swap3A_91], %get3A_90 {strides = array<i32>} : memref<16x1024xf32, #tpu.memory_space<vmem>>, vector<16x1024xf32>,
      %get3A_93 = arith.constant 0 : index
      %get3A_94 = arith.constant 0 : index
      %get3A_95 = vector.load %arg16[%get3A_93, %get3A_94] : memref<16x1024xi32, #tpu.memory_space<vmem>>, vector<16x1024xi32>
      %swap3A_96 = arith.constant 0 : index
      %swap3A_97 = arith.constant 0 : index
      %swap3A_98 = vector.load %arg11[%swap3A_96, %swap3A_97] : memref<16x1024xi32, #tpu.memory_space<vmem>>, vector<16x1024xi32>
      tpu.vector_store %arg11[%swap3A_96, %swap3A_97], %get3A_95 {strides = array<i32>} : memref<16x1024xi32, #tpu.memory_space<vmem>>, vector<16x1024xi32>,
    } else {
    }
    return
  }
  func.func @transform_0(%arg0: i32) -> (i32, i32) {
    %c0_i32 = arith.constant 0 : i32
    %c0_i32_0 = arith.constant 0 : i32
    %c0_i32_1 = arith.constant 0 : i32
    return %c0_i32, %c0_i32_0 : i32, i32
  }
  func.func @transform_1(%arg0: i32) -> (i32, i32) {
    %c0_i32 = arith.constant 0 : i32
    %c0_i32_0 = arith.constant 0 : i32
    return %arg0, %c0_i32 : i32, i32
  }
  func.func @transform_2(%arg0: i32) -> (i32, i32) {
    %c0_i32 = arith.constant 0 : i32
    %c0_i32_0 = arith.constant 0 : i32
    %c0_i32_1 = arith.constant 0 : i32
    return %c0_i32, %c0_i32_0 : i32, i32
  }
  func.func @transform_3(%arg0: i32) -> (i32, i32) {
    %c0_i32 = arith.constant 0 : i32
    %c0_i32_0 = arith.constant 0 : i32
    %c0_i32_1 = arith.constant 0 : i32
    return %c0_i32, %c0_i32_0 : i32, i32
  }
  func.func @transform_4(%arg0: i32) -> (i32, i32) {
    %c0_i32 = arith.constant 0 : i32
    %c0_i32_0 = arith.constant 0 : i32
    %c0_i32_1 = arith.constant 0 : i32
    return %c0_i32, %c0_i32_0 : i32, i32
  }
  func.func @transform_5(%arg0: i32) -> (i32, i32) {
    %c0_i32 = arith.constant 0 : i32
    %c0_i32_0 = arith.constant 0 : i32
    %c0_i32_1 = arith.constant 0 : i32
    return %c0_i32, %c0_i32_0 : i32, i32
  }
  func.func @transform_6(%arg0: i32) -> (i32, i32) {
    %c0_i32 = arith.constant 0 : i32
    %c0_i32_0 = arith.constant 0 : i32
    %c0_i32_1 = arith.constant 0 : i32
    return %c0_i32, %c0_i32_0 : i32, i32
  }
  func.func @transform_7(%arg0: i32) -> (i32, i32) {
    %c0_i32 = arith.constant 0 : i32
    %c0_i32_0 = arith.constant 0 : i32
    %c0_i32_1 = arith.constant 0 : i32
    return %c0_i32, %c0_i32_0 : i32, i32
  }
  func.func @transform_8(%arg0: i32) -> (i32, i32) {
    %c0_i32 = arith.constant 0 : i32
    %c0_i32_0 = arith.constant 0 : i32
    %c0_i32_1 = arith.constant 0 : i32
    return %c0_i32, %c0_i32_0 : i32, i32
  }
  func.func @transform_9(%arg0: i32) -> (i32, i32) {
    %c0_i32 = arith.constant 0 : i32
    %c0_i32_0 = arith.constant 0 : i32
    %c0_i32_1 = arith.constant 0 : i32
    return %c0_i32, %c0_i32_0 : i32, i32
  }
  func.func @transform_10(%arg0: i32) -> (i32, i32) {
    %c0_i32 = arith.constant 0 : i32
    %c0_i32_0 = arith.constant 0 : i32
    %c0_i32_1 = arith.constant 0 : i32
    return %c0_i32, %c0_i32_0 : i32, i32
  }
}

module attributes {stable_mosaic.version = 14 : i64} {
  func.func @_stage_c_body(%arg0: memref<1024x64xf32, #tpu.memory_space<vmem>>, %arg1: memref<1024x32xf32, #tpu.memory_space<vmem>>, %arg2: memref<1024x8xf32, #tpu.memory_space<vmem>>, %arg3: memref<128x64xf32, #tpu.memory_space<vmem>>, %arg4: memref<1x128xf32, #tpu.memory_space<vmem>>, %arg5: memref<64x128xf32, #tpu.memory_space<vmem>>, %arg6: memref<1x64xf32, #tpu.memory_space<vmem>>, %arg7: memref<64x64xf32, #tpu.memory_space<vmem>>, %arg8: memref<1x64xf32, #tpu.memory_space<vmem>>, %arg9: memref<64x64xf32, #tpu.memory_space<vmem>>, %arg10: memref<1x64xf32, #tpu.memory_space<vmem>>, %arg11: memref<8x64xf32, #tpu.memory_space<vmem>>, %arg12: memref<1x8xf32, #tpu.memory_space<vmem>>, %arg13: memref<64x64xf32, #tpu.memory_space<vmem>>, %arg14: memref<64x32xf32, #tpu.memory_space<vmem>>, %arg15: memref<1x64xf32, #tpu.memory_space<vmem>>, %arg16: memref<1x64xf32, #tpu.memory_space<vmem>>, %arg17: memref<1024x1xf32, #tpu.memory_space<vmem>>, %arg18: memref<32x8xf32, #tpu.memory_space<vmem>>, %arg19: memref<1x32xf32, #tpu.memory_space<vmem>>, %arg20: memref<8x32xf32, #tpu.memory_space<vmem>>, %arg21: memref<1x8xf32, #tpu.memory_space<vmem>>, %arg22: memref<1024x8xf32, #tpu.memory_space<vmem>>, %arg23: memref<1024x1xf32, #tpu.memory_space<vmem>>, %arg24: memref<1024x8xf32, #tpu.memory_space<vmem>>) attributes {dimension_semantics = [], scalar_prefetch = 0 : i64, scratch_operands = 0 : i64, tpu.core_type = #tpu.core_type<tc>} {
    %get3A = arith.constant 0 : index
    %get3A_0 = arith.constant 0 : index
    %get3A_1 = vector.load %arg0[%get3A, %get3A_0] : memref<1024x64xf32, #tpu.memory_space<vmem>>, vector<1024x64xf32>
    %get3A_2 = arith.constant 0 : index
    %get3A_3 = arith.constant 0 : index
    %get3A_4 = vector.load %arg3[%get3A_2, %get3A_3] : memref<128x64xf32, #tpu.memory_space<vmem>>, vector<128x64xf32>
    %dot_general3A = arith.constant dense<0.000000e+00> : vector<1024x128xf32>
    %dot_general3A_5 = tpu.matmul %get3A_1, %get3A_4, %dot_general3A {dimension_numbers = #tpu.dot_dimension_numbers<[1], [1], [0], [0], [0, 0, 1, 0], [], []>, transpose_lhs_hint = false} : vector<1024x64xf32>, vector<128x64xf32>, vector<1024x128xf32> -> vector<1024x128xf32>
    %get3A_6 = arith.constant 0 : index
    %get3A_7 = arith.constant 0 : index
    %get3A_8 = vector.load %arg4[%get3A_6, %get3A_7] : memref<1x128xf32, #tpu.memory_space<vmem>>, vector<1x128xf32>
    %add3A = vector.broadcast %get3A_8 : vector<1x128xf32> to vector<1024x128xf32>
    %add3A_9 = arith.addf %dot_general3A_5, %add3A : vector<1024x128xf32>
    %max3A = arith.constant 0.000000e+00 : f32
    %max3A_10 = vector.broadcast %max3A : f32 to vector<1024x128xf32>
    %max3A_11 = arith.maximumf %add3A_9, %max3A_10 : vector<1024x128xf32>
    %get3A_12 = arith.constant 0 : index
    %get3A_13 = arith.constant 0 : index
    %get3A_14 = vector.load %arg5[%get3A_12, %get3A_13] : memref<64x128xf32, #tpu.memory_space<vmem>>, vector<64x128xf32>
    %dot_general3A_15 = arith.constant dense<0.000000e+00> : vector<1024x64xf32>
    %dot_general3A_16 = tpu.matmul %max3A_11, %get3A_14, %dot_general3A_15 {dimension_numbers = #tpu.dot_dimension_numbers<[1], [1], [0], [0], [0, 0, 1, 0], [], []>, transpose_lhs_hint = false} : vector<1024x128xf32>, vector<64x128xf32>, vector<1024x64xf32> -> vector<1024x64xf32>
    %get3A_17 = arith.constant 0 : index
    %get3A_18 = arith.constant 0 : index
    %get3A_19 = vector.load %arg6[%get3A_17, %get3A_18] : memref<1x64xf32, #tpu.memory_space<vmem>>, vector<1x64xf32>
    %add3A_20 = vector.broadcast %get3A_19 : vector<1x64xf32> to vector<1024x64xf32>
    %add3A_21 = arith.addf %dot_general3A_16, %add3A_20 : vector<1024x64xf32>
    %max3A_22 = arith.constant 0.000000e+00 : f32
    %max3A_23 = vector.broadcast %max3A_22 : f32 to vector<1024x64xf32>
    %max3A_24 = arith.maximumf %add3A_21, %max3A_23 : vector<1024x64xf32>
    %get3A_25 = arith.constant 0 : index
    %get3A_26 = arith.constant 0 : index
    %get3A_27 = vector.load %arg7[%get3A_25, %get3A_26] : memref<64x64xf32, #tpu.memory_space<vmem>>, vector<64x64xf32>
    %dot_general3A_28 = arith.constant dense<0.000000e+00> : vector<1024x64xf32>
    %dot_general3A_29 = tpu.matmul %max3A_24, %get3A_27, %dot_general3A_28 {dimension_numbers = #tpu.dot_dimension_numbers<[1], [1], [0], [0], [0, 0, 1, 0], [], []>, transpose_lhs_hint = false} : vector<1024x64xf32>, vector<64x64xf32>, vector<1024x64xf32> -> vector<1024x64xf32>
    %get3A_30 = arith.constant 0 : index
    %get3A_31 = arith.constant 0 : index
    %get3A_32 = vector.load %arg8[%get3A_30, %get3A_31] : memref<1x64xf32, #tpu.memory_space<vmem>>, vector<1x64xf32>
    %add3A_33 = vector.broadcast %get3A_32 : vector<1x64xf32> to vector<1024x64xf32>
    %add3A_34 = arith.addf %dot_general3A_29, %add3A_33 : vector<1024x64xf32>
    %get3A_35 = arith.constant 0 : index
    %get3A_36 = arith.constant 0 : index
    %get3A_37 = vector.load %arg9[%get3A_35, %get3A_36] : memref<64x64xf32, #tpu.memory_space<vmem>>, vector<64x64xf32>
    %dot_general3A_38 = arith.constant dense<0.000000e+00> : vector<1024x64xf32>
    %dot_general3A_39 = tpu.matmul %add3A_34, %get3A_37, %dot_general3A_38 {dimension_numbers = #tpu.dot_dimension_numbers<[1], [1], [0], [0], [0, 0, 1, 0], [], []>, transpose_lhs_hint = false} : vector<1024x64xf32>, vector<64x64xf32>, vector<1024x64xf32> -> vector<1024x64xf32>
    %get3A_40 = arith.constant 0 : index
    %get3A_41 = arith.constant 0 : index
    %get3A_42 = vector.load %arg10[%get3A_40, %get3A_41] : memref<1x64xf32, #tpu.memory_space<vmem>>, vector<1x64xf32>
    %add3A_43 = vector.broadcast %get3A_42 : vector<1x64xf32> to vector<1024x64xf32>
    %add3A_44 = arith.addf %dot_general3A_39, %add3A_43 : vector<1024x64xf32>
    %max3A_45 = arith.constant 0.000000e+00 : f32
    %max3A_46 = vector.broadcast %max3A_45 : f32 to vector<1024x64xf32>
    %max3A_47 = arith.maximumf %add3A_44, %max3A_46 : vector<1024x64xf32>
    %get3A_48 = arith.constant 0 : index
    %get3A_49 = arith.constant 0 : index
    %get3A_50 = vector.load %arg11[%get3A_48, %get3A_49] : memref<8x64xf32, #tpu.memory_space<vmem>>, vector<8x64xf32>
    %dot_general3A_51 = arith.constant dense<0.000000e+00> : vector<1024x8xf32>
    %dot_general3A_52 = tpu.matmul %max3A_47, %get3A_50, %dot_general3A_51 {dimension_numbers = #tpu.dot_dimension_numbers<[1], [1], [0], [0], [0, 0, 1, 0], [], []>, transpose_lhs_hint = false} : vector<1024x64xf32>, vector<8x64xf32>, vector<1024x8xf32> -> vector<1024x8xf32>
    %get3A_53 = arith.constant 0 : index
    %get3A_54 = arith.constant 0 : index
    %get3A_55 = vector.load %arg12[%get3A_53, %get3A_54] : memref<1x8xf32, #tpu.memory_space<vmem>>, vector<1x8xf32>
    %add3A_56 = vector.broadcast %get3A_55 : vector<1x8xf32> to vector<1024x8xf32>
    %add3A_57 = arith.addf %dot_general3A_52, %add3A_56 : vector<1024x8xf32>
    %get3A_58 = arith.constant 0 : index
    %get3A_59 = arith.constant 0 : index
    %get3A_60 = vector.load %arg13[%get3A_58, %get3A_59] : memref<64x64xf32, #tpu.memory_space<vmem>>, vector<64x64xf32>
    %dot_general3A_61 = arith.constant dense<0.000000e+00> : vector<1024x64xf32>
    %dot_general3A_62 = tpu.matmul %add3A_34, %get3A_60, %dot_general3A_61 {dimension_numbers = #tpu.dot_dimension_numbers<[1], [1], [0], [0], [0, 0, 1, 0], [], []>, transpose_lhs_hint = false} : vector<1024x64xf32>, vector<64x64xf32>, vector<1024x64xf32> -> vector<1024x64xf32>
    %get3A_63 = arith.constant 0 : index
    %get3A_64 = arith.constant 0 : index
    %get3A_65 = vector.load %arg1[%get3A_63, %get3A_64] : memref<1024x32xf32, #tpu.memory_space<vmem>>, vector<1024x32xf32>
    %get3A_66 = arith.constant 0 : index
    %get3A_67 = arith.constant 0 : index
    %get3A_68 = vector.load %arg14[%get3A_66, %get3A_67] : memref<64x32xf32, #tpu.memory_space<vmem>>, vector<64x32xf32>
    %dot_general3A_69 = arith.constant dense<0.000000e+00> : vector<1024x64xf32>
    %dot_general3A_70 = tpu.matmul %get3A_65, %get3A_68, %dot_general3A_69 {dimension_numbers = #tpu.dot_dimension_numbers<[1], [1], [0], [0], [0, 0, 1, 0], [], []>, transpose_lhs_hint = false} : vector<1024x32xf32>, vector<64x32xf32>, vector<1024x64xf32> -> vector<1024x64xf32>
    %add3A_71 = arith.addf %dot_general3A_62, %dot_general3A_70 : vector<1024x64xf32>
    %get3A_72 = arith.constant 0 : index
    %get3A_73 = arith.constant 0 : index
    %get3A_74 = vector.load %arg15[%get3A_72, %get3A_73] : memref<1x64xf32, #tpu.memory_space<vmem>>, vector<1x64xf32>
    %add3A_75 = vector.broadcast %get3A_74 : vector<1x64xf32> to vector<1024x64xf32>
    %add3A_76 = arith.addf %add3A_71, %add3A_75 : vector<1024x64xf32>
    %max3A_77 = arith.constant 0.000000e+00 : f32
    %max3A_78 = vector.broadcast %max3A_77 : f32 to vector<1024x64xf32>
    %max3A_79 = arith.maximumf %add3A_76, %max3A_78 : vector<1024x64xf32>
    %get3A_80 = arith.constant 0 : index
    %get3A_81 = arith.constant 0 : index
    %get3A_82 = vector.load %arg16[%get3A_80, %get3A_81] : memref<1x64xf32, #tpu.memory_space<vmem>>, vector<1x64xf32>
    %mul3A = vector.broadcast %get3A_82 : vector<1x64xf32> to vector<1024x64xf32>
    %mul3A_83 = arith.mulf %max3A_79, %mul3A : vector<1024x64xf32>
    %reduce_sum3A = arith.constant dense<0.000000e+00> : vector<1024xf32>
    %reduce_sum3A_84 = vector.multi_reduction <add>, %mul3A_83, %reduce_sum3A [1] : vector<1024x64xf32> to vector<1024xf32>
    %broadcast_in_dim3A = vector.shape_cast %reduce_sum3A_84 : vector<1024xf32> to vector<1024x1xf32>
    %get3A_85 = arith.constant 0 : index
    %get3A_86 = arith.constant 0 : index
    %get3A_87 = vector.load %arg17[%get3A_85, %get3A_86] : memref<1024x1xf32, #tpu.memory_space<vmem>>, vector<1024x1xf32>
    %add3A_88 = arith.addf %broadcast_in_dim3A, %get3A_87 : vector<1024x1xf32>
    %neg3A = arith.constant 0.000000e+00 : f32
    %neg3A_89 = vector.broadcast %neg3A : f32 to vector<1024x1xf32>
    %neg3A_90 = arith.subf %neg3A_89, %add3A_88 : vector<1024x1xf32>
    %exp3A = math.exp %neg3A_90 : vector<1024x1xf32>
    %add3A_91 = arith.constant 1.000000e+00 : f32
    %add3A_92 = vector.broadcast %add3A_91 : f32 to vector<1024x1xf32>
    %add3A_93 = arith.addf %add3A_92, %exp3A : vector<1024x1xf32>
    %div3A = arith.constant 1.000000e+00 : f32
    %div3A_94 = vector.broadcast %div3A : f32 to vector<1024x1xf32>
    %div3A_95 = arith.divf %div3A_94, %add3A_93 : vector<1024x1xf32>
    %get3A_96 = arith.constant 0 : index
    %get3A_97 = arith.constant 0 : index
    %get3A_98 = vector.load %arg2[%get3A_96, %get3A_97] : memref<1024x8xf32, #tpu.memory_space<vmem>>, vector<1024x8xf32>
    %mul3A_99 = vector.broadcast %div3A_95 : vector<1024x1xf32> to vector<1024x8xf32>
    %mul3A_100 = arith.mulf %mul3A_99, %get3A_98 : vector<1024x8xf32>
    %sub3A = arith.constant 1.000000e+00 : f32
    %sub3A_101 = vector.broadcast %sub3A : f32 to vector<1024x1xf32>
    %sub3A_102 = arith.subf %sub3A_101, %div3A_95 : vector<1024x1xf32>
    %mul3A_103 = vector.broadcast %sub3A_102 : vector<1024x1xf32> to vector<1024x8xf32>
    %mul3A_104 = arith.mulf %mul3A_103, %add3A_57 : vector<1024x8xf32>
    %add3A_105 = arith.addf %mul3A_100, %mul3A_104 : vector<1024x8xf32>
    %get3A_106 = arith.constant 0 : index
    %get3A_107 = arith.constant 0 : index
    %get3A_108 = vector.load %arg18[%get3A_106, %get3A_107] : memref<32x8xf32, #tpu.memory_space<vmem>>, vector<32x8xf32>
    %dot_general3A_109 = arith.constant dense<0.000000e+00> : vector<1024x32xf32>
    %dot_general3A_110 = tpu.matmul %add3A_105, %get3A_108, %dot_general3A_109 {dimension_numbers = #tpu.dot_dimension_numbers<[1], [1], [0], [0], [0, 0, 1, 0], [], []>, transpose_lhs_hint = false} : vector<1024x8xf32>, vector<32x8xf32>, vector<1024x32xf32> -> vector<1024x32xf32>
    %get3A_111 = arith.constant 0 : index
    %get3A_112 = arith.constant 0 : index
    %get3A_113 = vector.load %arg19[%get3A_111, %get3A_112] : memref<1x32xf32, #tpu.memory_space<vmem>>, vector<1x32xf32>
    %add3A_114 = vector.broadcast %get3A_113 : vector<1x32xf32> to vector<1024x32xf32>
    %add3A_115 = arith.addf %dot_general3A_110, %add3A_114 : vector<1024x32xf32>
    %max3A_116 = arith.constant 0.000000e+00 : f32
    %max3A_117 = vector.broadcast %max3A_116 : f32 to vector<1024x32xf32>
    %max3A_118 = arith.maximumf %add3A_115, %max3A_117 : vector<1024x32xf32>
    %get3A_119 = arith.constant 0 : index
    %get3A_120 = arith.constant 0 : index
    %get3A_121 = vector.load %arg20[%get3A_119, %get3A_120] : memref<8x32xf32, #tpu.memory_space<vmem>>, vector<8x32xf32>
    %dot_general3A_122 = arith.constant dense<0.000000e+00> : vector<1024x8xf32>
    %dot_general3A_123 = tpu.matmul %max3A_118, %get3A_121, %dot_general3A_122 {dimension_numbers = #tpu.dot_dimension_numbers<[1], [1], [0], [0], [0, 0, 1, 0], [], []>, transpose_lhs_hint = false} : vector<1024x32xf32>, vector<8x32xf32>, vector<1024x8xf32> -> vector<1024x8xf32>
    %get3A_124 = arith.constant 0 : index
    %get3A_125 = arith.constant 0 : index
    %get3A_126 = vector.load %arg21[%get3A_124, %get3A_125] : memref<1x8xf32, #tpu.memory_space<vmem>>, vector<1x8xf32>
    %add3A_127 = vector.broadcast %get3A_126 : vector<1x8xf32> to vector<1024x8xf32>
    %add3A_128 = arith.addf %dot_general3A_123, %add3A_127 : vector<1024x8xf32>
    %swap3A = arith.constant 0 : index
    %swap3A_129 = arith.constant 0 : index
    %swap3A_130 = vector.load %arg22[%swap3A, %swap3A_129] : memref<1024x8xf32, #tpu.memory_space<vmem>>, vector<1024x8xf32>
    tpu.vector_store %arg22[%swap3A, %swap3A_129], %add3A_128 {strides = array<i32>} : memref<1024x8xf32, #tpu.memory_space<vmem>>, vector<1024x8xf32>,
    %swap3A_131 = arith.constant 0 : index
    %swap3A_132 = arith.constant 0 : index
    %swap3A_133 = vector.load %arg23[%swap3A_131, %swap3A_132] : memref<1024x1xf32, #tpu.memory_space<vmem>>, vector<1024x1xf32>
    tpu.vector_store %arg23[%swap3A_131, %swap3A_132], %div3A_95 {strides = array<i32>} : memref<1024x1xf32, #tpu.memory_space<vmem>>, vector<1024x1xf32>,
    %swap3A_134 = arith.constant 0 : index
    %swap3A_135 = arith.constant 0 : index
    %swap3A_136 = vector.load %arg24[%swap3A_134, %swap3A_135] : memref<1024x8xf32, #tpu.memory_space<vmem>>, vector<1024x8xf32>
    tpu.vector_store %arg24[%swap3A_134, %swap3A_135], %add3A_57 {strides = array<i32>} : memref<1024x8xf32, #tpu.memory_space<vmem>>, vector<1024x8xf32>,
    return
  }
}

</mosaic_0001>

<sc_bundles>
// kernel: kernel.5.cloned.1.call-start
scs
__scs_entry_jumppad:
0x0: {  	(pc) =	sbr.rel $0x88, $3  }
0x1: {  	(tag) =	ssettag $0x0;
	lr =	simm.s32 $0x1  }
0x2: {  	[smem:$0x3F86] =	sst lr;
	_ =	strace $0xD0000000  }
0x3: {  	_ = 	snop  }
0x4: {  	_ = 	snop  }
0x5: {  	_ = 	snop  }
0x6: {  	_ = 	snop  }
0x7: {  	_ = 	snop  }
__scs_overlays_trampoline_lowered:
0x8: {  	[smem:$0x3F95] =	sst s0  }
0x9: {  	[smem:$0x3F96] =	sst s1  }
0xa: {  	[smem:$0x3F97] =	sst s2  }
0xb: {  	[smem:$0x3F98] =	sst s3  }
0xc: {  	[smem:$0x3F99] =	sst s4  }
0xd: {  	[smem:$0x3F9A] =	sst s5  }
0xe: {  	[smem:$0x3F9B] =	sst s6  }
0xf: {  	[smem:$0x3F9C] =	sst s7  }
0x10: {  	[smem:$0x3F9D] =	sst s8  }
0x11: {  	[smem:$0x3F9E] =	sst s9;
	s0 =	simm.s32 @!p0 $0x0  }
0x12: {  	s1 =	sld [smem:$0x3F84];
	s0 =	simm.s32 @p0 $0x1  }
0x13: {  	[smem:$0x3F9F] =	sst s0;
	s0 =	simm.s32 @!p1 $0x0  }
0x14: {  	s2 =	sld [smem:$0x3F83];
	s0 =	simm.s32 @p1 $0x1  }
0x15: {  	[smem:$0x3FA0] =	sst s0;
	s0 =	simm.s32 @!p2 $0x0  }
0x16: {  	s3 =	sld [smem:$0x3FDB];
	s0 =	simm.s32 @p2 $0x1  }
0x17: {  	s4 =	simm.s32 $0x1BF5;
	[smem:$0x3FA2] =	sst s0  }
0x18: {  	s0 =	sld [smem:$0x3F85];
	_ =	swait.ge [sflag:s4], $0x0  }
0x19: {  	s7 =	sld [smem:$0x3F86]  }
0x1a: {  	s8 =	sadd.s32 $0xFFFFE003, lr  }
0x1b: {  	s9 =	sadd.s32 $0xFFFFFEF7, lr;
	s5 =	simm.s32 $0xFFFFFFFF;
	p2 =	slt.u32 s8, $0xFFFFF086  }
0x1c: {  	p1 =	slt.u32 s9, $0xF7A;
	s5 =	simm.s32 @!p2 $0x0  }
0x1d: {  	s5 =	simm.s32 @p1 $0x1;
	p0 =	seq.s32 s7, s2  }
0x1e: {  	s7 =	smul.u32 @!p0 $0xF7A, s2;
	p2 =	seq.s32 @!p0 s5, $0x0  }
0x1f: {  	s9 =	smul.u32 $0xF7A, s1;
	s8 =	simm.s32 @!p0 $0x1BF5;
	p2 =	por !p2, p0  }
0x20: {  	[sflag:s8] =	ssyncset.s32 @!p0 $0xFFFFF086;
	s6 =	sadd.s32 @!p0 s3, s7;
	s7 =	simm.s32 @!p0 $0x108  }
0x21: {  	s3 =	sadd.s32 s3, s9;
	s6 =	sadd.s32 @!p0 $0x88, s6;
	s7 =	simm.s32 @p2 $0x1082  }
0x22: {  	[simem:s7], [sflag:s8] =	dma.local @!p0 [hbm:s6], $0xF7A  }
0x23: {  	s9 =	sor.u32 $0xD0000000, s2;
	s6 =	simm.s32 $0x108;
	_ =	swait.ge @!p0 [sflag:s8], $0x0  }
0x24: {  	s3 =	sadd.s32 $0x88, s3;
	s6 =	simm.s32 @!p1 $0x1082;
	[sflag:s4] =	ssyncset.s32 $0xFFFFF086  }
0x25: {  	[simem:s6], [sflag:s4] =	dma.local [hbm:s3], $0xF7A  }
0x26: {  	[smem:$0x3F86] =	sst s1;
	(tag) =	ssettag s2;
	_ =	strace s9  }
0x27: {  	s1 =	sld [smem:$0x3F96]  }
0x28: {  	s2 =	sld [smem:$0x3F97]  }
0x29: {  	s4 =	sld [smem:$0x3F99]  }
0x2a: {  	p0 =	seq.s32 s5, $0x0;
	s5 =	sld [smem:$0x3F9A]  }
0x2b: {  	s6 =	sld [smem:$0x3F9B]  }
0x2c: {  	s7 =	sld [smem:$0x3F9C]  }
0x2d: {  	s3 =	simm.s32 $0x108;
	s8 =	sld [smem:$0x3F9D]  }
0x2e: {  	s3 =	simm.s32 @!p0 $0x1082;
	s9 =	sld [smem:$0x3F9E]  }
0x2f: {  	lr =	sadd.s32 s0, s3;
	s0 =	sld [smem:$0x3F95]  }
0x30: {  	s3 =	sld [smem:$0x3F98]  }
0x31: {  	[smem:$0x3FA1] =	sst s10  }
0x32: {  	s10 =	sld [smem:$0x3F9F];
	_ =	sdelay $0x3  }
0x33: {  	p0 =	seq.s32 s10, $0x1;
	s10 =	sld [smem:$0x3FA1];
	_ =	sdelay $0x3  }
0x34: {  	[smem:$0x3FA1] =	sst s10  }
0x35: {  	s10 =	sld [smem:$0x3FA0];
	_ =	sdelay $0x3  }
0x36: {  	p1 =	seq.s32 s10, $0x1;
	s10 =	sld [smem:$0x3FA1];
	_ =	sdelay $0x3  }
0x37: {  	[smem:$0x3FA1] =	sst s10  }
0x38: {  	s10 =	sld [smem:$0x3FA2]  }
0x39: {  	_ = 	snop;
	(pc) =	sbr.ind lr, $3  }
0x3a: {  	_ = 	snop  }
0x3b: {  	_ = 	snop  }
0x3c: {  	p2 =	seq.s32 s10, $0x1;
	s10 =	sld [smem:$0x3FA1]  }
0x3d: {  	_ =	shalt  }
0x3e: {  	_ =	shalt  }
0x3f: {  	_ =	shalt  }
0x40: {  	_ =	shalt  }
0x41: {  	_ =	shalt  }
0x42: {  	_ =	shalt  }
0x43: {  	_ =	shalt  }
0x44: {  	_ =	shalt  }
0x45: {  	_ =	shalt  }
0x46: {  	_ =	shalt  }
0x47: {  	_ =	shalt  }
0x48: {  	_ =	shalt  }
0x49: {  	_ =	shalt  }
0x4a: {  	_ =	shalt  }
0x4b: {  	_ =	shalt  }
0x4c: {  	_ =	shalt  }
0x4d: {  	_ =	shalt  }
0x4e: {  	_ =	shalt  }
0x4f: {  	_ =	shalt  }
0x50: {  	_ =	shalt  }
0x51: {  	_ =	shalt  }
0x52: {  	_ =	shalt  }
0x53: {  	_ =	shalt  }
0x54: {  	_ =	shalt  }
0x55: {  	_ =	shalt  }
0x56: {  	_ =	shalt  }
0x57: {  	_ =	shalt  }
0x58: {  	_ =	shalt  }
0x59: {  	_ =	shalt  }
0x5a: {  	_ =	shalt  }
0x5b: {  	_ =	shalt  }
0x5c: {  	_ =	shalt  }
0x5d: {  	_ =	shalt  }
0x5e: {  	_ =	shalt  }
0x5f: {  	_ =	shalt  }
0x60: {  	_ =	shalt  }
0x61: {  	_ =	shalt  }
0x62: {  	_ =	shalt  }
0x63: {  	_ =	shalt  }
0x64: {  	_ =	shalt  }
0x65: {  	_ =	shalt  }
0x66: {  	_ =	shalt  }
0x67: {  	_ =	shalt  }
0x68: {  	_ =	shalt  }
0x69: {  	_ =	shalt  }
0x6a: {  	_ =	shalt  }
0x6b: {  	_ =	shalt  }
0x6c: {  	_ =	shalt  }
0x6d: {  	_ =	shalt  }
0x6e: {  	_ =	shalt  }
0x6f: {  	_ =	shalt  }
0x70: {  	_ =	shalt  }
0x71: {  	_ =	shalt  }
0x72: {  	_ =	shalt  }
0x73: {  	_ =	shalt  }
0x74: {  	_ =	shalt  }
0x75: {  	_ =	shalt  }
0x76: {  	_ =	shalt  }
0x77: {  	_ =	shalt  }
0x78: {  	_ =	shalt  }
0x79: {  	_ =	shalt  }
0x7a: {  	_ =	shalt  }
0x7b: {  	_ =	shalt  }
0x7c: {  	_ =	shalt  }
0x7d: {  	_ =	shalt  }
0x7e: {  	_ =	shalt  }
0x7f: {  	_ =	shalt  }
0x80: {  	_ =	shalt  }
0x81: {  	_ =	shalt  }
0x82: {  	_ =	shalt  }
0x83: {  	_ =	shalt  }
0x84: {  	_ =	shalt  }
0x85: {  	_ =	shalt  }
0x86: {  	_ =	shalt  }
0x87: {  	_ =	shalt  }
.Lfunc_end0:
.L_simem_size_0:
called_computation_lowered:
.L_overlay_start_0:
0x88: {  	s2 =	sld [smem:$0x3FD9]  }
0x89: {  	s3 =	sld [smem:$0x3FFE];
	_ =	sdelay $0x1  }
0x8a: {  	s1 =	srdreg.scid  }
0x8b: {  	s0 =	sand.u32 $0x1, s1  }
0x8c: {  	s16 =	sshll.u32 s0, $0xA;
	s2 =	sadd.s32 s3, s2  }
0x8d: {  	s2 =	sadd.s32 s2, s16  }
0x8e: {  	[smem:$0x3FAD] =	sst s2  }
0x8f: {  	_ = 	snop  }
0x90: {  	(tm) =	ssettm $0x1  }
0x91: {  	s17 =	sld [smem:$0x3FFB];
	_ =	sdelay $0x3  }
0x92: {  	_ =	strace s17  }
0x93: {  	s2 =	sld [smem:$0x3FFC];
	_ =	sdelay $0x3  }
0x94: {  	_ =	strace s2  }
0x95: {  	s2 =	sld [smem:$0x3FFD];
	_ =	sdelay $0x3  }
0x96: {  	_ =	strace s2  }
0x97: {  	_ =	strace $0x8FFFFFFF  }
0x98: {  	s18 =	sld [smem:$0x3FDB];
	_ =	sdelay $0x1  }
0x99: {  	s19 =	simm.s32 $_scs_section_size  }
0x9a: {  	s4 =	simm.s32 $_size__tile_overlayer_lowered;
	s5 =	simm.s32 $_tile_overlayer_lowered  }
0x9b: {  	s22 =	simm.s32 $0x1BFF;
	s21 =	sshll.u32 s5, $0x1;
	s2 =	sadd.s32 s19, s18  }
0x9c: {  	s6 =	simm.s32 $0x0;
	s20 =	sshll.u32 s4, $0x1;
	s4 =	sadd.s32 s21, s2  }
0x9d: {  	[timem:s6], [sflag:s22] =	dma.local [hbm:s4], s20  }
0x9e: {  	_ =	swait.ge [sflag:s22], s20  }
0x9f: {  	s3 =	ssub.s32 $0x0, s20;
	[sflag:s22] =	ssyncset.done $0x0  }
0xa0: {  	[sflag:s22] =	ssyncadd.s32 s3;
	_ =	sdelay $0x1  }
0xa1: {  	s23 =	simm.s32 $0x1B8B  }
0xa2: {  	_ =	swait.ge [sflag:s23], $0x1  }
0xa3: {  	[sflag:s23] =	ssyncset.done $0x0  }
0xa4: {  	s25 =	simm.s32 $0x1B8E;
	s24 =	sld [smem:$0x3FFE];
	[sflag:s23] =	ssyncadd.s32 $0xFFFFFFFF  }
0xa5: {  	s26 =	simm.s32 $execute0_lowered;
	[smem:$0x3FD2] =	sst s25  }
0xa6: {  	s4 =	sshll.u32 s26, $0x1;
	_ =	strace $0x80000046;
	[dreg:$0x1] =	wrdreg $0xFFFFFFFF  }
0xa7: {  	s28 =	simm.s32 $_size_execute0_lowered;
	s2 =	sadd.s32 s2, s4;
	[dreg:$0x0] =	wrdreg $0x0  }
0xa8: {  	s4 =	sshll.u32 s28, $0x1;
	[dreg:$0x2] =	wrdreg s2  }
0xa9: {  	[dreg:$0x3] =	wrdreg s4  }
0xaa: {  	[dreg:$0x4] =	wrdreg $0xC0  }
0xab: {  	_ =	task [dreg:s6], $0x5FFFF  }
0xac: {  	[dreg:$0x1] =	wrdreg $0xFFFFFFFF  }
0xad: {  	[dreg:$0x0] =	wrdreg $0x60  }
0xae: {  	[dreg:$0x2] =	wrdreg s24  }
0xaf: {  	[dreg:$0x3] =	wrdreg $0x9  }
0xb0: {  	_ =	task.clear_ibuf [dreg:s6], $0x4FFFF;
	_ =	strace $0x90000046  }
0xb1: {  	s29 =	simm.s32 $0x9;
	_ =	strace $0x80000048  }
0xb2: {  	_ =	swait.ge [sflag:s29], $0x1  }
0xb3: {  	[sflag:s29] =	ssyncadd.s32 $0xFFFFFFFF  }
0xb4: {  	_ =	strace $0x90000048  }
0xb5: {  	_ =	sfence  }
0xb6: {  	s30 =	sld [smem:$0x0];
	_ =	sdelay $0x2  }
0xb7: {  	s31 =	sshll.u32 s1, $0xD;
	s1 =	sshrl.u32 s1, $0x2  }
0xb8: {  	s3 =	sand.u32 $0x4000, s31;
	s1 =	sadd.s32 s1, s30  }
0xb9: {  	s0 =	sor.u32 s3, s0;
	s1 =	sshll.u32 s1, $0x11  }
0xba: {  	s0 =	sor.u32 s1, s0  }
0xbb: {  	s0 =	sadd.s32 $0x8F2B, s0  }
0xbc: {  	[sflag:s0] =	ssyncadd.remote.s32 $0x1  }
0xbd: {  	_ =	sfence.sel $0xFFFF  }
0xbe: {  	[dreg:$0x0] =	wrdreg $0xFFFFFFFF;
	(pc) =	sbr.abs _section_cstart, $3  }
0xbf: {  	[dreg:$0x1] =	wrdreg $0xFFFFFFFF  }
0xc0: {  	_ =	task.clear_ibuf [dreg:s6], $0x2FFFF;
	_ =	strace $0x9FFFFFFF  }
0xc1: {  	(tm) =	ssettm $0x7FFFFFFF  }
tec
execute0_lowered:
.L_overlay_start_1:
0x0: {  	(tag) =	ssettag $0x1  }
0x1: {  	v0 =	vimm.s32 $0xFEDCBA98;
	v1 =	vimm.s32 $0x3210FEDC  }
0x2: {  	v2 =	vimm.s32 $0xBA987654;
	v3 =	vimm.s32 $0x76543210;
	v4 =	vimm.s32 $0x10FEDCBA  }
0x3: {  	v5 =	vimm.s32 $0x98765432;
	v6 =	vimm.s32 $0xFEDCBA9;
	v7 =	vimm.s32 $0x87654321  }
0x4: {  	vm11 =	vcmask $0x300;
	vm12 =	vcmask $0x704;
	vm13 =	vcmask $0xB08  }
0x5: {  	vm14 =	vcmask $0xF0C;
	vm10 =	vcmask $0x1310;
	vm9 =	vcmask $0x1714  }
0x6: {  	vm8 =	vcmask $0x1B18;
	vm7 =	vcmask $0x1F1C;
	vm0 =	vcmask $0x1F10  }
0x7: {  	vm6 =	vcmask $0x2320;
	vm5 =	vcmask $0x2724;
	vm4 =	vcmask $0x2B28  }
0x8: {  	vm3 =	vcmask $0x2F2C;
	vm2 =	vcmask $0x3330;
	vm1 =	vcmask $0x3734  }
0x9: {  	vm15 =	vcmask $0x3B38;
	v10 =	vimm.s32 $0x387;
	v11 =	vimm.s32 $0x487  }
0xa: {  	v15 =	vimm.s32 $0x587;
	v16 =	vimm.s32 $0x687;
	v17 =	vimm.s32 $0x787  }
0xb: {  	v0 =	vunpack.c.l.s4.s8 v0;
	v1 =	vunpack.c.l.s4.s8 v1;
	v2 =	vunpack.c.l.s4.s8 v2  }
0xc: {  	v3 =	vunpack.c.l.s4.s8 v3;
	v4 =	vunpack.c.l.s4.s8 v4;
	v5 =	vunpack.c.l.s4.s8 v5  }
0xd: {  	v10 =	vsel vm11, $0x300, v10;
	v11 =	vsel vm11, $0x400, v11;
	v15 =	vsel vm11, $0x500, v15  }
0xe: {  	v16 =	vsel vm11, $0x600, v16;
	v17 =	vsel vm11, $0x700, v17;
	v10 =	vsel vm12, $0x301, v10  }
0xf: {  	v11 =	vsel vm12, $0x401, v11;
	v15 =	vsel vm12, $0x501, v15;
	v16 =	vsel vm12, $0x601, v16  }
0x10: {  	v17 =	vsel vm12, $0x701, v17;
	v0 =	vunpack.c.0.s8.s32 v0;
	v1 =	vunpack.c.0.s8.s32 v1  }
0x11: {  	v2 =	vunpack.c.0.s8.s32 v2;
	v8 =	vunpack.c.0.s8.s32 v3;
	v3 =	vunpack.c.l.s4.s8 v6  }
0x12: {  	v6 =	vunpack.c.l.s4.s8 v7;
	v7 =	vimm.s32 $0x87868584;
	v10 =	vsel vm13, $0x302, v10  }
0x13: {  	v11 =	vsel vm13, $0x402, v11;
	v15 =	vsel vm13, $0x502, v15;
	v16 =	vsel vm13, $0x602, v16  }
0x14: {  	v17 =	vsel vm13, $0x702, v17;
	v7 =	vunpack.c.0.s8.s32 v7;
	v10 =	vsel vm14, $0x303, v10  }
0x15: {  	v11 =	vsel vm14, $0x403, v11;
	v15 =	vsel vm14, $0x503, v15;
	v16 =	vsel vm14, $0x603, v16  }
0x16: {  	v17 =	vsel vm14, $0x703, v17;
	v1 =	vcombine.low v2, v1;
	v2 =	vunpack.c.0.s8.s32 v4  }
0x17: {  	v4 =	vunpack.c.0.s8.s32 v5;
	v0 =	vand.u32 $0xF, v0;
	v3 =	vunpack.c.0.s8.s32 v3  }
0x18: {  	v5 =	vunpack.c.0.s8.s32 v6;
	v6 =	vimm.s32 $0x83828180;
	v10 =	vsel vm10, $0x304, v10  }
0x19: {  	v11 =	vsel vm10, $0x404, v11;
	v15 =	vsel vm10, $0x504, v15;
	v16 =	vsel vm10, $0x604, v16  }
0x1a: {  	v17 =	vsel vm10, $0x704, v17;
	v0 =	vcombine.low v0, v8;
	v6 =	vunpack.c.0.s8.s32 v6  }
0x1b: {  	v10 =	vsel vm9, $0x305, v10;
	v11 =	vsel vm9, $0x405, v11;
	v15 =	vsel vm9, $0x505, v15  }
0x1c: {  	v16 =	vsel vm9, $0x605, v16;
	v17 =	vsel vm9, $0x705, v17;
	v1 =	vand.u32 $0xF, v1  }
0x1d: {  	v2 =	vcombine.low v4, v2;
	v3 =	vcombine.low v5, v3;
	v4 =	vimm.s32 $0x187  }
0x1e: {  	v5 =	vlaneseq.u32;
	v10 =	vsel vm8, $0x306, v10;
	v11 =	vsel vm8, $0x406, v11  }
0x1f: {  	v15 =	vsel vm8, $0x506, v15;
	v16 =	vsel vm8, $0x606, v16;
	v17 =	vsel vm8, $0x706, v17  }
0x20: {  	v4 =	vsel vm11, $0x100, v4;
	v6 =	vsel vm0, v7, v6;
	v10 =	vsel vm7, $0x307, v10  }
0x21: {  	v11 =	vsel vm7, $0x407, v11;
	v15 =	vsel vm7, $0x507, v15;
	v16 =	vsel vm7, $0x607, v16  }
0x22: {  	v17 =	vsel vm7, $0x707, v17;
	v2 =	vand.u32 $0xF, v2;
	v3 =	vand.u32 $0xF, v3  }
0x23: {  	v4 =	vsel vm12, $0x101, v4;
	v6 =	vcombine.low v8, v6;
	v8 =	vimm.s32 $0x287  }
0x24: {  	v10 =	vsel vm6, $0x380, v10;
	v11 =	vsel vm6, $0x480, v11;
	v15 =	vsel vm6, $0x580, v15  }
0x25: {  	v16 =	vsel vm6, $0x680, v16;
	v17 =	vsel vm6, $0x780, v17;
	v4 =	vsel vm13, $0x102, v4  }
0x26: {  	v9 =	vsel vm11, $0x200, v8;
	v10 =	vsel vm5, $0x381, v10;
	v11 =	vsel vm5, $0x481, v11  }
0x27: {  	v15 =	vsel vm5, $0x581, v15;
	v16 =	vsel vm5, $0x681, v16;
	v17 =	vsel vm5, $0x781, v17  }
0x28: {  	v4 =	vsel vm14, $0x103, v4;
	v9 =	vsel vm12, $0x201, v9;
	v10 =	vsel vm4, $0x382, v10  }
0x29: {  	v11 =	vsel vm4, $0x482, v11;
	v15 =	vsel vm4, $0x582, v15;
	v16 =	vsel vm4, $0x682, v16  }
0x2a: {  	v17 =	vsel vm4, $0x782, v17;
	v4 =	vsel vm10, $0x104, v4;
	v9 =	vsel vm13, $0x202, v9  }
0x2b: {  	v10 =	vsel vm3, $0x383, v10;
	v13 =	vsel vm3, $0x483, v11;
	v15 =	vsel vm3, $0x583, v15  }
0x2c: {  	v16 =	vsel vm3, $0x683, v16;
	v17 =	vsel vm3, $0x783, v17;
	v4 =	vsel vm9, $0x105, v4  }
0x2d: {  	v9 =	vsel vm14, $0x203, v9;
	v10 =	vsel vm2, $0x384, v10;
	v13 =	vsel vm2, $0x484, v13  }
0x2e: {  	v15 =	vsel vm2, $0x584, v15;
	v18 =	vsel vm2, $0x684, v16;
	v17 =	vsel vm2, $0x784, v17  }
0x2f: {  	v4 =	vsel vm8, $0x106, v4;
	v9 =	vsel vm10, $0x204, v9;
	v12 =	vsel vm1, $0x385, v10  }
0x30: {  	v13 =	vsel vm1, $0x485, v13;
	v15 =	vsel vm1, $0x585, v15;
	v18 =	vsel vm1, $0x685, v18  }
0x31: {  	s4 =	rddreg [dreg:$0x0];
	v19 =	vsel vm1, $0x785, v17;
	v4 =	vsel vm7, $0x107, v4;
	v9 =	vsel vm9, $0x205, v9  }
0x32: {  	s0 =	rddreg [dreg:$0x1];
	s1 =	simm.s32 $0x0;
	s3 =	srdreg.scid;
	v11 =	vsel vm15, $0x386, v12;
	v13 =	vsel vm15, $0x486, v13;
	v15 =	vsel vm15, $0x586, v15  }
0x33: {  	s2 =	stileid.u32;
	s9 =	simm.s32 $0x200;
	s10 =	simm.s32 $0xD00;
	v17 =	vsel vm15, $0x686, v18;
	v4 =	vsel vm6, $0x180, v4;
	v9 =	vsel vm8, $0x206, v9  }
0x34: {  	s11 =	simm.s32 $0x10;
	s12 =	simm.s32 $0x400;
	s13 =	simm.s32 $0x500;
	v19 =	vsel vm15, $0x786, v19;
	v7 =	vsel vm5, $0x181, v4;
	v9 =	vsel vm7, $0x207, v9  }
0x35: {  	s14 =	simm.s32 $0x1;
	s15 =	simm.s32 $0x480;
	s16 =	simm.s32 $0xD80;
	v4 =	vshrl.u32 v5, $0x3;
	v5 =	vand.u32 $0xFF, v6;
	v9 =	vsel vm6, $0x280, v9  }
0x36: {  	s17 =	simm.s32 $0xE00;
	s18 =	simm.s32 $0x0;
	s3 =	sand.u32 $0x1, s3;
	v7 =	vsel vm4, $0x182, v7;
	v6 =	vor.u32 $0x2, v4;
	v9 =	vsel vm5, $0x281, v9  }
0x37: {  	[smem:$0x7FF] =	sst s1;
	s5 =	sshll.u32 s2, $0x7;
	s6 =	sshll.u32 s3, $0x6;
	v8 =	vor.u32 $0x4, v4;
	v10 =	vor.u32 $0x6, v4;
	v9 =	vsel vm4, $0x282, v9  }
0x38: {  	s7 =	ssub.s32 $0x2, s3;
	_ =	strace $0x80000047;
	s5 =	sor.u32 s6, s5;
	v12 =	vor.u32 $0x8, v4;
	v7 =	vsel vm3, $0x183, v7;
	v9 =	vsel vm3, $0x283, v9  }
0x39: {  	s3 =	sadd.s32 $0x18AC00, s4;
	s31 =	sshrl.u32 s7, $0x1;
	s8 =	sadd.s32 s5, s4;
	v14 =	vor.u32 $0xA, v4;
	v7 =	vsel vm2, $0x184, v7;
	v9 =	vsel vm2, $0x284, v9  }
0x3a: {  	s7 =	ssub.s32 s7, s31;
	s4 =	sadd.s32 $0x3200, s8;
	s5 =	sadd.s32 $0x3A00, s8;
	v16 =	vor.u32 $0xC, v4;
	v7 =	vsel vm1, $0x185, v7;
	v9 =	vsel vm1, $0x285, v9  }
0x3b: {  	s6 =	sadd.s32 $0x4200, s8;
	s7 =	smax.u32 s7, $0x1;
	s8 =	simm.s32 $0x2;
	v18 =	vor.u32 $0xE, v4;
	v7 =	vsel vm15, $0x186, v7;
	v9 =	vsel vm15, $0x286, v9  }
.LBB2_1:
0x3c: {  	[tilespmem:s1], [sflag:$0x2] =	stream.linear.gather [hbm4b:s4+s1], $0x200, $0x38;
	[tilespmem:$0x1000] =	vst v63  }
0x3d: {  	_ =	swait.ge [sflag:s8], $0x200  }
0x3e: {  	[sflag:s8] =	ssyncset.done $0x0  }
0x3f: {  	[sflag:s8] =	ssyncadd.s32 $0xFFFFFE00  }
0x40: {  	[tilespmem:s9], [sflag:$0x2] =	stream.linear.gather [hbm4b:s5+s1], $0x200, $0x38;
	[tilespmem:$0x1000] =	vst v63  }
0x41: {  	_ =	swait.ge [sflag:s8], $0x200  }
0x42: {  	[sflag:s8] =	ssyncset.done $0x0  }
0x43: {  	s19 =	simm.s32 $0x0;
	[sflag:s8] =	ssyncadd.s32 $0xFFFFFE00  }
0x44: {  	v20 =	vld [tilespmem:s19+$0x0];
	_ =	sdelay $0x4  }
0x45: {  	v20 =	vmul.f32 $1.442695020e+00, v20;
	_ =	sdelay $0x1  }
0x46: {  	(erf) = vpow2.f32 v20;
	_ =	sdelay $0x8  }
0x47: {  	v20 =	vpop (erf)  }
0x48: {  	[tilespmem:$0xD00] =	vst v20  }
0x49: {  	v21 =	vld.idx.msk [tilespmem:v0+s10+$0x0], $0xffff;
	_ =	sdelay $0x4  }
0x4a: {  	v21 =	vadd.f32 v21, v20;
	_ =	sdelay $0x1  }
0x4b: {  	[tilespmem:$0xD00] =	vst v21  }
0x4c: {  	v22 =	vld.idx.msk [tilespmem:v1+s10+$0x0], $0xffff;
	_ =	sdelay $0x4  }
0x4d: {  	v21 =	vadd.f32 v22, v21;
	_ =	sdelay $0x1  }
0x4e: {  	[tilespmem:$0xD00] =	vst v21  }
0x4f: {  	v22 =	vld.idx.msk [tilespmem:v2+s10+$0x0], $0xffff;
	_ =	sdelay $0x4  }
0x50: {  	v21 =	vadd.f32 v22, v21;
	_ =	sdelay $0x1  }
0x51: {  	[tilespmem:$0xD00] =	vst v21  }
0x52: {  	v22 =	vld.idx.msk [tilespmem:v3+s10+$0x0], $0xffff;
	_ =	sdelay $0x4  }
0x53: {  	v21 =	vadd.f32 v22, v21;
	_ =	sdelay $0x1  }
0x54: {  	(erf) = vrcp.f32 v21;
	_ =	sdelay $0x8  }
0x55: {  	v21 =	vpop (erf)  }
0x56: {  	v20 =	vmul.f32 v21, v20;
	_ =	sdelay $0x1  }
0x57: {  	[tilespmem:$0xD00] =	vst v20  }
0x58: {  	v20 =	vld [tilespmem:s19+$0x200];
	_ =	sdelay $0x4  }
0x59: {  	v21 =	vshra.s32 v20, $0x4;
	v20 =	vshll.u32 v20, $0x3  }
0x5a: {  	[tilespmem:$0x400] =	vst v21;
	v20 =	vand.u32 $0x78, v20  }
0x5b: {  	[tilespmem:$0x480] =	vst v20  }
0x5c: {  	[tilespmem:s13], [sflag:$0x1] =	stream.indirect.gather [hbm4b:s3+s11], $0x80, s12, s11, $0xb8;
	[tilespmem:$0x1000] =	vst v63  }
0x5d: {  	_ =	swait.ge [sflag:s14], $0x800  }
0x5e: {  	[sflag:s14] =	ssyncset.done $0x0  }
0x5f: {  	[sflag:s14] =	ssyncadd.s32 $0xFFFFF800  }
0x60: {  	v20 =	vld.idx.msk [tilespmem:v4+s15+$0x0], $0xffff;
	_ =	sdelay $0x1  }
0x61: {  	v21 =	vld.idx.msk [tilespmem:v6+s15+$0x0], $0xffff  }
0x62: {  	v22 =	vld.idx.msk [tilespmem:v10+s15+$0x0], $0xffff  }
0x63: {  	v23 =	vld.idx.msk [tilespmem:v8+s15+$0x0], $0xffff  }
0x64: {  	v24 =	vld.idx.msk [tilespmem:v4+s10+$0x0], $0xffff;
	v20 =	vadd.s32 v5, v20  }
0x65: {  	v25 =	vld.idx.msk [tilespmem:v12+s15+$0x0], $0xffff  }
0x66: {  	v26 =	vld.idx.msk [tilespmem:v14+s15+$0x0], $0xffff;
	v21 =	vadd.s32 v7, v21  }
0x67: {  	v27 =	vld.idx.msk [tilespmem:v16+s15+$0x0], $0xffff  }
0x68: {  	v28 =	vld.idx.msk [tilespmem:v18+s15+$0x0], $0xffff;
	v23 =	vadd.s32 v9, v23  }
0x69: {  	v20 =	vld.idx.msk [tilespmem:v20+s13+$0x0], $0xffff  }
0x6a: {  	v29 =	vld.idx.msk [tilespmem:v6+s10+$0x0], $0xffff;
	v22 =	vadd.s32 v11, v22  }
0x6b: {  	v21 =	vld.idx.msk [tilespmem:v21+s13+$0x0], $0xffff  }
0x6c: {  	v30 =	vld.idx.msk [tilespmem:v8+s10+$0x0], $0xffff;
	v25 =	vadd.s32 v13, v25  }
0x6d: {  	v26 =	vadd.s32 v15, v26;
	v23 =	vld.idx.msk [tilespmem:v23+s13+$0x0], $0xffff  }
0x6e: {  	v31 =	vld.idx.msk [tilespmem:v10+s10+$0x0], $0xffff;
	v20 =	vmul.f32 v24, v20  }
0x6f: {  	v60 =	vadd.s32 v17, v27;
	v22 =	vld.idx.msk [tilespmem:v22+s13+$0x0], $0xffff  }
0x70: {  	v62 =	vld.idx.msk [tilespmem:v12+s10+$0x0], $0xffff;
	v21 =	vmul.f32 v29, v21;
	v20 =	vadd.f32 $0.0e+00, v20  }
0x71: {  	v25 =	vld.idx.msk [tilespmem:v25+s13+$0x0], $0xffff  }
0x72: {  	v61 =	vadd.s32 v19, v28;
	v26 =	vld.idx.msk [tilespmem:v26+s13+$0x0], $0xffff;
	v20 =	vadd.f32 v21, v20;
	v21 =	vmul.f32 v30, v23  }
0x73: {  	v23 =	vld.idx.msk [tilespmem:v14+s10+$0x0], $0xffff  }
0x74: {  	v24 =	vld.idx.msk [tilespmem:v60+s13+$0x0], $0xffff;
	v20 =	vadd.f32 v21, v20;
	v21 =	vmul.f32 v31, v22  }
0x75: {  	v22 =	vld.idx.msk [tilespmem:v16+s10+$0x0], $0xffff  }
0x76: {  	v63 =	vld.idx.msk [tilespmem:v18+s10+$0x0], $0xffff;
	v20 =	vadd.f32 v21, v20;
	v21 =	vmul.f32 v62, v25  }
0x77: {  	v27 =	vld.idx.msk [tilespmem:v61+s13+$0x0], $0xffff  }
0x78: {  	v20 =	vadd.f32 v21, v20;
	v21 =	vmul.f32 v23, v26;
	_ =	sdelay $0x1  }
0x79: {  	v20 =	vadd.f32 v21, v20;
	v21 =	vmul.f32 v22, v24;
	_ =	sdelay $0x1  }
0x7a: {  	v20 =	vadd.f32 v21, v20;
	v21 =	vmul.f32 v63, v27;
	_ =	sdelay $0x1  }
0x7b: {  	s20 =	simm.s32 $0x80;
	s22 =	simm.s32 $0x10;
	v20 =	vadd.f32 v21, v20  }
.LBB2_2:
0x7c: {  	_ = 	snop  }
0x7d: {  	p0 =	sne.s32 s20, $0x7C0;
	s21 =	smov.u32 s20;
	s20 =	sadd.s32 $0x40, s20;
	[tilespmem:$0xD80] =	vst v20  }
0x7e: {  	v21 =	vld [tilespmem:s22+$0x0]  }
0x7f: {  	v22 =	vld.idx.msk [tilespmem:v0+s16+$0x0], $0xffff;
	_ =	sdelay $0x3  }
0x80: {  	v21 =	vmul.f32 $1.442695020e+00, v21;
	_ =	sdelay $0x1  }
0x81: {  	v20 =	vadd.f32 v22, v20;
	(erf) = vpow2.f32 v21;
	_ =	sdelay $0x1  }
0x82: {  	[tilespmem:s19+$0xE00] =	vst v20;
	s19 =	smov.u32 s22;
	_ =	sdelay $0x6  }
0x83: {  	v20 =	vpop (erf)  }
0x84: {  	[tilespmem:$0xD00] =	vst v20  }
0x85: {  	v21 =	vld.idx.msk [tilespmem:v0+s10+$0x0], $0xffff;
	_ =	sdelay $0x5  }
0x86: {  	v21 =	vadd.f32 v21, v20;
	_ =	sdelay $0x1  }
0x87: {  	[tilespmem:$0xD00] =	vst v21  }
0x88: {  	v22 =	vld.idx.msk [tilespmem:v1+s10+$0x0], $0xffff;
	_ =	sdelay $0x5  }
0x89: {  	v21 =	vadd.f32 v22, v21;
	_ =	sdelay $0x1  }
0x8a: {  	[tilespmem:$0xD00] =	vst v21  }
0x8b: {  	v22 =	vld.idx.msk [tilespmem:v2+s10+$0x0], $0xffff;
	_ =	sdelay $0x5  }
0x8c: {  	v21 =	vadd.f32 v22, v21;
	_ =	sdelay $0x1  }
0x8d: {  	[tilespmem:$0xD00] =	vst v21  }
0x8e: {  	v22 =	vld.idx.msk [tilespmem:v3+s10+$0x0], $0xffff;
	_ =	sdelay $0x5  }
0x8f: {  	v21 =	vadd.f32 v22, v21;
	_ =	sdelay $0x1  }
0x90: {  	(erf) = vrcp.f32 v21;
	_ =	sdelay $0x8  }
0x91: {  	v21 =	vpop (erf)  }
0x92: {  	v20 =	vmul.f32 v21, v20;
	_ =	sdelay $0x1  }
0x93: {  	[tilespmem:$0xD00] =	vst v20  }
0x94: {  	v20 =	vld [tilespmem:s19+$0x200];
	_ =	sdelay $0x4  }
0x95: {  	v21 =	vshra.s32 v20, $0x4;
	v20 =	vshll.u32 v20, $0x3  }
0x96: {  	[tilespmem:$0x400] =	vst v21;
	v20 =	vand.u32 $0x78, v20  }
0x97: {  	[tilespmem:$0x480] =	vst v20  }
0x98: {  	[tilespmem:s13], [sflag:$0x1] =	stream.indirect.gather [hbm4b:s3+s11], $0x80, s12, s11, $0xb8;
	[tilespmem:$0x1000] =	vst v63  }
0x99: {  	_ =	swait.ge [sflag:s14], $0x800  }
0x9a: {  	[sflag:s14] =	ssyncset.done $0x0  }
0x9b: {  	[sflag:s14] =	ssyncadd.s32 $0xFFFFF800  }
0x9c: {  	v20 =	vld.idx.msk [tilespmem:v10+s15+$0x0], $0xffff  }
0x9d: {  	v21 =	vld.idx.msk [tilespmem:v8+s15+$0x0], $0xffff  }
0x9e: {  	v22 =	vld.idx.msk [tilespmem:v4+s15+$0x0], $0xffff  }
0x9f: {  	v23 =	vld.idx.msk [tilespmem:v4+s10+$0x0], $0xffff  }
0xa0: {  	v24 =	vld.idx.msk [tilespmem:v6+s15+$0x0], $0xffff  }
0xa1: {  	v25 =	vld.idx.msk [tilespmem:v12+s15+$0x0], $0xffff  }
0xa2: {  	v20 =	vadd.s32 v11, v20;
	v26 =	vld.idx.msk [tilespmem:v14+s15+$0x0], $0xffff  }
0xa3: {  	v21 =	vadd.s32 v9, v21;
	v27 =	vld.idx.msk [tilespmem:v16+s15+$0x0], $0xffff  }
0xa4: {  	v22 =	vadd.s32 v5, v22;
	v28 =	vld.idx.msk [tilespmem:v18+s15+$0x0], $0xffff  }
0xa5: {  	v29 =	vld.idx.msk [tilespmem:v10+s10+$0x0], $0xffff  }
0xa6: {  	v24 =	vadd.s32 v7, v24;
	v30 =	vld.idx.msk [tilespmem:v8+s10+$0x0], $0xffff  }
0xa7: {  	v25 =	vadd.s32 v13, v25;
	v20 =	vld.idx.msk [tilespmem:v20+s13+$0x0], $0xffff  }
0xa8: {  	v26 =	vadd.s32 v15, v26;
	v21 =	vld.idx.msk [tilespmem:v21+s13+$0x0], $0xffff  }
0xa9: {  	v27 =	vadd.s32 v17, v27;
	v22 =	vld.idx.msk [tilespmem:v22+s13+$0x0], $0xffff  }
0xaa: {  	v28 =	vadd.s32 v19, v28;
	v31 =	vld.idx.msk [tilespmem:v6+s10+$0x0], $0xffff  }
0xab: {  	v24 =	vld.idx.msk [tilespmem:v24+s13+$0x0], $0xffff  }
0xac: {  	v25 =	vld.idx.msk [tilespmem:v25+s13+$0x0], $0xffff  }
0xad: {  	v26 =	vld.idx.msk [tilespmem:v26+s13+$0x0], $0xffff  }
0xae: {  	v27 =	vld.idx.msk [tilespmem:v27+s13+$0x0], $0xffff  }
0xaf: {  	v22 =	vmul.f32 v23, v22;
	v23 =	vld.idx.msk [tilespmem:v28+s13+$0x0], $0xffff;
	_ =	sdelay $0x1  }
0xb0: {  	v22 =	vadd.f32 $0.0e+00, v22;
	v24 =	vmul.f32 v31, v24;
	v28 =	vld.idx.msk [tilespmem:v12+s10+$0x0], $0xffff;
	_ =	sdelay $0x1  }
0xb1: {  	v21 =	vmul.f32 v30, v21;
	v22 =	vadd.f32 v24, v22;
	v24 =	vld.idx.msk [tilespmem:v14+s10+$0x0], $0xffff;
	_ =	sdelay $0x1  }
0xb2: {  	v20 =	vmul.f32 v29, v20;
	v21 =	vadd.f32 v21, v22;
	v22 =	vld.idx.msk [tilespmem:v16+s10+$0x0], $0xffff;
	_ =	sdelay $0x1  }
0xb3: {  	v20 =	vadd.f32 v20, v21;
	v21 =	vmul.f32 v28, v25;
	v25 =	vld.idx.msk [tilespmem:v18+s10+$0x0], $0xffff;
	_ =	sdelay $0x1  }
0xb4: {  	v20 =	vadd.f32 v21, v20;
	v21 =	vmul.f32 v24, v26  }
0xb5: {  	s22 =	sshra.s32 s21, $0x2  }
.Ltmp0:
0xb6: {  	v20 =	vadd.f32 v21, v20;
	v21 =	vmul.f32 v22, v27;
	(pc) =	sbr.rel @p0 .LBB2_2-.Ltmp0, $3  }
0xb7: {  	_ = 	snop  }
0xb8: {  	v20 =	vadd.f32 v21, v20;
	v21 =	vmul.f32 v25, v23;
	_ =	sdelay $0x1  }
0xb9: {  	v20 =	vadd.f32 v21, v20  }
0xba: {  	_ = 	snop  }
0xbb: {  	[tilespmem:$0xD80] =	vst v20  }
0xbc: {  	v21 =	vld [tilespmem:s22+$0x0];
	_ =	sdelay $0x4  }
0xbd: {  	v21 =	vmul.f32 $1.442695020e+00, v21;
	_ =	sdelay $0x1  }
0xbe: {  	v44 =	vld.idx.msk [tilespmem:v0+s16+$0x0], $0xffff;
	(erf) = vpow2.f32 v21;
	_ =	sdelay $0x4  }
0xbf: {  	v20 =	vadd.f32 v44, v20;
	_ =	sdelay $0x3  }
0xc0: {  	[tilespmem:s19+$0xE00] =	vst v20;
	v20 =	vpop (erf)  }
0xc1: {  	[tilespmem:$0xD00] =	vst v20  }
0xc2: {  	v45 =	vld.idx.msk [tilespmem:v0+s10+$0x0], $0xffff;
	_ =	sdelay $0x4  }
0xc3: {  	v21 =	vadd.f32 v45, v20;
	_ =	sdelay $0x1  }
0xc4: {  	[tilespmem:$0xD00] =	vst v21  }
0xc5: {  	v22 =	vld.idx.msk [tilespmem:v1+s10+$0x0], $0xffff;
	_ =	sdelay $0x4  }
0xc6: {  	v21 =	vadd.f32 v22, v21;
	_ =	sdelay $0x1  }
0xc7: {  	[tilespmem:$0xD00] =	vst v21  }
0xc8: {  	v46 =	vld.idx.msk [tilespmem:v2+s10+$0x0], $0xffff;
	_ =	sdelay $0x4  }
0xc9: {  	v21 =	vadd.f32 v46, v21;
	_ =	sdelay $0x1  }
0xca: {  	[tilespmem:$0xD00] =	vst v21  }
0xcb: {  	v47 =	vld.idx.msk [tilespmem:v3+s10+$0x0], $0xffff;
	_ =	sdelay $0x4  }
0xcc: {  	v21 =	vadd.f32 v47, v21;
	_ =	sdelay $0x1  }
0xcd: {  	(erf) = vrcp.f32 v21;
	_ =	sdelay $0x8  }
0xce: {  	v21 =	vpop (erf)  }
0xcf: {  	v20 =	vmul.f32 v21, v20;
	_ =	sdelay $0x1  }
0xd0: {  	[tilespmem:$0xD00] =	vst v20  }
0xd1: {  	v20 =	vld [tilespmem:s22+$0x200];
	_ =	sdelay $0x4  }
0xd2: {  	v48 =	vshra.s32 v20, $0x4;
	v20 =	vshll.u32 v20, $0x3  }
0xd3: {  	[tilespmem:$0x400] =	vst v48;
	v20 =	vand.u32 $0x78, v20  }
0xd4: {  	[tilespmem:$0x480] =	vst v20  }
0xd5: {  	[tilespmem:s13], [sflag:$0x1] =	stream.indirect.gather [hbm4b:s3+s11], $0x80, s12, s11, $0xb8;
	[tilespmem:$0x1000] =	vst v63  }
0xd6: {  	_ =	swait.ge [sflag:s14], $0x800  }
0xd7: {  	[sflag:s14] =	ssyncset.done $0x0  }
0xd8: {  	[sflag:s14] =	ssyncadd.s32 $0xFFFFF800  }
0xd9: {  	v20 =	vld.idx.msk [tilespmem:v4+s15+$0x0], $0xffff;
	_ =	sdelay $0x1  }
0xda: {  	v49 =	vld.idx.msk [tilespmem:v6+s15+$0x0], $0xffff  }
0xdb: {  	v50 =	vld.idx.msk [tilespmem:v10+s15+$0x0], $0xffff  }
0xdc: {  	v23 =	vld.idx.msk [tilespmem:v8+s15+$0x0], $0xffff  }
0xdd: {  	v24 =	vld.idx.msk [tilespmem:v4+s10+$0x0], $0xffff;
	v20 =	vadd.s32 v5, v20  }
0xde: {  	v25 =	vld.idx.msk [tilespmem:v12+s15+$0x0], $0xffff  }
0xdf: {  	v26 =	vld.idx.msk [tilespmem:v14+s15+$0x0], $0xffff;
	v21 =	vadd.s32 v7, v49  }
0xe0: {  	v27 =	vld.idx.msk [tilespmem:v16+s15+$0x0], $0xffff  }
0xe1: {  	v28 =	vld.idx.msk [tilespmem:v18+s15+$0x0], $0xffff;
	v23 =	vadd.s32 v9, v23  }
0xe2: {  	v20 =	vld.idx.msk [tilespmem:v20+s13+$0x0], $0xffff  }
0xe3: {  	v29 =	vld.idx.msk [tilespmem:v6+s10+$0x0], $0xffff;
	v22 =	vadd.s32 v11, v50  }
0xe4: {  	v21 =	vld.idx.msk [tilespmem:v21+s13+$0x0], $0xffff  }
0xe5: {  	v30 =	vld.idx.msk [tilespmem:v8+s10+$0x0], $0xffff;
	v25 =	vadd.s32 v13, v25  }
0xe6: {  	v23 =	vld.idx.msk [tilespmem:v23+s13+$0x0], $0xffff  }
0xe7: {  	v31 =	vld.idx.msk [tilespmem:v10+s10+$0x0], $0xffff;
	v26 =	vadd.s32 v15, v26;
	v20 =	vmul.f32 v24, v20  }
0xe8: {  	v22 =	vld.idx.msk [tilespmem:v22+s13+$0x0], $0xffff  }
0xe9: {  	v53 =	vld.idx.msk [tilespmem:v12+s10+$0x0], $0xffff;
	v51 =	vadd.s32 v17, v27;
	v21 =	vmul.f32 v29, v21;
	v20 =	vadd.f32 $0.0e+00, v20  }
0xea: {  	v25 =	vld.idx.msk [tilespmem:v25+s13+$0x0], $0xffff  }
0xeb: {  	v55 =	vld.idx.msk [tilespmem:v14+s10+$0x0], $0xffff;
	v52 =	vadd.s32 v19, v28;
	v54 =	vmul.f32 v30, v23;
	v20 =	vadd.f32 v21, v20  }
0xec: {  	v26 =	vld.idx.msk [tilespmem:v26+s13+$0x0], $0xffff  }
0xed: {  	v57 =	vld.idx.msk [tilespmem:v16+s10+$0x0], $0xffff;
	v56 =	vmul.f32 v31, v22;
	v20 =	vadd.f32 v54, v20  }
0xee: {  	v24 =	vld.idx.msk [tilespmem:v51+s13+$0x0], $0xffff  }
0xef: {  	v59 =	vld.idx.msk [tilespmem:v18+s10+$0x0], $0xffff;
	v58 =	vmul.f32 v53, v25;
	v20 =	vadd.f32 v56, v20  }
0xf0: {  	v27 =	vld.idx.msk [tilespmem:v52+s13+$0x0], $0xffff  }
0xf1: {  	v60 =	vmul.f32 v55, v26;
	v20 =	vadd.f32 v58, v20;
	_ =	sdelay $0x1  }
0xf2: {  	v61 =	vmul.f32 v57, v24;
	v20 =	vadd.f32 v60, v20;
	_ =	sdelay $0x1  }
0xf3: {  	v62 =	vmul.f32 v59, v27;
	v20 =	vadd.f32 v61, v20;
	_ =	sdelay $0x1  }
0xf4: {  	v20 =	vadd.f32 v62, v20;
	_ =	sdelay $0x1  }
0xf5: {  	[tilespmem:$0xD80] =	vst v20  }
0xf6: {  	v63 =	vld.idx.msk [tilespmem:v0+s16+$0x0], $0xffff;
	_ =	sdelay $0x4  }
0xf7: {  	s18 =	sadd.s32 $0x1, s18;
	v20 =	vadd.f32 v63, v20  }
0xf8: {  	p0 =	sne.s32 s18, s7  }
.Ltmp1:
0xf9: {  	[tilespmem:s22+$0xE00] =	vst v20;
	(pc) =	sbr.rel @p0 .LBB2_1-.Ltmp1, $4  }
0xfa: {  	[hbm4b:s6+s1] =	stream.linear.scatter [tilespmem:s17], [sflag:$0x2], $0x200, $0x38;
	[tilespmem:$0x1000] =	vst v63  }
0xfb: {  	_ =	swait.ge [sflag:s8], $0x200  }
0xfc: {  	[sflag:s8] =	ssyncset.done $0x0  }
0xfd: {  	[sflag:s8] =	ssyncadd.s32 $0xFFFFFE00  }
0xfe: {  	_ =	sfence.sel $0x180000  }
0xff: {  	[bflag:$0x0] =	sbarrier.arrive $0xFFFF  }
0x100: {  	p0 =	sne.s32 s2, $0x0;
	_ =	strace $0x90000047  }
0x101: {  	s0 =	sadd.s32 @!p0 $0x100000, s0;
	[bflag:$0x2] =	sbarrier.arrive $0xFFFF  }
0x102: {  	[sflag:s0] =	ssyncadd.tile.s32 @!p0 $0x1;
	_ =	shalt  }
.Lfunc_end2:
_tile_overlayer_lowered:
.L_overlay_start_2:
0x103: {  	(tag) =	ssettag $0x2  }
0x104: {  	s0 =	rddreg [dreg:$0x0];
	s2 =	stileid.u32  }
0x105: {  	s1 =	rddreg [dreg:$0x1];
	p0 =	sne.s32 s2, $0x0  }
0x106: {  	s3 =	rddreg [dreg:$0x2];
	[bflag:$0x3] =	sbarrier.arrive $0xFFFF;
	s2 =	simm.s32 @!p0 $0x1C02  }
0x107: {  	[timem:s3], [sflag:s2] =	dma.local @!p0 [hbm:s0], s1  }
0x108: {  	s0 =	simm.s32 @!p0 $0x2  }
0x109: {  	_ =	swait.ge @!p0 [sflag:s0], s1  }
0x10a: {  	s1 =	ssub.s32 @!p0 $0x0, s1;
	[sflag:s0] =	ssyncset.done @!p0 $0x0  }
0x10b: {  	[sflag:s0] =	ssyncadd.s32 @!p0 s1  }
0x10c: {  	[bflag:$0x3] =	sbarrier.arrive $0xFFFF  }
0x10d: {  	_ =	shalt  }

</sc_bundles>
